<compile_context>
chip_gen: v7x
topology: tpu7x:2x2x1
jax: 0.10.2.dev20260603
libtpu: 0.0.44.dev20260713+nightly
codegen_flags: <defaults>
</compile_context>

<pallas_src>
import functools

import jax
import jax.numpy as jnp
from jax import lax
from jax.experimental import pallas as pl
from jax.experimental.pallas import tpu as pltpu
from jax.experimental.pallas import tpu_sc as plsc

BATCH = 16384
EMBED = 64
HID = 32

NC = 2
NS = 16
LANES = 16
NW = NC * NS
ROWS_PER_W = BATCH // NW
KCH = 256
NCH = ROWS_PER_W // KCH

CB2 = 16384
CB2_SHIFT = 14


def _tc_pack_transpose(tabT):
    n = tabT.shape[1]
    nblk = -(-n // (2 * CB2))

    def body(a_ref, b_ref, out_ref):
        ap = pltpu.bitcast(a_ref[...].T.astype(jnp.bfloat16), jnp.float32)
        bp = pltpu.bitcast(b_ref[...].T.astype(jnp.bfloat16), jnp.float32)
        out_ref[...] = jnp.concatenate([ap, bp], axis=1)

    last = (n - 1) // CB2
    return pl.pallas_call(
        body,
        grid=(nblk,),
        in_specs=[
            pl.BlockSpec((EMBED, CB2), lambda i: (0, 2 * i)),
            pl.BlockSpec((EMBED, CB2),
                         lambda i, last=last: (0, jnp.minimum(2 * i + 1, last))),
        ],
        out_specs=pl.BlockSpec((CB2 // 2, 2 * EMBED), lambda i: (i, 0)),
        out_shape=jax.ShapeDtypeStruct((nblk * CB2 // 2, 2 * EMBED),
                                       jnp.float32),
    )(tabT, tabT)


def _packed_row(v):
    chunk = v >> CB2_SHIFT
    return ((chunk >> 1) << (CB2_SHIFT - 1)) + ((v & (CB2 - 1)) >> 1)


def _sc_gather(pk, ids):
    mesh = plsc.VectorSubcoreMesh(core_axis_name="c", subcore_axis_name="s")

    @functools.partial(
        pl.kernel,
        mesh=mesh,
        out_type=jax.ShapeDtypeStruct((BATCH, 2 * EMBED), jnp.float32),
        scratch_types=[
            pltpu.VMEM((ROWS_PER_W,), jnp.int32),
            pltpu.VMEM((KCH, 2 * EMBED), jnp.float32),
            pltpu.VMEM((KCH, 2 * EMBED), jnp.float32),
            pltpu.SemaphoreType.DMA,
            pltpu.SemaphoreType.DMA,
        ],
    )
    def gather_kernel(pk_hbm, id_hbm, out_hbm, idx_v, buf0, buf1, sem0, sem1):
        wid = lax.axis_index("s") * NC + lax.axis_index("c")
        base = wid * ROWS_PER_W
        pltpu.sync_copy(id_hbm.at[pl.ds(base, ROWS_PER_W)], idx_v)
        bufs = (buf0, buf1)
        sems = (sem0, sem1)

        def fire(c):
            def body(j, carry, c=c):
                off = c * KCH + j * LANES
                vec = _packed_row(idx_v[pl.ds(off, LANES)])
                for k in range(LANES):
                    pltpu.async_copy(pk_hbm.at[vec[k]],
                                     bufs[c % 2].at[j * LANES + k],
                                     sems[c % 2])
                return carry

            lax.fori_loop(0, KCH // LANES, body, 0)

        def drain_store(c):
            pltpu.make_async_copy(out_hbm.at[pl.ds(0, KCH)], bufs[c % 2],
                                  sems[c % 2]).wait()
            pltpu.sync_copy(bufs[c % 2], out_hbm.at[pl.ds(base + c * KCH, KCH)])

        fire(0)
        for c in range(NCH):
            if c + 1 < NCH:
                fire(c + 1)
            drain_store(c)

    return gather_kernel(pk, ids)


def _mlp_body(gu_ref, ga_ref, uid_ref, aid_ref,
              w1u_ref, b1u_ref, w2u_ref, b2u_ref,
              w1a_ref, b1a_ref, w2a_ref, b2a_ref, out_ref):
    def unpack(g, ids):
        p = ((ids >> CB2_SHIFT) & 1) == 1
        w = jnp.where(p, g[:, EMBED:], g[:, :EMBED])
        wi = lax.bitcast_convert_type(w, jnp.int32)
        lo = lax.bitcast_convert_type(wi << 16, jnp.float32)
        hi = lax.bitcast_convert_type(wi & jnp.int32(-65536), jnp.float32)
        q = (ids & 1) == 1
        return jnp.where(q, hi, lo)

    eu = unpack(gu_ref[...], uid_ref[...])
    ea = unpack(ga_ref[...], aid_ref[...])
    u = jnp.dot(eu, w1u_ref[...], preferred_element_type=jnp.float32)
    u = jnp.maximum(u + b1u_ref[...], 0.0)
    u = jnp.dot(u, w2u_ref[...], preferred_element_type=jnp.float32)
    u = jnp.maximum(u + b2u_ref[...], 0.0)
    a = jnp.dot(ea, w1a_ref[...], preferred_element_type=jnp.float32)
    a = jnp.maximum(a + b1a_ref[...], 0.0)
    a = jnp.dot(a, w2a_ref[...], preferred_element_type=jnp.float32)
    a = jnp.maximum(a + b2a_ref[...], 0.0)
    out_ref[...] = jnp.sum(u * a, axis=1)


def _tc_mlp(gu, ga, uids, aids, W1u, b1u, W2u, b2u, W1a, b1a, W2a, b2a):
    BLK = 4096
    grid = BATCH // BLK
    espec = pl.BlockSpec((BLK, 2 * EMBED), lambda i: (i, 0))
    ispec = pl.BlockSpec((BLK, 1), lambda i: (i, 0))
    wspec = pl.BlockSpec((EMBED, HID), lambda i: (0, 0))
    w2spec = pl.BlockSpec((HID, HID), lambda i: (0, 0))
    bspec = pl.BlockSpec((1, HID), lambda i: (0, 0))
    return pl.pallas_call(
        _mlp_body,
        grid=(grid,),
        in_specs=[espec, espec, ispec, ispec,
                  wspec, bspec, w2spec, bspec,
                  wspec, bspec, w2spec, bspec],
        out_specs=pl.BlockSpec((BLK,), lambda i: (i,)),
        out_shape=jax.ShapeDtypeStruct((BATCH,), jnp.float32),
    )(gu, ga, uids.reshape(BATCH, 1), aids.reshape(BATCH, 1),
      W1u.T, b1u.reshape(1, HID), W2u.T, b2u.reshape(1, HID),
      W1a.T, b1a.reshape(1, HID), W2a.T, b2a.reshape(1, HID))


def kernel(user_ids, anime_ids, user_table, anime_table,
           W1u, b1u, W2u, b2u, W1a, b1a, W2a, b2a):
    uids = user_ids.astype(jnp.int32)
    aids = anime_ids.astype(jnp.int32)
    apk = _tc_pack_transpose(anime_table.T)
    ga = _sc_gather(apk, aids)
    upk = _tc_pack_transpose(user_table.T)
    gu = _sc_gather(upk, uids)
    return _tc_mlp(gu, ga, uids, aids,
                   W1u, b1u, W2u, b2u, W1a, b1a, W2a, b2a)

# --- scband reference (transcript-rebuilt; emitter-appended) ---
"""Pipeline reference for scband-two-tower-nnmodel-26036091748912 (READ-ONLY COPY).

The authoritative reference and input builder live on the scoring server;
editing this copy changes nothing except your own understanding.
"""

import jax, jax.numpy as jnp
import numpy as np

NUM_USERS = 1000000
NUM_ANIMES = 100000
EMBED_DIM = 64
HIDDEN_DIM = 32
BATCH = 16384


def setup_inputs(seed: int = 0) -> dict:
    key = jax.random.key(seed)
    ks = jax.random.split(key, 12)
    user_ids = jax.random.randint(ks[0], (BATCH,), 0, NUM_USERS, dtype=jnp.int64 if jax.config.jax_enable_x64 else jnp.int32)
    anime_ids = jax.random.randint(ks[1], (BATCH,), 0, NUM_ANIMES, dtype=jnp.int64 if jax.config.jax_enable_x64 else jnp.int32)
    user_table = jax.random.normal(ks[2], (NUM_USERS, EMBED_DIM), dtype=jnp.float32) * 0.02
    anime_table = jax.random.normal(ks[3], (NUM_ANIMES, EMBED_DIM), dtype=jnp.float32) * 0.02
    W1u = jax.random.normal(ks[4], (HIDDEN_DIM, EMBED_DIM), dtype=jnp.float32) * (1.0 / np.sqrt(EMBED_DIM))
    b1u = jnp.zeros((HIDDEN_DIM,), dtype=jnp.float32)
    W2u = jax.random.normal(ks[5], (HIDDEN_DIM, HIDDEN_DIM), dtype=jnp.float32) * (1.0 / np.sqrt(HIDDEN_DIM))
    b2u = jnp.zeros((HIDDEN_DIM,), dtype=jnp.float32)
    W1a = jax.random.normal(ks[6], (HIDDEN_DIM, EMBED_DIM), dtype=jnp.float32) * (1.0 / np.sqrt(EMBED_DIM))
    b1a = jnp.zeros((HIDDEN_DIM,), dtype=jnp.float32)
    W2a = jax.random.normal(ks[7], (HIDDEN_DIM, HIDDEN_DIM), dtype=jnp.float32) * (1.0 / np.sqrt(HIDDEN_DIM))
    b2a = jnp.zeros((HIDDEN_DIM,), dtype=jnp.float32)
    return {
        "user_ids": user_ids,
        "anime_ids": anime_ids,
        "user_table": user_table,
        "anime_table": anime_table,
        "W1u": W1u, "b1u": b1u, "W2u": W2u, "b2u": b2u,
        "W1a": W1a, "b1a": b1a, "W2a": W2a, "b2a": b2a,
    }


def reference(user_ids, anime_ids, user_table, anime_table,
              W1u, b1u, W2u, b2u, W1a, b1a, W2a, b2a):
    user_embeds = jnp.take(user_table, user_ids, axis=0)
    anime_embeds = jnp.take(anime_table, anime_ids, axis=0)
    u = jax.nn.relu(user_embeds @ W1u.T + b1u)
    u = jax.nn.relu(u @ W2u.T + b2u)
    a = jax.nn.relu(anime_embeds @ W1a.T + b1a)
    a = jax.nn.relu(a @ W2a.T + b2a)
    similarity_score = (u * a).sum(axis=1)
    return similarity_score

if __name__ == "__main__":
    import jax
    _d = setup_inputs()
    print(jax.jit(kernel)(*tuple(_d.values())))

</pallas_src>

<mosaic_0001>
#map = affine_map<(d0, d1) -> (0, 0)>
#map1 = affine_map<(d0, d1) -> (0)>
module attributes {stable_mosaic.version = 14 : i64} {
  func.func @gather_kernel(%arg0: i32, %arg1: i32, %arg2: memref<253952x128xf32, #tpu.memory_space<hbm>>, %arg3: memref<16384xi32, #tpu.memory_space<hbm>>, %arg4: memref<16384x128xf32, #tpu.memory_space<hbm>>, %arg5: memref<512xi32, #tpu.memory_space<vmem>>, %arg6: memref<256x128xf32, #tpu.memory_space<vmem>>, %arg7: memref<256x128xf32, #tpu.memory_space<vmem>>, %arg8: memref<!tpu.dma_semaphore, #tpu.memory_space<semaphore_mem>>, %arg9: memref<!tpu.dma_semaphore, #tpu.memory_space<semaphore_mem>>) attributes {dimension_semantics = [#tpu.dimension_semantics<core_parallel>, #tpu.dimension_semantics<subcore_parallel>], iteration_bounds = array<i64: 2, 16>, scalar_prefetch = 0 : i64, scratch_operands = 5 : i64, tpu.core_type = #tpu.core_type<sc_vector_subcore>, window_params = [{transform_indices = #map}, {transform_indices = #map1}, {transform_indices = #map}]} {
    %mul3A = arith.constant 2 : i32
    %mul3A_0 = arith.muli %arg1, %mul3A : i32
    %add3A = arith.addi %mul3A_0, %arg0 : i32
    %mul3A_1 = arith.constant 512 : i32
    %mul3A_2 = arith.muli %add3A, %mul3A_1 : i32
    "tpu.region"() ({
      %run_scoped3A = tpu.sem_alloc : memref<!tpu.dma_semaphore, #tpu.memory_space<semaphore_mem>>
      %dma_start3A = tpu.memref_slice %arg3[%mul3A_2] : memref<16384xi32, #tpu.memory_space<hbm>> -> memref<512xi32, #tpu.memory_space<hbm>>
      %dma_start3A_29 = tpu.memref_slice %arg3[%mul3A_2] : memref<16384xi32, #tpu.memory_space<hbm>> -> memref<512xi32, #tpu.memory_space<hbm>>
      tpu.enqueue_dma source(%dma_start3A_29 : memref<512xi32, #tpu.memory_space<hbm>>) target(%arg5 : memref<512xi32, #tpu.memory_space<vmem>>) target_semaphore(%run_scoped3A : memref<!tpu.dma_semaphore, #tpu.memory_space<semaphore_mem>>)
      %dma_wait3A_30 = tpu.memref_slice %arg3[%mul3A_2] : memref<16384xi32, #tpu.memory_space<hbm>> -> memref<512xi32, #tpu.memory_space<hbm>>
      %dma_wait3A_31 = tpu.memref_slice %arg3[%mul3A_2] : memref<16384xi32, #tpu.memory_space<hbm>> -> memref<512xi32, #tpu.memory_space<hbm>>
      tpu.wait_dma2 semaphore(%run_scoped3A : memref<!tpu.dma_semaphore, #tpu.memory_space<semaphore_mem>>) src(%dma_wait3A_31 : memref<512xi32, #tpu.memory_space<hbm>>) dst(%arg5 : memref<512xi32, #tpu.memory_space<vmem>>)
      tpu.yield
    }) : () -> ()
    %scan3A = arith.constant 0 : i32
    %scan3A_3 = arith.constant 0 : i32
    %scan3A_4 = arith.constant 16 : i32
    %scan3A_5 = arith.addi %scan3A_3, %scan3A_4 : i32
    %scan3A_6 = arith.constant 1 : i32
    scf.for %scan3A_29 = %scan3A_3 to %scan3A_5 step %scan3A_6  : i32 {
      %mul3A_30 = arith.constant 16 : i32
      %mul3A_31 = arith.muli %scan3A_29, %mul3A_30 : i32
      %add3A_32 = arith.constant 0 : i32
      %add3A_33 = arith.addi %add3A_32, %mul3A_31 : i32
      %get3A = arith.index_cast %add3A_33 : i32 to index
      %get3A_34 = tpu.vector_load %arg5[%get3A] {strides = array<i32>} : memref<512xi32, #tpu.memory_space<vmem>>, vector<16xi32>,
      %get3A_35 = vector.shape_cast %get3A_34 : vector<16xi32> to vector<16xi32>
      %shift_right_arithmetic3A = arith.constant 14 : i32
      %shift_right_arithmetic3A_36 = vector.broadcast %shift_right_arithmetic3A : i32 to vector<16xi32>
      %shift_right_arithmetic3A_37 = arith.shrsi %get3A_35, %shift_right_arithmetic3A_36 : vector<16xi32>
      %shift_right_arithmetic3A_38 = arith.constant 1 : i32
      %shift_right_arithmetic3A_39 = vector.broadcast %shift_right_arithmetic3A_38 : i32 to vector<16xi32>
      %shift_right_arithmetic3A_40 = arith.shrsi %shift_right_arithmetic3A_37, %shift_right_arithmetic3A_39 : vector<16xi32>
      %shift_left3A = arith.constant 13 : i32
      %shift_left3A_41 = vector.broadcast %shift_left3A : i32 to vector<16xi32>
      %shift_left3A_42 = arith.shli %shift_right_arithmetic3A_40, %shift_left3A_41 : vector<16xi32>
      %and3A = arith.constant 16383 : i32
      %and3A_43 = vector.broadcast %and3A : i32 to vector<16xi32>
      %and3A_44 = arith.andi %get3A_35, %and3A_43 : vector<16xi32>
      %shift_right_arithmetic3A_45 = arith.constant 1 : i32
      %shift_right_arithmetic3A_46 = vector.broadcast %shift_right_arithmetic3A_45 : i32 to vector<16xi32>
      %shift_right_arithmetic3A_47 = arith.shrsi %and3A_44, %shift_right_arithmetic3A_46 : vector<16xi32>
      %add3A_48 = arith.addi %shift_left3A_42, %shift_right_arithmetic3A_47 : vector<16xi32>
      %slice3A = vector.extract_strided_slice %add3A_48 {offsets = [0], sizes = [1], strides = [1]} : vector<16xi32> to vector<1xi32>
      %squeeze3A = vector.extract %slice3A[0] : i32 from vector<1xi32>
      %mul3A_49 = arith.constant 16 : i32
      %mul3A_50 = arith.muli %scan3A_29, %mul3A_49 : i32
      %add3A_51 = arith.constant 0 : i32
      %add3A_52 = arith.addi %mul3A_50, %add3A_51 : i32
      %dma_start3A = arith.constant 0 : i32
      %dma_start3A_53 = tpu.memref_slice %arg6[%add3A_52, %dma_start3A] : memref<256x128xf32, #tpu.memory_space<vmem>> -> memref<1x128xf32, #tpu.memory_space<vmem>>
      %dma_start3A_54 = tpu.memref_squeeze %dma_start3A_53 : memref<1x128xf32, #tpu.memory_space<vmem>> -> memref<128xf32, #tpu.memory_space<vmem>>
      %dma_start3A_55 = arith.constant 0 : i32
      %dma_start3A_56 = tpu.memref_slice %arg2[%squeeze3A, %dma_start3A_55] : memref<253952x128xf32, #tpu.memory_space<hbm>> -> memref<1x128xf32, #tpu.memory_space<hbm>>
      %dma_start3A_57 = tpu.memref_squeeze %dma_start3A_56 : memref<1x128xf32, #tpu.memory_space<hbm>> -> memref<128xf32, #tpu.memory_space<hbm>>
      %dma_start3A_58 = arith.constant 0 : i32
      %dma_start3A_59 = tpu.memref_slice %arg6[%add3A_52, %dma_start3A_58] : memref<256x128xf32, #tpu.memory_space<vmem>> -> memref<1x128xf32, #tpu.memory_space<vmem>>
      %dma_start3A_60 = tpu.memref_squeeze %dma_start3A_59 : memref<1x128xf32, #tpu.memory_space<vmem>> -> memref<128xf32, #tpu.memory_space<vmem>>
      %dma_start3A_61 = arith.constant 0 : i32
      %dma_start3A_62 = tpu.memref_slice %arg2[%squeeze3A, %dma_start3A_61] : memref<253952x128xf32, #tpu.memory_space<hbm>> -> memref<1x128xf32, #tpu.memory_space<hbm>>
      %dma_start3A_63 = tpu.memref_squeeze %dma_start3A_62 : memref<1x128xf32, #tpu.memory_space<hbm>> -> memref<128xf32, #tpu.memory_space<hbm>>
      tpu.enqueue_dma source(%dma_start3A_63 : memref<128xf32, #tpu.memory_space<hbm>>) target(%dma_start3A_60 : memref<128xf32, #tpu.memory_space<vmem>>) target_semaphore(%arg8 : memref<!tpu.dma_semaphore, #tpu.memory_space<semaphore_mem>>)
      %slice3A_64 = vector.extract_strided_slice %add3A_48 {offsets = [1], sizes = [1], strides = [1]} : vector<16xi32> to vector<1xi32>
      %squeeze3A_65 = vector.extract %slice3A_64[0] : i32 from vector<1xi32>
      %mul3A_66 = arith.constant 16 : i32
      %mul3A_67 = arith.muli %scan3A_29, %mul3A_66 : i32
      %add3A_68 = arith.constant 1 : i32
      %add3A_69 = arith.addi %mul3A_67, %add3A_68 : i32
      %dma_start3A_70 = arith.constant 0 : i32
      %dma_start3A_71 = tpu.memref_slice %arg6[%add3A_69, %dma_start3A_70] : memref<256x128xf32, #tpu.memory_space<vmem>> -> memref<1x128xf32, #tpu.memory_space<vmem>>
      %dma_start3A_72 = tpu.memref_squeeze %dma_start3A_71 : memref<1x128xf32, #tpu.memory_space<vmem>> -> memref<128xf32, #tpu.memory_space<vmem>>
      %dma_start3A_73 = arith.constant 0 : i32
      %dma_start3A_74 = tpu.memref_slice %arg2[%squeeze3A_65, %dma_start3A_73] : memref<253952x128xf32, #tpu.memory_space<hbm>> -> memref<1x128xf32, #tpu.memory_space<hbm>>
      %dma_start3A_75 = tpu.memref_squeeze %dma_start3A_74 : memref<1x128xf32, #tpu.memory_space<hbm>> -> memref<128xf32, #tpu.memory_space<hbm>>
      %dma_start3A_76 = arith.constant 0 : i32
      %dma_start3A_77 = tpu.memref_slice %arg6[%add3A_69, %dma_start3A_76] : memref<256x128xf32, #tpu.memory_space<vmem>> -> memref<1x128xf32, #tpu.memory_space<vmem>>
      %dma_start3A_78 = tpu.memref_squeeze %dma_start3A_77 : memref<1x128xf32, #tpu.memory_space<vmem>> -> memref<128xf32, #tpu.memory_space<vmem>>
      %dma_start3A_79 = arith.constant 0 : i32
      %dma_start3A_80 = tpu.memref_slice %arg2[%squeeze3A_65, %dma_start3A_79] : memref<253952x128xf32, #tpu.memory_space<hbm>> -> memref<1x128xf32, #tpu.memory_space<hbm>>
      %dma_start3A_81 = tpu.memref_squeeze %dma_start3A_80 : memref<1x128xf32, #tpu.memory_space<hbm>> -> memref<128xf32, #tpu.memory_space<hbm>>
      tpu.enqueue_dma source(%dma_start3A_81 : memref<128xf32, #tpu.memory_space<hbm>>) target(%dma_start3A_78 : memref<128xf32, #tpu.memory_space<vmem>>) target_semaphore(%arg8 : memref<!tpu.dma_semaphore, #tpu.memory_space<semaphore_mem>>)
      %slice3A_82 = vector.extract_strided_slice %add3A_48 {offsets = [2], sizes = [1], strides = [1]} : vector<16xi32> to vector<1xi32>
      %squeeze3A_83 = vector.extract %slice3A_82[0] : i32 from vector<1xi32>
      %mul3A_84 = arith.constant 16 : i32
      %mul3A_85 = arith.muli %scan3A_29, %mul3A_84 : i32
      %add3A_86 = arith.constant 2 : i32
      %add3A_87 = arith.addi %mul3A_85, %add3A_86 : i32
      %dma_start3A_88 = arith.constant 0 : i32
      %dma_start3A_89 = tpu.memref_slice %arg6[%add3A_87, %dma_start3A_88] : memref<256x128xf32, #tpu.memory_space<vmem>> -> memref<1x128xf32, #tpu.memory_space<vmem>>
      %dma_start3A_90 = tpu.memref_squeeze %dma_start3A_89 : memref<1x128xf32, #tpu.memory_space<vmem>> -> memref<128xf32, #tpu.memory_space<vmem>>
      %dma_start3A_91 = arith.constant 0 : i32
      %dma_start3A_92 = tpu.memref_slice %arg2[%squeeze3A_83, %dma_start3A_91] : memref<253952x128xf32, #tpu.memory_space<hbm>> -> memref<1x128xf32, #tpu.memory_space<hbm>>
      %dma_start3A_93 = tpu.memref_squeeze %dma_start3A_92 : memref<1x128xf32, #tpu.memory_space<hbm>> -> memref<128xf32, #tpu.memory_space<hbm>>
      %dma_start3A_94 = arith.constant 0 : i32
      %dma_start3A_95 = tpu.memref_slice %arg6[%add3A_87, %dma_start3A_94] : memref<256x128xf32, #tpu.memory_space<vmem>> -> memref<1x128xf32, #tpu.memory_space<vmem>>
      %dma_start3A_96 = tpu.memref_squeeze %dma_start3A_95 : memref<1x128xf32, #tpu.memory_space<vmem>> -> memref<128xf32, #tpu.memory_space<vmem>>
      %dma_start3A_97 = arith.constant 0 : i32
      %dma_start3A_98 = tpu.memref_slice %arg2[%squeeze3A_83, %dma_start3A_97] : memref<253952x128xf32, #tpu.memory_space<hbm>> -> memref<1x128xf32, #tpu.memory_space<hbm>>
      %dma_start3A_99 = tpu.memref_squeeze %dma_start3A_98 : memref<1x128xf32, #tpu.memory_space<hbm>> -> memref<128xf32, #tpu.memory_space<hbm>>
      tpu.enqueue_dma source(%dma_start3A_99 : memref<128xf32, #tpu.memory_space<hbm>>) target(%dma_start3A_96 : memref<128xf32, #tpu.memory_space<vmem>>) target_semaphore(%arg8 : memref<!tpu.dma_semaphore, #tpu.memory_space<semaphore_mem>>)
      %slice3A_100 = vector.extract_strided_slice %add3A_48 {offsets = [3], sizes = [1], strides = [1]} : vector<16xi32> to vector<1xi32>
      %squeeze3A_101 = vector.extract %slice3A_100[0] : i32 from vector<1xi32>
      %mul3A_102 = arith.constant 16 : i32
      %mul3A_103 = arith.muli %scan3A_29, %mul3A_102 : i32
      %add3A_104 = arith.constant 3 : i32
      %add3A_105 = arith.addi %mul3A_103, %add3A_104 : i32
      %dma_start3A_106 = arith.constant 0 : i32
      %dma_start3A_107 = tpu.memref_slice %arg6[%add3A_105, %dma_start3A_106] : memref<256x128xf32, #tpu.memory_space<vmem>> -> memref<1x128xf32, #tpu.memory_space<vmem>>
      %dma_start3A_108 = tpu.memref_squeeze %dma_start3A_107 : memref<1x128xf32, #tpu.memory_space<vmem>> -> memref<128xf32, #tpu.memory_space<vmem>>
      %dma_start3A_109 = arith.constant 0 : i32
      %dma_start3A_110 = tpu.memref_slice %arg2[%squeeze3A_101, %dma_start3A_109] : memref<253952x128xf32, #tpu.memory_space<hbm>> -> memref<1x128xf32, #tpu.memory_space<hbm>>
      %dma_start3A_111 = tpu.memref_squeeze %dma_start3A_110 : memref<1x128xf32, #tpu.memory_space<hbm>> -> memref<128xf32, #tpu.memory_space<hbm>>
      %dma_start3A_112 = arith.constant 0 : i32
      %dma_start3A_113 = tpu.memref_slice %arg6[%add3A_105, %dma_start3A_112] : memref<256x128xf32, #tpu.memory_space<vmem>> -> memref<1x128xf32, #tpu.memory_space<vmem>>
      %dma_start3A_114 = tpu.memref_squeeze %dma_start3A_113 : memref<1x128xf32, #tpu.memory_space<vmem>> -> memref<128xf32, #tpu.memory_space<vmem>>
      %dma_start3A_115 = arith.constant 0 : i32
      %dma_start3A_116 = tpu.memref_slice %arg2[%squeeze3A_101, %dma_start3A_115] : memref<253952x128xf32, #tpu.memory_space<hbm>> -> memref<1x128xf32, #tpu.memory_space<hbm>>
      %dma_start3A_117 = tpu.memref_squeeze %dma_start3A_116 : memref<1x128xf32, #tpu.memory_space<hbm>> -> memref<128xf32, #tpu.memory_space<hbm>>
      tpu.enqueue_dma source(%dma_start3A_117 : memref<128xf32, #tpu.memory_space<hbm>>) target(%dma_start3A_114 : memref<128xf32, #tpu.memory_space<vmem>>) target_semaphore(%arg8 : memref<!tpu.dma_semaphore, #tpu.memory_space<semaphore_mem>>)
      %slice3A_118 = vector.extract_strided_slice %add3A_48 {offsets = [4], sizes = [1], strides = [1]} : vector<16xi32> to vector<1xi32>
      %squeeze3A_119 = vector.extract %slice3A_118[0] : i32 from vector<1xi32>
      %mul3A_120 = arith.constant 16 : i32
      %mul3A_121 = arith.muli %scan3A_29, %mul3A_120 : i32
      %add3A_122 = arith.constant 4 : i32
      %add3A_123 = arith.addi %mul3A_121, %add3A_122 : i32
      %dma_start3A_124 = arith.constant 0 : i32
      %dma_start3A_125 = tpu.memref_slice %arg6[%add3A_123, %dma_start3A_124] : memref<256x128xf32, #tpu.memory_space<vmem>> -> memref<1x128xf32, #tpu.memory_space<vmem>>
      %dma_start3A_126 = tpu.memref_squeeze %dma_start3A_125 : memref<1x128xf32, #tpu.memory_space<vmem>> -> memref<128xf32, #tpu.memory_space<vmem>>
      %dma_start3A_127 = arith.constant 0 : i32
      %dma_start3A_128 = tpu.memref_slice %arg2[%squeeze3A_119, %dma_start3A_127] : memref<253952x128xf32, #tpu.memory_space<hbm>> -> memref<1x128xf32, #tpu.memory_space<hbm>>
      %dma_start3A_129 = tpu.memref_squeeze %dma_start3A_128 : memref<1x128xf32, #tpu.memory_space<hbm>> -> memref<128xf32, #tpu.memory_space<hbm>>
      %dma_start3A_130 = arith.constant 0 : i32
      %dma_start3A_131 = tpu.memref_slice %arg6[%add3A_123, %dma_start3A_130] : memref<256x128xf32, #tpu.memory_space<vmem>> -> memref<1x128xf32, #tpu.memory_space<vmem>>
      %dma_start3A_132 = tpu.memref_squeeze %dma_start3A_131 : memref<1x128xf32, #tpu.memory_space<vmem>> -> memref<128xf32, #tpu.memory_space<vmem>>
      %dma_start3A_133 = arith.constant 0 : i32
      %dma_start3A_134 = tpu.memref_slice %arg2[%squeeze3A_119, %dma_start3A_133] : memref<253952x128xf32, #tpu.memory_space<hbm>> -> memref<1x128xf32, #tpu.memory_space<hbm>>
      %dma_start3A_135 = tpu.memref_squeeze %dma_start3A_134 : memref<1x128xf32, #tpu.memory_space<hbm>> -> memref<128xf32, #tpu.memory_space<hbm>>
      tpu.enqueue_dma source(%dma_start3A_135 : memref<128xf32, #tpu.memory_space<hbm>>) target(%dma_start3A_132 : memref<128xf32, #tpu.memory_space<vmem>>) target_semaphore(%arg8 : memref<!tpu.dma_semaphore, #tpu.memory_space<semaphore_mem>>)
      %slice3A_136 = vector.extract_strided_slice %add3A_48 {offsets = [5], sizes = [1], strides = [1]} : vector<16xi32> to vector<1xi32>
      %squeeze3A_137 = vector.extract %slice3A_136[0] : i32 from vector<1xi32>
      %mul3A_138 = arith.constant 16 : i32
      %mul3A_139 = arith.muli %scan3A_29, %mul3A_138 : i32
      %add3A_140 = arith.constant 5 : i32
      %add3A_141 = arith.addi %mul3A_139, %add3A_140 : i32
      %dma_start3A_142 = arith.constant 0 : i32
      %dma_start3A_143 = tpu.memref_slice %arg6[%add3A_141, %dma_start3A_142] : memref<256x128xf32, #tpu.memory_space<vmem>> -> memref<1x128xf32, #tpu.memory_space<vmem>>
      %dma_start3A_144 = tpu.memref_squeeze %dma_start3A_143 : memref<1x128xf32, #tpu.memory_space<vmem>> -> memref<128xf32, #tpu.memory_space<vmem>>
      %dma_start3A_145 = arith.constant 0 : i32
      %dma_start3A_146 = tpu.memref_slice %arg2[%squeeze3A_137, %dma_start3A_145] : memref<253952x128xf32, #tpu.memory_space<hbm>> -> memref<1x128xf32, #tpu.memory_space<hbm>>
      %dma_start3A_147 = tpu.memref_squeeze %dma_start3A_146 : memref<1x128xf32, #tpu.memory_space<hbm>> -> memref<128xf32, #tpu.memory_space<hbm>>
      %dma_start3A_148 = arith.constant 0 : i32
      %dma_start3A_149 = tpu.memref_slice %arg6[%add3A_141, %dma_start3A_148] : memref<256x128xf32, #tpu.memory_space<vmem>> -> memref<1x128xf32, #tpu.memory_space<vmem>>
      %dma_start3A_150 = tpu.memref_squeeze %dma_start3A_149 : memref<1x128xf32, #tpu.memory_space<vmem>> -> memref<128xf32, #tpu.memory_space<vmem>>
      %dma_start3A_151 = arith.constant 0 : i32
      %dma_start3A_152 = tpu.memref_slice %arg2[%squeeze3A_137, %dma_start3A_151] : memref<253952x128xf32, #tpu.memory_space<hbm>> -> memref<1x128xf32, #tpu.memory_space<hbm>>
      %dma_start3A_153 = tpu.memref_squeeze %dma_start3A_152 : memref<1x128xf32, #tpu.memory_space<hbm>> -> memref<128xf32, #tpu.memory_space<hbm>>
      tpu.enqueue_dma source(%dma_start3A_153 : memref<128xf32, #tpu.memory_space<hbm>>) target(%dma_start3A_150 : memref<128xf32, #tpu.memory_space<vmem>>) target_semaphore(%arg8 : memref<!tpu.dma_semaphore, #tpu.memory_space<semaphore_mem>>)
      %slice3A_154 = vector.extract_strided_slice %add3A_48 {offsets = [6], sizes = [1], strides = [1]} : vector<16xi32> to vector<1xi32>
      %squeeze3A_155 = vector.extract %slice3A_154[0] : i32 from vector<1xi32>
      %mul3A_156 = arith.constant 16 : i32
      %mul3A_157 = arith.muli %scan3A_29, %mul3A_156 : i32
      %add3A_158 = arith.constant 6 : i32
      %add3A_159 = arith.addi %mul3A_157, %add3A_158 : i32
      %dma_start3A_160 = arith.constant 0 : i32
      %dma_start3A_161 = tpu.memref_slice %arg6[%add3A_159, %dma_start3A_160] : memref<256x128xf32, #tpu.memory_space<vmem>> -> memref<1x128xf32, #tpu.memory_space<vmem>>
      %dma_start3A_162 = tpu.memref_squeeze %dma_start3A_161 : memref<1x128xf32, #tpu.memory_space<vmem>> -> memref<128xf32, #tpu.memory_space<vmem>>
      %dma_start3A_163 = arith.constant 0 : i32
      %dma_start3A_164 = tpu.memref_slice %arg2[%squeeze3A_155, %dma_start3A_163] : memref<253952x128xf32, #tpu.memory_space<hbm>> -> memref<1x128xf32, #tpu.memory_space<hbm>>
      %dma_start3A_165 = tpu.memref_squeeze %dma_start3A_164 : memref<1x128xf32, #tpu.memory_space<hbm>> -> memref<128xf32, #tpu.memory_space<hbm>>
      %dma_start3A_166 = arith.constant 0 : i32
      %dma_start3A_167 = tpu.memref_slice %arg6[%add3A_159, %dma_start3A_166] : memref<256x128xf32, #tpu.memory_space<vmem>> -> memref<1x128xf32, #tpu.memory_space<vmem>>
      %dma_start3A_168 = tpu.memref_squeeze %dma_start3A_167 : memref<1x128xf32, #tpu.memory_space<vmem>> -> memref<128xf32, #tpu.memory_space<vmem>>
      %dma_start3A_169 = arith.constant 0 : i32
      %dma_start3A_170 = tpu.memref_slice %arg2[%squeeze3A_155, %dma_start3A_169] : memref<253952x128xf32, #tpu.memory_space<hbm>> -> memref<1x128xf32, #tpu.memory_space<hbm>>
      %dma_start3A_171 = tpu.memref_squeeze %dma_start3A_170 : memref<1x128xf32, #tpu.memory_space<hbm>> -> memref<128xf32, #tpu.memory_space<hbm>>
      tpu.enqueue_dma source(%dma_start3A_171 : memref<128xf32, #tpu.memory_space<hbm>>) target(%dma_start3A_168 : memref<128xf32, #tpu.memory_space<vmem>>) target_semaphore(%arg8 : memref<!tpu.dma_semaphore, #tpu.memory_space<semaphore_mem>>)
      %slice3A_172 = vector.extract_strided_slice %add3A_48 {offsets = [7], sizes = [1], strides = [1]} : vector<16xi32> to vector<1xi32>
      %squeeze3A_173 = vector.extract %slice3A_172[0] : i32 from vector<1xi32>
      %mul3A_174 = arith.constant 16 : i32
      %mul3A_175 = arith.muli %scan3A_29, %mul3A_174 : i32
      %add3A_176 = arith.constant 7 : i32
      %add3A_177 = arith.addi %mul3A_175, %add3A_176 : i32
      %dma_start3A_178 = arith.constant 0 : i32
      %dma_start3A_179 = tpu.memref_slice %arg6[%add3A_177, %dma_start3A_178] : memref<256x128xf32, #tpu.memory_space<vmem>> -> memref<1x128xf32, #tpu.memory_space<vmem>>
      %dma_start3A_180 = tpu.memref_squeeze %dma_start3A_179 : memref<1x128xf32, #tpu.memory_space<vmem>> -> memref<128xf32, #tpu.memory_space<vmem>>
      %dma_start3A_181 = arith.constant 0 : i32
      %dma_start3A_182 = tpu.memref_slice %arg2[%squeeze3A_173, %dma_start3A_181] : memref<253952x128xf32, #tpu.memory_space<hbm>> -> memref<1x128xf32, #tpu.memory_space<hbm>>
      %dma_start3A_183 = tpu.memref_squeeze %dma_start3A_182 : memref<1x128xf32, #tpu.memory_space<hbm>> -> memref<128xf32, #tpu.memory_space<hbm>>
      %dma_start3A_184 = arith.constant 0 : i32
      %dma_start3A_185 = tpu.memref_slice %arg6[%add3A_177, %dma_start3A_184] : memref<256x128xf32, #tpu.memory_space<vmem>> -> memref<1x128xf32, #tpu.memory_space<vmem>>
      %dma_start3A_186 = tpu.memref_squeeze %dma_start3A_185 : memref<1x128xf32, #tpu.memory_space<vmem>> -> memref<128xf32, #tpu.memory_space<vmem>>
      %dma_start3A_187 = arith.constant 0 : i32
      %dma_start3A_188 = tpu.memref_slice %arg2[%squeeze3A_173, %dma_start3A_187] : memref<253952x128xf32, #tpu.memory_space<hbm>> -> memref<1x128xf32, #tpu.memory_space<hbm>>
      %dma_start3A_189 = tpu.memref_squeeze %dma_start3A_188 : memref<1x128xf32, #tpu.memory_space<hbm>> -> memref<128xf32, #tpu.memory_space<hbm>>
      tpu.enqueue_dma source(%dma_start3A_189 : memref<128xf32, #tpu.memory_space<hbm>>) target(%dma_start3A_186 : memref<128xf32, #tpu.memory_space<vmem>>) target_semaphore(%arg8 : memref<!tpu.dma_semaphore, #tpu.memory_space<semaphore_mem>>)
      %slice3A_190 = vector.extract_strided_slice %add3A_48 {offsets = [8], sizes = [1], strides = [1]} : vector<16xi32> to vector<1xi32>
      %squeeze3A_191 = vector.extract %slice3A_190[0] : i32 from vector<1xi32>
      %mul3A_192 = arith.constant 16 : i32
      %mul3A_193 = arith.muli %scan3A_29, %mul3A_192 : i32
      %add3A_194 = arith.constant 8 : i32
      %add3A_195 = arith.addi %mul3A_193, %add3A_194 : i32
      %dma_start3A_196 = arith.constant 0 : i32
      %dma_start3A_197 = tpu.memref_slice %arg6[%add3A_195, %dma_start3A_196] : memref<256x128xf32, #tpu.memory_space<vmem>> -> memref<1x128xf32, #tpu.memory_space<vmem>>
      %dma_start3A_198 = tpu.memref_squeeze %dma_start3A_197 : memref<1x128xf32, #tpu.memory_space<vmem>> -> memref<128xf32, #tpu.memory_space<vmem>>
      %dma_start3A_199 = arith.constant 0 : i32
      %dma_start3A_200 = tpu.memref_slice %arg2[%squeeze3A_191, %dma_start3A_199] : memref<253952x128xf32, #tpu.memory_space<hbm>> -> memref<1x128xf32, #tpu.memory_space<hbm>>
      %dma_start3A_201 = tpu.memref_squeeze %dma_start3A_200 : memref<1x128xf32, #tpu.memory_space<hbm>> -> memref<128xf32, #tpu.memory_space<hbm>>
      %dma_start3A_202 = arith.constant 0 : i32
      %dma_start3A_203 = tpu.memref_slice %arg6[%add3A_195, %dma_start3A_202] : memref<256x128xf32, #tpu.memory_space<vmem>> -> memref<1x128xf32, #tpu.memory_space<vmem>>
      %dma_start3A_204 = tpu.memref_squeeze %dma_start3A_203 : memref<1x128xf32, #tpu.memory_space<vmem>> -> memref<128xf32, #tpu.memory_space<vmem>>
      %dma_start3A_205 = arith.constant 0 : i32
      %dma_start3A_206 = tpu.memref_slice %arg2[%squeeze3A_191, %dma_start3A_205] : memref<253952x128xf32, #tpu.memory_space<hbm>> -> memref<1x128xf32, #tpu.memory_space<hbm>>
      %dma_start3A_207 = tpu.memref_squeeze %dma_start3A_206 : memref<1x128xf32, #tpu.memory_space<hbm>> -> memref<128xf32, #tpu.memory_space<hbm>>
      tpu.enqueue_dma source(%dma_start3A_207 : memref<128xf32, #tpu.memory_space<hbm>>) target(%dma_start3A_204 : memref<128xf32, #tpu.memory_space<vmem>>) target_semaphore(%arg8 : memref<!tpu.dma_semaphore, #tpu.memory_space<semaphore_mem>>)
      %slice3A_208 = vector.extract_strided_slice %add3A_48 {offsets = [9], sizes = [1], strides = [1]} : vector<16xi32> to vector<1xi32>
      %squeeze3A_209 = vector.extract %slice3A_208[0] : i32 from vector<1xi32>
      %mul3A_210 = arith.constant 16 : i32
      %mul3A_211 = arith.muli %scan3A_29, %mul3A_210 : i32
      %add3A_212 = arith.constant 9 : i32
      %add3A_213 = arith.addi %mul3A_211, %add3A_212 : i32
      %dma_start3A_214 = arith.constant 0 : i32
      %dma_start3A_215 = tpu.memref_slice %arg6[%add3A_213, %dma_start3A_214] : memref<256x128xf32, #tpu.memory_space<vmem>> -> memref<1x128xf32, #tpu.memory_space<vmem>>
      %dma_start3A_216 = tpu.memref_squeeze %dma_start3A_215 : memref<1x128xf32, #tpu.memory_space<vmem>> -> memref<128xf32, #tpu.memory_space<vmem>>
      %dma_start3A_217 = arith.constant 0 : i32
      %dma_start3A_218 = tpu.memref_slice %arg2[%squeeze3A_209, %dma_start3A_217] : memref<253952x128xf32, #tpu.memory_space<hbm>> -> memref<1x128xf32, #tpu.memory_space<hbm>>
      %dma_start3A_219 = tpu.memref_squeeze %dma_start3A_218 : memref<1x128xf32, #tpu.memory_space<hbm>> -> memref<128xf32, #tpu.memory_space<hbm>>
      %dma_start3A_220 = arith.constant 0 : i32
      %dma_start3A_221 = tpu.memref_slice %arg6[%add3A_213, %dma_start3A_220] : memref<256x128xf32, #tpu.memory_space<vmem>> -> memref<1x128xf32, #tpu.memory_space<vmem>>
      %dma_start3A_222 = tpu.memref_squeeze %dma_start3A_221 : memref<1x128xf32, #tpu.memory_space<vmem>> -> memref<128xf32, #tpu.memory_space<vmem>>
      %dma_start3A_223 = arith.constant 0 : i32
      %dma_start3A_224 = tpu.memref_slice %arg2[%squeeze3A_209, %dma_start3A_223] : memref<253952x128xf32, #tpu.memory_space<hbm>> -> memref<1x128xf32, #tpu.memory_space<hbm>>
      %dma_start3A_225 = tpu.memref_squeeze %dma_start3A_224 : memref<1x128xf32, #tpu.memory_space<hbm>> -> memref<128xf32, #tpu.memory_space<hbm>>
      tpu.enqueue_dma source(%dma_start3A_225 : memref<128xf32, #tpu.memory_space<hbm>>) target(%dma_start3A_222 : memref<128xf32, #tpu.memory_space<vmem>>) target_semaphore(%arg8 : memref<!tpu.dma_semaphore, #tpu.memory_space<semaphore_mem>>)
      %slice3A_226 = vector.extract_strided_slice %add3A_48 {offsets = [10], sizes = [1], strides = [1]} : vector<16xi32> to vector<1xi32>
      %squeeze3A_227 = vector.extract %slice3A_226[0] : i32 from vector<1xi32>
      %mul3A_228 = arith.constant 16 : i32
      %mul3A_229 = arith.muli %scan3A_29, %mul3A_228 : i32
      %add3A_230 = arith.constant 10 : i32
      %add3A_231 = arith.addi %mul3A_229, %add3A_230 : i32
      %dma_start3A_232 = arith.constant 0 : i32
      %dma_start3A_233 = tpu.memref_slice %arg6[%add3A_231, %dma_start3A_232] : memref<256x128xf32, #tpu.memory_space<vmem>> -> memref<1x128xf32, #tpu.memory_space<vmem>>
      %dma_start3A_234 = tpu.memref_squeeze %dma_start3A_233 : memref<1x128xf32, #tpu.memory_space<vmem>> -> memref<128xf32, #tpu.memory_space<vmem>>
      %dma_start3A_235 = arith.constant 0 : i32
      %dma_start3A_236 = tpu.memref_slice %arg2[%squeeze3A_227, %dma_start3A_235] : memref<253952x128xf32, #tpu.memory_space<hbm>> -> memref<1x128xf32, #tpu.memory_space<hbm>>
      %dma_start3A_237 = tpu.memref_squeeze %dma_start3A_236 : memref<1x128xf32, #tpu.memory_space<hbm>> -> memref<128xf32, #tpu.memory_space<hbm>>
      %dma_start3A_238 = arith.constant 0 : i32
      %dma_start3A_239 = tpu.memref_slice %arg6[%add3A_231, %dma_start3A_238] : memref<256x128xf32, #tpu.memory_space<vmem>> -> memref<1x128xf32, #tpu.memory_space<vmem>>
      %dma_start3A_240 = tpu.memref_squeeze %dma_start3A_239 : memref<1x128xf32, #tpu.memory_space<vmem>> -> memref<128xf32, #tpu.memory_space<vmem>>
      %dma_start3A_241 = arith.constant 0 : i32
      %dma_start3A_242 = tpu.memref_slice %arg2[%squeeze3A_227, %dma_start3A_241] : memref<253952x128xf32, #tpu.memory_space<hbm>> -> memref<1x128xf32, #tpu.memory_space<hbm>>
      %dma_start3A_243 = tpu.memref_squeeze %dma_start3A_242 : memref<1x128xf32, #tpu.memory_space<hbm>> -> memref<128xf32, #tpu.memory_space<hbm>>
      tpu.enqueue_dma source(%dma_start3A_243 : memref<128xf32, #tpu.memory_space<hbm>>) target(%dma_start3A_240 : memref<128xf32, #tpu.memory_space<vmem>>) target_semaphore(%arg8 : memref<!tpu.dma_semaphore, #tpu.memory_space<semaphore_mem>>)
      %slice3A_244 = vector.extract_strided_slice %add3A_48 {offsets = [11], sizes = [1], strides = [1]} : vector<16xi32> to vector<1xi32>
      %squeeze3A_245 = vector.extract %slice3A_244[0] : i32 from vector<1xi32>
      %mul3A_246 = arith.constant 16 : i32
      %mul3A_247 = arith.muli %scan3A_29, %mul3A_246 : i32
      %add3A_248 = arith.constant 11 : i32
      %add3A_249 = arith.addi %mul3A_247, %add3A_248 : i32
      %dma_start3A_250 = arith.constant 0 : i32
      %dma_start3A_251 = tpu.memref_slice %arg6[%add3A_249, %dma_start3A_250] : memref<256x128xf32, #tpu.memory_space<vmem>> -> memref<1x128xf32, #tpu.memory_space<vmem>>
      %dma_start3A_252 = tpu.memref_squeeze %dma_start3A_251 : memref<1x128xf32, #tpu.memory_space<vmem>> -> memref<128xf32, #tpu.memory_space<vmem>>
      %dma_start3A_253 = arith.constant 0 : i32
      %dma_start3A_254 = tpu.memref_slice %arg2[%squeeze3A_245, %dma_start3A_253] : memref<253952x128xf32, #tpu.memory_space<hbm>> -> memref<1x128xf32, #tpu.memory_space<hbm>>
      %dma_start3A_255 = tpu.memref_squeeze %dma_start3A_254 : memref<1x128xf32, #tpu.memory_space<hbm>> -> memref<128xf32, #tpu.memory_space<hbm>>
      %dma_start3A_256 = arith.constant 0 : i32
      %dma_start3A_257 = tpu.memref_slice %arg6[%add3A_249, %dma_start3A_256] : memref<256x128xf32, #tpu.memory_space<vmem>> -> memref<1x128xf32, #tpu.memory_space<vmem>>
      %dma_start3A_258 = tpu.memref_squeeze %dma_start3A_257 : memref<1x128xf32, #tpu.memory_space<vmem>> -> memref<128xf32, #tpu.memory_space<vmem>>
      %dma_start3A_259 = arith.constant 0 : i32
      %dma_start3A_260 = tpu.memref_slice %arg2[%squeeze3A_245, %dma_start3A_259] : memref<253952x128xf32, #tpu.memory_space<hbm>> -> memref<1x128xf32, #tpu.memory_space<hbm>>
      %dma_start3A_261 = tpu.memref_squeeze %dma_start3A_260 : memref<1x128xf32, #tpu.memory_space<hbm>> -> memref<128xf32, #tpu.memory_space<hbm>>
      tpu.enqueue_dma source(%dma_start3A_261 : memref<128xf32, #tpu.memory_space<hbm>>) target(%dma_start3A_258 : memref<128xf32, #tpu.memory_space<vmem>>) target_semaphore(%arg8 : memref<!tpu.dma_semaphore, #tpu.memory_space<semaphore_mem>>)
      %slice3A_262 = vector.extract_strided_slice %add3A_48 {offsets = [12], sizes = [1], strides = [1]} : vector<16xi32> to vector<1xi32>
      %squeeze3A_263 = vector.extract %slice3A_262[0] : i32 from vector<1xi32>
      %mul3A_264 = arith.constant 16 : i32
      %mul3A_265 = arith.muli %scan3A_29, %mul3A_264 : i32
      %add3A_266 = arith.constant 12 : i32
      %add3A_267 = arith.addi %mul3A_265, %add3A_266 : i32
      %dma_start3A_268 = arith.constant 0 : i32
      %dma_start3A_269 = tpu.memref_slice %arg6[%add3A_267, %dma_start3A_268] : memref<256x128xf32, #tpu.memory_space<vmem>> -> memref<1x128xf32, #tpu.memory_space<vmem>>
      %dma_start3A_270 = tpu.memref_squeeze %dma_start3A_269 : memref<1x128xf32, #tpu.memory_space<vmem>> -> memref<128xf32, #tpu.memory_space<vmem>>
      %dma_start3A_271 = arith.constant 0 : i32
      %dma_start3A_272 = tpu.memref_slice %arg2[%squeeze3A_263, %dma_start3A_271] : memref<253952x128xf32, #tpu.memory_space<hbm>> -> memref<1x128xf32, #tpu.memory_space<hbm>>
      %dma_start3A_273 = tpu.memref_squeeze %dma_start3A_272 : memref<1x128xf32, #tpu.memory_space<hbm>> -> memref<128xf32, #tpu.memory_space<hbm>>
      %dma_start3A_274 = arith.constant 0 : i32
      %dma_start3A_275 = tpu.memref_slice %arg6[%add3A_267, %dma_start3A_274] : memref<256x128xf32, #tpu.memory_space<vmem>> -> memref<1x128xf32, #tpu.memory_space<vmem>>
      %dma_start3A_276 = tpu.memref_squeeze %dma_start3A_275 : memref<1x128xf32, #tpu.memory_space<vmem>> -> memref<128xf32, #tpu.memory_space<vmem>>
      %dma_start3A_277 = arith.constant 0 : i32
      %dma_start3A_278 = tpu.memref_slice %arg2[%squeeze3A_263, %dma_start3A_277] : memref<253952x128xf32, #tpu.memory_space<hbm>> -> memref<1x128xf32, #tpu.memory_space<hbm>>
      %dma_start3A_279 = tpu.memref_squeeze %dma_start3A_278 : memref<1x128xf32, #tpu.memory_space<hbm>> -> memref<128xf32, #tpu.memory_space<hbm>>
      tpu.enqueue_dma source(%dma_start3A_279 : memref<128xf32, #tpu.memory_space<hbm>>) target(%dma_start3A_276 : memref<128xf32, #tpu.memory_space<vmem>>) target_semaphore(%arg8 : memref<!tpu.dma_semaphore, #tpu.memory_space<semaphore_mem>>)
      %slice3A_280 = vector.extract_strided_slice %add3A_48 {offsets = [13], sizes = [1], strides = [1]} : vector<16xi32> to vector<1xi32>
      %squeeze3A_281 = vector.extract %slice3A_280[0] : i32 from vector<1xi32>
      %mul3A_282 = arith.constant 16 : i32
      %mul3A_283 = arith.muli %scan3A_29, %mul3A_282 : i32
      %add3A_284 = arith.constant 13 : i32
      %add3A_285 = arith.addi %mul3A_283, %add3A_284 : i32
      %dma_start3A_286 = arith.constant 0 : i32
      %dma_start3A_287 = tpu.memref_slice %arg6[%add3A_285, %dma_start3A_286] : memref<256x128xf32, #tpu.memory_space<vmem>> -> memref<1x128xf32, #tpu.memory_space<vmem>>
      %dma_start3A_288 = tpu.memref_squeeze %dma_start3A_287 : memref<1x128xf32, #tpu.memory_space<vmem>> -> memref<128xf32, #tpu.memory_space<vmem>>
      %dma_start3A_289 = arith.constant 0 : i32
      %dma_start3A_290 = tpu.memref_slice %arg2[%squeeze3A_281, %dma_start3A_289] : memref<253952x128xf32, #tpu.memory_space<hbm>> -> memref<1x128xf32, #tpu.memory_space<hbm>>
      %dma_start3A_291 = tpu.memref_squeeze %dma_start3A_290 : memref<1x128xf32, #tpu.memory_space<hbm>> -> memref<128xf32, #tpu.memory_space<hbm>>
      %dma_start3A_292 = arith.constant 0 : i32
      %dma_start3A_293 = tpu.memref_slice %arg6[%add3A_285, %dma_start3A_292] : memref<256x128xf32, #tpu.memory_space<vmem>> -> memref<1x128xf32, #tpu.memory_space<vmem>>
      %dma_start3A_294 = tpu.memref_squeeze %dma_start3A_293 : memref<1x128xf32, #tpu.memory_space<vmem>> -> memref<128xf32, #tpu.memory_space<vmem>>
      %dma_start3A_295 = arith.constant 0 : i32
      %dma_start3A_296 = tpu.memref_slice %arg2[%squeeze3A_281, %dma_start3A_295] : memref<253952x128xf32, #tpu.memory_space<hbm>> -> memref<1x128xf32, #tpu.memory_space<hbm>>
      %dma_start3A_297 = tpu.memref_squeeze %dma_start3A_296 : memref<1x128xf32, #tpu.memory_space<hbm>> -> memref<128xf32, #tpu.memory_space<hbm>>
      tpu.enqueue_dma source(%dma_start3A_297 : memref<128xf32, #tpu.memory_space<hbm>>) target(%dma_start3A_294 : memref<128xf32, #tpu.memory_space<vmem>>) target_semaphore(%arg8 : memref<!tpu.dma_semaphore, #tpu.memory_space<semaphore_mem>>)
      %slice3A_298 = vector.extract_strided_slice %add3A_48 {offsets = [14], sizes = [1], strides = [1]} : vector<16xi32> to vector<1xi32>
      %squeeze3A_299 = vector.extract %slice3A_298[0] : i32 from vector<1xi32>
      %mul3A_300 = arith.constant 16 : i32
      %mul3A_301 = arith.muli %scan3A_29, %mul3A_300 : i32
      %add3A_302 = arith.constant 14 : i32
      %add3A_303 = arith.addi %mul3A_301, %add3A_302 : i32
      %dma_start3A_304 = arith.constant 0 : i32
      %dma_start3A_305 = tpu.memref_slice %arg6[%add3A_303, %dma_start3A_304] : memref<256x128xf32, #tpu.memory_space<vmem>> -> memref<1x128xf32, #tpu.memory_space<vmem>>
      %dma_start3A_306 = tpu.memref_squeeze %dma_start3A_305 : memref<1x128xf32, #tpu.memory_space<vmem>> -> memref<128xf32, #tpu.memory_space<vmem>>
      %dma_start3A_307 = arith.constant 0 : i32
      %dma_start3A_308 = tpu.memref_slice %arg2[%squeeze3A_299, %dma_start3A_307] : memref<253952x128xf32, #tpu.memory_space<hbm>> -> memref<1x128xf32, #tpu.memory_space<hbm>>
      %dma_start3A_309 = tpu.memref_squeeze %dma_start3A_308 : memref<1x128xf32, #tpu.memory_space<hbm>> -> memref<128xf32, #tpu.memory_space<hbm>>
      %dma_start3A_310 = arith.constant 0 : i32
      %dma_start3A_311 = tpu.memref_slice %arg6[%add3A_303, %dma_start3A_310] : memref<256x128xf32, #tpu.memory_space<vmem>> -> memref<1x128xf32, #tpu.memory_space<vmem>>
      %dma_start3A_312 = tpu.memref_squeeze %dma_start3A_311 : memref<1x128xf32, #tpu.memory_space<vmem>> -> memref<128xf32, #tpu.memory_space<vmem>>
      %dma_start3A_313 = arith.constant 0 : i32
      %dma_start3A_314 = tpu.memref_slice %arg2[%squeeze3A_299, %dma_start3A_313] : memref<253952x128xf32, #tpu.memory_space<hbm>> -> memref<1x128xf32, #tpu.memory_space<hbm>>
      %dma_start3A_315 = tpu.memref_squeeze %dma_start3A_314 : memref<1x128xf32, #tpu.memory_space<hbm>> -> memref<128xf32, #tpu.memory_space<hbm>>
      tpu.enqueue_dma source(%dma_start3A_315 : memref<128xf32, #tpu.memory_space<hbm>>) target(%dma_start3A_312 : memref<128xf32, #tpu.memory_space<vmem>>) target_semaphore(%arg8 : memref<!tpu.dma_semaphore, #tpu.memory_space<semaphore_mem>>)
      %slice3A_316 = vector.extract_strided_slice %add3A_48 {offsets = [15], sizes = [1], strides = [1]} : vector<16xi32> to vector<1xi32>
      %squeeze3A_317 = vector.extract %slice3A_316[0] : i32 from vector<1xi32>
      %mul3A_318 = arith.constant 16 : i32
      %mul3A_319 = arith.muli %scan3A_29, %mul3A_318 : i32
      %add3A_320 = arith.constant 15 : i32
      %add3A_321 = arith.addi %mul3A_319, %add3A_320 : i32
      %dma_start3A_322 = arith.constant 0 : i32
      %dma_start3A_323 = tpu.memref_slice %arg6[%add3A_321, %dma_start3A_322] : memref<256x128xf32, #tpu.memory_space<vmem>> -> memref<1x128xf32, #tpu.memory_space<vmem>>
      %dma_start3A_324 = tpu.memref_squeeze %dma_start3A_323 : memref<1x128xf32, #tpu.memory_space<vmem>> -> memref<128xf32, #tpu.memory_space<vmem>>
      %dma_start3A_325 = arith.constant 0 : i32
      %dma_start3A_326 = tpu.memref_slice %arg2[%squeeze3A_317, %dma_start3A_325] : memref<253952x128xf32, #tpu.memory_space<hbm>> -> memref<1x128xf32, #tpu.memory_space<hbm>>
      %dma_start3A_327 = tpu.memref_squeeze %dma_start3A_326 : memref<1x128xf32, #tpu.memory_space<hbm>> -> memref<128xf32, #tpu.memory_space<hbm>>
      %dma_start3A_328 = arith.constant 0 : i32
      %dma_start3A_329 = tpu.memref_slice %arg6[%add3A_321, %dma_start3A_328] : memref<256x128xf32, #tpu.memory_space<vmem>> -> memref<1x128xf32, #tpu.memory_space<vmem>>
      %dma_start3A_330 = tpu.memref_squeeze %dma_start3A_329 : memref<1x128xf32, #tpu.memory_space<vmem>> -> memref<128xf32, #tpu.memory_space<vmem>>
      %dma_start3A_331 = arith.constant 0 : i32
      %dma_start3A_332 = tpu.memref_slice %arg2[%squeeze3A_317, %dma_start3A_331] : memref<253952x128xf32, #tpu.memory_space<hbm>> -> memref<1x128xf32, #tpu.memory_space<hbm>>
      %dma_start3A_333 = tpu.memref_squeeze %dma_start3A_332 : memref<1x128xf32, #tpu.memory_space<hbm>> -> memref<128xf32, #tpu.memory_space<hbm>>
      tpu.enqueue_dma source(%dma_start3A_333 : memref<128xf32, #tpu.memory_space<hbm>>) target(%dma_start3A_330 : memref<128xf32, #tpu.memory_space<vmem>>) target_semaphore(%arg8 : memref<!tpu.dma_semaphore, #tpu.memory_space<semaphore_mem>>)
    }
    %scan3A_7 = arith.constant 16 : i32
    %scan3A_8 = arith.constant 0 : i32
    %scan3A_9 = arith.constant 0 : i32
    %scan3A_10 = arith.constant 16 : i32
    %scan3A_11 = arith.addi %scan3A_9, %scan3A_10 : i32
    %scan3A_12 = arith.constant 1 : i32
    scf.for %scan3A_29 = %scan3A_9 to %scan3A_11 step %scan3A_12  : i32 {
      %mul3A_30 = arith.constant 16 : i32
      %mul3A_31 = arith.muli %scan3A_29, %mul3A_30 : i32
      %add3A_32 = arith.constant 256 : i32
      %add3A_33 = arith.addi %add3A_32, %mul3A_31 : i32
      %get3A = arith.index_cast %add3A_33 : i32 to index
      %get3A_34 = tpu.vector_load %arg5[%get3A] {strides = array<i32>} : memref<512xi32, #tpu.memory_space<vmem>>, vector<16xi32>,
      %get3A_35 = vector.shape_cast %get3A_34 : vector<16xi32> to vector<16xi32>
      %shift_right_arithmetic3A = arith.constant 14 : i32
      %shift_right_arithmetic3A_36 = vector.broadcast %shift_right_arithmetic3A : i32 to vector<16xi32>
      %shift_right_arithmetic3A_37 = arith.shrsi %get3A_35, %shift_right_arithmetic3A_36 : vector<16xi32>
      %shift_right_arithmetic3A_38 = arith.constant 1 : i32
      %shift_right_arithmetic3A_39 = vector.broadcast %shift_right_arithmetic3A_38 : i32 to vector<16xi32>
      %shift_right_arithmetic3A_40 = arith.shrsi %shift_right_arithmetic3A_37, %shift_right_arithmetic3A_39 : vector<16xi32>
      %shift_left3A = arith.constant 13 : i32
      %shift_left3A_41 = vector.broadcast %shift_left3A : i32 to vector<16xi32>
      %shift_left3A_42 = arith.shli %shift_right_arithmetic3A_40, %shift_left3A_41 : vector<16xi32>
      %and3A = arith.constant 16383 : i32
      %and3A_43 = vector.broadcast %and3A : i32 to vector<16xi32>
      %and3A_44 = arith.andi %get3A_35, %and3A_43 : vector<16xi32>
      %shift_right_arithmetic3A_45 = arith.constant 1 : i32
      %shift_right_arithmetic3A_46 = vector.broadcast %shift_right_arithmetic3A_45 : i32 to vector<16xi32>
      %shift_right_arithmetic3A_47 = arith.shrsi %and3A_44, %shift_right_arithmetic3A_46 : vector<16xi32>
      %add3A_48 = arith.addi %shift_left3A_42, %shift_right_arithmetic3A_47 : vector<16xi32>
      %slice3A = vector.extract_strided_slice %add3A_48 {offsets = [0], sizes = [1], strides = [1]} : vector<16xi32> to vector<1xi32>
      %squeeze3A = vector.extract %slice3A[0] : i32 from vector<1xi32>
      %mul3A_49 = arith.constant 16 : i32
      %mul3A_50 = arith.muli %scan3A_29, %mul3A_49 : i32
      %add3A_51 = arith.constant 0 : i32
      %add3A_52 = arith.addi %mul3A_50, %add3A_51 : i32
      %dma_start3A = arith.constant 0 : i32
      %dma_start3A_53 = tpu.memref_slice %arg7[%add3A_52, %dma_start3A] : memref<256x128xf32, #tpu.memory_space<vmem>> -> memref<1x128xf32, #tpu.memory_space<vmem>>
      %dma_start3A_54 = tpu.memref_squeeze %dma_start3A_53 : memref<1x128xf32, #tpu.memory_space<vmem>> -> memref<128xf32, #tpu.memory_space<vmem>>
      %dma_start3A_55 = arith.constant 0 : i32
      %dma_start3A_56 = tpu.memref_slice %arg2[%squeeze3A, %dma_start3A_55] : memref<253952x128xf32, #tpu.memory_space<hbm>> -> memref<1x128xf32, #tpu.memory_space<hbm>>
      %dma_start3A_57 = tpu.memref_squeeze %dma_start3A_56 : memref<1x128xf32, #tpu.memory_space<hbm>> -> memref<128xf32, #tpu.memory_space<hbm>>
      %dma_start3A_58 = arith.constant 0 : i32
      %dma_start3A_59 = tpu.memref_slice %arg7[%add3A_52, %dma_start3A_58] : memref<256x128xf32, #tpu.memory_space<vmem>> -> memref<1x128xf32, #tpu.memory_space<vmem>>
      %dma_start3A_60 = tpu.memref_squeeze %dma_start3A_59 : memref<1x128xf32, #tpu.memory_space<vmem>> -> memref<128xf32, #tpu.memory_space<vmem>>
      %dma_start3A_61 = arith.constant 0 : i32
      %dma_start3A_62 = tpu.memref_slice %arg2[%squeeze3A, %dma_start3A_61] : memref<253952x128xf32, #tpu.memory_space<hbm>> -> memref<1x128xf32, #tpu.memory_space<hbm>>
      %dma_start3A_63 = tpu.memref_squeeze %dma_start3A_62 : memref<1x128xf32, #tpu.memory_space<hbm>> -> memref<128xf32, #tpu.memory_space<hbm>>
      tpu.enqueue_dma source(%dma_start3A_63 : memref<128xf32, #tpu.memory_space<hbm>>) target(%dma_start3A_60 : memref<128xf32, #tpu.memory_space<vmem>>) target_semaphore(%arg9 : memref<!tpu.dma_semaphore, #tpu.memory_space<semaphore_mem>>)
      %slice3A_64 = vector.extract_strided_slice %add3A_48 {offsets = [1], sizes = [1], strides = [1]} : vector<16xi32> to vector<1xi32>
      %squeeze3A_65 = vector.extract %slice3A_64[0] : i32 from vector<1xi32>
      %mul3A_66 = arith.constant 16 : i32
      %mul3A_67 = arith.muli %scan3A_29, %mul3A_66 : i32
      %add3A_68 = arith.constant 1 : i32
      %add3A_69 = arith.addi %mul3A_67, %add3A_68 : i32
      %dma_start3A_70 = arith.constant 0 : i32
      %dma_start3A_71 = tpu.memref_slice %arg7[%add3A_69, %dma_start3A_70] : memref<256x128xf32, #tpu.memory_space<vmem>> -> memref<1x128xf32, #tpu.memory_space<vmem>>
      %dma_start3A_72 = tpu.memref_squeeze %dma_start3A_71 : memref<1x128xf32, #tpu.memory_space<vmem>> -> memref<128xf32, #tpu.memory_space<vmem>>
      %dma_start3A_73 = arith.constant 0 : i32
      %dma_start3A_74 = tpu.memref_slice %arg2[%squeeze3A_65, %dma_start3A_73] : memref<253952x128xf32, #tpu.memory_space<hbm>> -> memref<1x128xf32, #tpu.memory_space<hbm>>
      %dma_start3A_75 = tpu.memref_squeeze %dma_start3A_74 : memref<1x128xf32, #tpu.memory_space<hbm>> -> memref<128xf32, #tpu.memory_space<hbm>>
      %dma_start3A_76 = arith.constant 0 : i32
      %dma_start3A_77 = tpu.memref_slice %arg7[%add3A_69, %dma_start3A_76] : memref<256x128xf32, #tpu.memory_space<vmem>> -> memref<1x128xf32, #tpu.memory_space<vmem>>
      %dma_start3A_78 = tpu.memref_squeeze %dma_start3A_77 : memref<1x128xf32, #tpu.memory_space<vmem>> -> memref<128xf32, #tpu.memory_space<vmem>>
      %dma_start3A_79 = arith.constant 0 : i32
      %dma_start3A_80 = tpu.memref_slice %arg2[%squeeze3A_65, %dma_start3A_79] : memref<253952x128xf32, #tpu.memory_space<hbm>> -> memref<1x128xf32, #tpu.memory_space<hbm>>
      %dma_start3A_81 = tpu.memref_squeeze %dma_start3A_80 : memref<1x128xf32, #tpu.memory_space<hbm>> -> memref<128xf32, #tpu.memory_space<hbm>>
      tpu.enqueue_dma source(%dma_start3A_81 : memref<128xf32, #tpu.memory_space<hbm>>) target(%dma_start3A_78 : memref<128xf32, #tpu.memory_space<vmem>>) target_semaphore(%arg9 : memref<!tpu.dma_semaphore, #tpu.memory_space<semaphore_mem>>)
      %slice3A_82 = vector.extract_strided_slice %add3A_48 {offsets = [2], sizes = [1], strides = [1]} : vector<16xi32> to vector<1xi32>
      %squeeze3A_83 = vector.extract %slice3A_82[0] : i32 from vector<1xi32>
      %mul3A_84 = arith.constant 16 : i32
      %mul3A_85 = arith.muli %scan3A_29, %mul3A_84 : i32
      %add3A_86 = arith.constant 2 : i32
      %add3A_87 = arith.addi %mul3A_85, %add3A_86 : i32
      %dma_start3A_88 = arith.constant 0 : i32
      %dma_start3A_89 = tpu.memref_slice %arg7[%add3A_87, %dma_start3A_88] : memref<256x128xf32, #tpu.memory_space<vmem>> -> memref<1x128xf32, #tpu.memory_space<vmem>>
      %dma_start3A_90 = tpu.memref_squeeze %dma_start3A_89 : memref<1x128xf32, #tpu.memory_space<vmem>> -> memref<128xf32, #tpu.memory_space<vmem>>
      %dma_start3A_91 = arith.constant 0 : i32
      %dma_start3A_92 = tpu.memref_slice %arg2[%squeeze3A_83, %dma_start3A_91] : memref<253952x128xf32, #tpu.memory_space<hbm>> -> memref<1x128xf32, #tpu.memory_space<hbm>>
      %dma_start3A_93 = tpu.memref_squeeze %dma_start3A_92 : memref<1x128xf32, #tpu.memory_space<hbm>> -> memref<128xf32, #tpu.memory_space<hbm>>
      %dma_start3A_94 = arith.constant 0 : i32
      %dma_start3A_95 = tpu.memref_slice %arg7[%add3A_87, %dma_start3A_94] : memref<256x128xf32, #tpu.memory_space<vmem>> -> memref<1x128xf32, #tpu.memory_space<vmem>>
      %dma_start3A_96 = tpu.memref_squeeze %dma_start3A_95 : memref<1x128xf32, #tpu.memory_space<vmem>> -> memref<128xf32, #tpu.memory_space<vmem>>
      %dma_start3A_97 = arith.constant 0 : i32
      %dma_start3A_98 = tpu.memref_slice %arg2[%squeeze3A_83, %dma_start3A_97] : memref<253952x128xf32, #tpu.memory_space<hbm>> -> memref<1x128xf32, #tpu.memory_space<hbm>>
      %dma_start3A_99 = tpu.memref_squeeze %dma_start3A_98 : memref<1x128xf32, #tpu.memory_space<hbm>> -> memref<128xf32, #tpu.memory_space<hbm>>
      tpu.enqueue_dma source(%dma_start3A_99 : memref<128xf32, #tpu.memory_space<hbm>>) target(%dma_start3A_96 : memref<128xf32, #tpu.memory_space<vmem>>) target_semaphore(%arg9 : memref<!tpu.dma_semaphore, #tpu.memory_space<semaphore_mem>>)
      %slice3A_100 = vector.extract_strided_slice %add3A_48 {offsets = [3], sizes = [1], strides = [1]} : vector<16xi32> to vector<1xi32>
      %squeeze3A_101 = vector.extract %slice3A_100[0] : i32 from vector<1xi32>
      %mul3A_102 = arith.constant 16 : i32
      %mul3A_103 = arith.muli %scan3A_29, %mul3A_102 : i32
      %add3A_104 = arith.constant 3 : i32
      %add3A_105 = arith.addi %mul3A_103, %add3A_104 : i32
      %dma_start3A_106 = arith.constant 0 : i32
      %dma_start3A_107 = tpu.memref_slice %arg7[%add3A_105, %dma_start3A_106] : memref<256x128xf32, #tpu.memory_space<vmem>> -> memref<1x128xf32, #tpu.memory_space<vmem>>
      %dma_start3A_108 = tpu.memref_squeeze %dma_start3A_107 : memref<1x128xf32, #tpu.memory_space<vmem>> -> memref<128xf32, #tpu.memory_space<vmem>>
      %dma_start3A_109 = arith.constant 0 : i32
      %dma_start3A_110 = tpu.memref_slice %arg2[%squeeze3A_101, %dma_start3A_109] : memref<253952x128xf32, #tpu.memory_space<hbm>> -> memref<1x128xf32, #tpu.memory_space<hbm>>
      %dma_start3A_111 = tpu.memref_squeeze %dma_start3A_110 : memref<1x128xf32, #tpu.memory_space<hbm>> -> memref<128xf32, #tpu.memory_space<hbm>>
      %dma_start3A_112 = arith.constant 0 : i32
      %dma_start3A_113 = tpu.memref_slice %arg7[%add3A_105, %dma_start3A_112] : memref<256x128xf32, #tpu.memory_space<vmem>> -> memref<1x128xf32, #tpu.memory_space<vmem>>
      %dma_start3A_114 = tpu.memref_squeeze %dma_start3A_113 : memref<1x128xf32, #tpu.memory_space<vmem>> -> memref<128xf32, #tpu.memory_space<vmem>>
      %dma_start3A_115 = arith.constant 0 : i32
      %dma_start3A_116 = tpu.memref_slice %arg2[%squeeze3A_101, %dma_start3A_115] : memref<253952x128xf32, #tpu.memory_space<hbm>> -> memref<1x128xf32, #tpu.memory_space<hbm>>
      %dma_start3A_117 = tpu.memref_squeeze %dma_start3A_116 : memref<1x128xf32, #tpu.memory_space<hbm>> -> memref<128xf32, #tpu.memory_space<hbm>>
      tpu.enqueue_dma source(%dma_start3A_117 : memref<128xf32, #tpu.memory_space<hbm>>) target(%dma_start3A_114 : memref<128xf32, #tpu.memory_space<vmem>>) target_semaphore(%arg9 : memref<!tpu.dma_semaphore, #tpu.memory_space<semaphore_mem>>)
      %slice3A_118 = vector.extract_strided_slice %add3A_48 {offsets = [4], sizes = [1], strides = [1]} : vector<16xi32> to vector<1xi32>
      %squeeze3A_119 = vector.extract %slice3A_118[0] : i32 from vector<1xi32>
      %mul3A_120 = arith.constant 16 : i32
      %mul3A_121 = arith.muli %scan3A_29, %mul3A_120 : i32
      %add3A_122 = arith.constant 4 : i32
      %add3A_123 = arith.addi %mul3A_121, %add3A_122 : i32
      %dma_start3A_124 = arith.constant 0 : i32
      %dma_start3A_125 = tpu.memref_slice %arg7[%add3A_123, %dma_start3A_124] : memref<256x128xf32, #tpu.memory_space<vmem>> -> memref<1x128xf32, #tpu.memory_space<vmem>>
      %dma_start3A_126 = tpu.memref_squeeze %dma_start3A_125 : memref<1x128xf32, #tpu.memory_space<vmem>> -> memref<128xf32, #tpu.memory_space<vmem>>
      %dma_start3A_127 = arith.constant 0 : i32
      %dma_start3A_128 = tpu.memref_slice %arg2[%squeeze3A_119, %dma_start3A_127] : memref<253952x128xf32, #tpu.memory_space<hbm>> -> memref<1x128xf32, #tpu.memory_space<hbm>>
      %dma_start3A_129 = tpu.memref_squeeze %dma_start3A_128 : memref<1x128xf32, #tpu.memory_space<hbm>> -> memref<128xf32, #tpu.memory_space<hbm>>
      %dma_start3A_130 = arith.constant 0 : i32
      %dma_start3A_131 = tpu.memref_slice %arg7[%add3A_123, %dma_start3A_130] : memref<256x128xf32, #tpu.memory_space<vmem>> -> memref<1x128xf32, #tpu.memory_space<vmem>>
      %dma_start3A_132 = tpu.memref_squeeze %dma_start3A_131 : memref<1x128xf32, #tpu.memory_space<vmem>> -> memref<128xf32, #tpu.memory_space<vmem>>
      %dma_start3A_133 = arith.constant 0 : i32
      %dma_start3A_134 = tpu.memref_slice %arg2[%squeeze3A_119, %dma_start3A_133] : memref<253952x128xf32, #tpu.memory_space<hbm>> -> memref<1x128xf32, #tpu.memory_space<hbm>>
      %dma_start3A_135 = tpu.memref_squeeze %dma_start3A_134 : memref<1x128xf32, #tpu.memory_space<hbm>> -> memref<128xf32, #tpu.memory_space<hbm>>
      tpu.enqueue_dma source(%dma_start3A_135 : memref<128xf32, #tpu.memory_space<hbm>>) target(%dma_start3A_132 : memref<128xf32, #tpu.memory_space<vmem>>) target_semaphore(%arg9 : memref<!tpu.dma_semaphore, #tpu.memory_space<semaphore_mem>>)
      %slice3A_136 = vector.extract_strided_slice %add3A_48 {offsets = [5], sizes = [1], strides = [1]} : vector<16xi32> to vector<1xi32>
      %squeeze3A_137 = vector.extract %slice3A_136[0] : i32 from vector<1xi32>
      %mul3A_138 = arith.constant 16 : i32
      %mul3A_139 = arith.muli %scan3A_29, %mul3A_138 : i32
      %add3A_140 = arith.constant 5 : i32
      %add3A_141 = arith.addi %mul3A_139, %add3A_140 : i32
      %dma_start3A_142 = arith.constant 0 : i32
      %dma_start3A_143 = tpu.memref_slice %arg7[%add3A_141, %dma_start3A_142] : memref<256x128xf32, #tpu.memory_space<vmem>> -> memref<1x128xf32, #tpu.memory_space<vmem>>
      %dma_start3A_144 = tpu.memref_squeeze %dma_start3A_143 : memref<1x128xf32, #tpu.memory_space<vmem>> -> memref<128xf32, #tpu.memory_space<vmem>>
      %dma_start3A_145 = arith.constant 0 : i32
      %dma_start3A_146 = tpu.memref_slice %arg2[%squeeze3A_137, %dma_start3A_145] : memref<253952x128xf32, #tpu.memory_space<hbm>> -> memref<1x128xf32, #tpu.memory_space<hbm>>
      %dma_start3A_147 = tpu.memref_squeeze %dma_start3A_146 : memref<1x128xf32, #tpu.memory_space<hbm>> -> memref<128xf32, #tpu.memory_space<hbm>>
      %dma_start3A_148 = arith.constant 0 : i32
      %dma_start3A_149 = tpu.memref_slice %arg7[%add3A_141, %dma_start3A_148] : memref<256x128xf32, #tpu.memory_space<vmem>> -> memref<1x128xf32, #tpu.memory_space<vmem>>
      %dma_start3A_150 = tpu.memref_squeeze %dma_start3A_149 : memref<1x128xf32, #tpu.memory_space<vmem>> -> memref<128xf32, #tpu.memory_space<vmem>>
      %dma_start3A_151 = arith.constant 0 : i32
      %dma_start3A_152 = tpu.memref_slice %arg2[%squeeze3A_137, %dma_start3A_151] : memref<253952x128xf32, #tpu.memory_space<hbm>> -> memref<1x128xf32, #tpu.memory_space<hbm>>
      %dma_start3A_153 = tpu.memref_squeeze %dma_start3A_152 : memref<1x128xf32, #tpu.memory_space<hbm>> -> memref<128xf32, #tpu.memory_space<hbm>>
      tpu.enqueue_dma source(%dma_start3A_153 : memref<128xf32, #tpu.memory_space<hbm>>) target(%dma_start3A_150 : memref<128xf32, #tpu.memory_space<vmem>>) target_semaphore(%arg9 : memref<!tpu.dma_semaphore, #tpu.memory_space<semaphore_mem>>)
      %slice3A_154 = vector.extract_strided_slice %add3A_48 {offsets = [6], sizes = [1], strides = [1]} : vector<16xi32> to vector<1xi32>
      %squeeze3A_155 = vector.extract %slice3A_154[0] : i32 from vector<1xi32>
      %mul3A_156 = arith.constant 16 : i32
      %mul3A_157 = arith.muli %scan3A_29, %mul3A_156 : i32
      %add3A_158 = arith.constant 6 : i32
      %add3A_159 = arith.addi %mul3A_157, %add3A_158 : i32
      %dma_start3A_160 = arith.constant 0 : i32
      %dma_start3A_161 = tpu.memref_slice %arg7[%add3A_159, %dma_start3A_160] : memref<256x128xf32, #tpu.memory_space<vmem>> -> memref<1x128xf32, #tpu.memory_space<vmem>>
      %dma_start3A_162 = tpu.memref_squeeze %dma_start3A_161 : memref<1x128xf32, #tpu.memory_space<vmem>> -> memref<128xf32, #tpu.memory_space<vmem>>
      %dma_start3A_163 = arith.constant 0 : i32
      %dma_start3A_164 = tpu.memref_slice %arg2[%squeeze3A_155, %dma_start3A_163] : memref<253952x128xf32, #tpu.memory_space<hbm>> -> memref<1x128xf32, #tpu.memory_space<hbm>>
      %dma_start3A_165 = tpu.memref_squeeze %dma_start3A_164 : memref<1x128xf32, #tpu.memory_space<hbm>> -> memref<128xf32, #tpu.memory_space<hbm>>
      %dma_start3A_166 = arith.constant 0 : i32
      %dma_start3A_167 = tpu.memref_slice %arg7[%add3A_159, %dma_start3A_166] : memref<256x128xf32, #tpu.memory_space<vmem>> -> memref<1x128xf32, #tpu.memory_space<vmem>>
      %dma_start3A_168 = tpu.memref_squeeze %dma_start3A_167 : memref<1x128xf32, #tpu.memory_space<vmem>> -> memref<128xf32, #tpu.memory_space<vmem>>
      %dma_start3A_169 = arith.constant 0 : i32
      %dma_start3A_170 = tpu.memref_slice %arg2[%squeeze3A_155, %dma_start3A_169] : memref<253952x128xf32, #tpu.memory_space<hbm>> -> memref<1x128xf32, #tpu.memory_space<hbm>>
      %dma_start3A_171 = tpu.memref_squeeze %dma_start3A_170 : memref<1x128xf32, #tpu.memory_space<hbm>> -> memref<128xf32, #tpu.memory_space<hbm>>
      tpu.enqueue_dma source(%dma_start3A_171 : memref<128xf32, #tpu.memory_space<hbm>>) target(%dma_start3A_168 : memref<128xf32, #tpu.memory_space<vmem>>) target_semaphore(%arg9 : memref<!tpu.dma_semaphore, #tpu.memory_space<semaphore_mem>>)
      %slice3A_172 = vector.extract_strided_slice %add3A_48 {offsets = [7], sizes = [1], strides = [1]} : vector<16xi32> to vector<1xi32>
      %squeeze3A_173 = vector.extract %slice3A_172[0] : i32 from vector<1xi32>
      %mul3A_174 = arith.constant 16 : i32
      %mul3A_175 = arith.muli %scan3A_29, %mul3A_174 : i32
      %add3A_176 = arith.constant 7 : i32
      %add3A_177 = arith.addi %mul3A_175, %add3A_176 : i32
      %dma_start3A_178 = arith.constant 0 : i32
      %dma_start3A_179 = tpu.memref_slice %arg7[%add3A_177, %dma_start3A_178] : memref<256x128xf32, #tpu.memory_space<vmem>> -> memref<1x128xf32, #tpu.memory_space<vmem>>
      %dma_start3A_180 = tpu.memref_squeeze %dma_start3A_179 : memref<1x128xf32, #tpu.memory_space<vmem>> -> memref<128xf32, #tpu.memory_space<vmem>>
      %dma_start3A_181 = arith.constant 0 : i32
      %dma_start3A_182 = tpu.memref_slice %arg2[%squeeze3A_173, %dma_start3A_181] : memref<253952x128xf32, #tpu.memory_space<hbm>> -> memref<1x128xf32, #tpu.memory_space<hbm>>
      %dma_start3A_183 = tpu.memref_squeeze %dma_start3A_182 : memref<1x128xf32, #tpu.memory_space<hbm>> -> memref<128xf32, #tpu.memory_space<hbm>>
      %dma_start3A_184 = arith.constant 0 : i32
      %dma_start3A_185 = tpu.memref_slice %arg7[%add3A_177, %dma_start3A_184] : memref<256x128xf32, #tpu.memory_space<vmem>> -> memref<1x128xf32, #tpu.memory_space<vmem>>
      %dma_start3A_186 = tpu.memref_squeeze %dma_start3A_185 : memref<1x128xf32, #tpu.memory_space<vmem>> -> memref<128xf32, #tpu.memory_space<vmem>>
      %dma_start3A_187 = arith.constant 0 : i32
      %dma_start3A_188 = tpu.memref_slice %arg2[%squeeze3A_173, %dma_start3A_187] : memref<253952x128xf32, #tpu.memory_space<hbm>> -> memref<1x128xf32, #tpu.memory_space<hbm>>
      %dma_start3A_189 = tpu.memref_squeeze %dma_start3A_188 : memref<1x128xf32, #tpu.memory_space<hbm>> -> memref<128xf32, #tpu.memory_space<hbm>>
      tpu.enqueue_dma source(%dma_start3A_189 : memref<128xf32, #tpu.memory_space<hbm>>) target(%dma_start3A_186 : memref<128xf32, #tpu.memory_space<vmem>>) target_semaphore(%arg9 : memref<!tpu.dma_semaphore, #tpu.memory_space<semaphore_mem>>)
      %slice3A_190 = vector.extract_strided_slice %add3A_48 {offsets = [8], sizes = [1], strides = [1]} : vector<16xi32> to vector<1xi32>
      %squeeze3A_191 = vector.extract %slice3A_190[0] : i32 from vector<1xi32>
      %mul3A_192 = arith.constant 16 : i32
      %mul3A_193 = arith.muli %scan3A_29, %mul3A_192 : i32
      %add3A_194 = arith.constant 8 : i32
      %add3A_195 = arith.addi %mul3A_193, %add3A_194 : i32
      %dma_start3A_196 = arith.constant 0 : i32
      %dma_start3A_197 = tpu.memref_slice %arg7[%add3A_195, %dma_start3A_196] : memref<256x128xf32, #tpu.memory_space<vmem>> -> memref<1x128xf32, #tpu.memory_space<vmem>>
      %dma_start3A_198 = tpu.memref_squeeze %dma_start3A_197 : memref<1x128xf32, #tpu.memory_space<vmem>> -> memref<128xf32, #tpu.memory_space<vmem>>
      %dma_start3A_199 = arith.constant 0 : i32
      %dma_start3A_200 = tpu.memref_slice %arg2[%squeeze3A_191, %dma_start3A_199] : memref<253952x128xf32, #tpu.memory_space<hbm>> -> memref<1x128xf32, #tpu.memory_space<hbm>>
      %dma_start3A_201 = tpu.memref_squeeze %dma_start3A_200 : memref<1x128xf32, #tpu.memory_space<hbm>> -> memref<128xf32, #tpu.memory_space<hbm>>
      %dma_start3A_202 = arith.constant 0 : i32
      %dma_start3A_203 = tpu.memref_slice %arg7[%add3A_195, %dma_start3A_202] : memref<256x128xf32, #tpu.memory_space<vmem>> -> memref<1x128xf32, #tpu.memory_space<vmem>>
      %dma_start3A_204 = tpu.memref_squeeze %dma_start3A_203 : memref<1x128xf32, #tpu.memory_space<vmem>> -> memref<128xf32, #tpu.memory_space<vmem>>
      %dma_start3A_205 = arith.constant 0 : i32
      %dma_start3A_206 = tpu.memref_slice %arg2[%squeeze3A_191, %dma_start3A_205] : memref<253952x128xf32, #tpu.memory_space<hbm>> -> memref<1x128xf32, #tpu.memory_space<hbm>>
      %dma_start3A_207 = tpu.memref_squeeze %dma_start3A_206 : memref<1x128xf32, #tpu.memory_space<hbm>> -> memref<128xf32, #tpu.memory_space<hbm>>
      tpu.enqueue_dma source(%dma_start3A_207 : memref<128xf32, #tpu.memory_space<hbm>>) target(%dma_start3A_204 : memref<128xf32, #tpu.memory_space<vmem>>) target_semaphore(%arg9 : memref<!tpu.dma_semaphore, #tpu.memory_space<semaphore_mem>>)
      %slice3A_208 = vector.extract_strided_slice %add3A_48 {offsets = [9], sizes = [1], strides = [1]} : vector<16xi32> to vector<1xi32>
      %squeeze3A_209 = vector.extract %slice3A_208[0] : i32 from vector<1xi32>
      %mul3A_210 = arith.constant 16 : i32
      %mul3A_211 = arith.muli %scan3A_29, %mul3A_210 : i32
      %add3A_212 = arith.constant 9 : i32
      %add3A_213 = arith.addi %mul3A_211, %add3A_212 : i32
      %dma_start3A_214 = arith.constant 0 : i32
      %dma_start3A_215 = tpu.memref_slice %arg7[%add3A_213, %dma_start3A_214] : memref<256x128xf32, #tpu.memory_space<vmem>> -> memref<1x128xf32, #tpu.memory_space<vmem>>
      %dma_start3A_216 = tpu.memref_squeeze %dma_start3A_215 : memref<1x128xf32, #tpu.memory_space<vmem>> -> memref<128xf32, #tpu.memory_space<vmem>>
      %dma_start3A_217 = arith.constant 0 : i32
      %dma_start3A_218 = tpu.memref_slice %arg2[%squeeze3A_209, %dma_start3A_217] : memref<253952x128xf32, #tpu.memory_space<hbm>> -> memref<1x128xf32, #tpu.memory_space<hbm>>
      %dma_start3A_219 = tpu.memref_squeeze %dma_start3A_218 : memref<1x128xf32, #tpu.memory_space<hbm>> -> memref<128xf32, #tpu.memory_space<hbm>>
      %dma_start3A_220 = arith.constant 0 : i32
      %dma_start3A_221 = tpu.memref_slice %arg7[%add3A_213, %dma_start3A_220] : memref<256x128xf32, #tpu.memory_space<vmem>> -> memref<1x128xf32, #tpu.memory_space<vmem>>
      %dma_start3A_222 = tpu.memref_squeeze %dma_start3A_221 : memref<1x128xf32, #tpu.memory_space<vmem>> -> memref<128xf32, #tpu.memory_space<vmem>>
      %dma_start3A_223 = arith.constant 0 : i32
      %dma_start3A_224 = tpu.memref_slice %arg2[%squeeze3A_209, %dma_start3A_223] : memref<253952x128xf32, #tpu.memory_space<hbm>> -> memref<1x128xf32, #tpu.memory_space<hbm>>
      %dma_start3A_225 = tpu.memref_squeeze %dma_start3A_224 : memref<1x128xf32, #tpu.memory_space<hbm>> -> memref<128xf32, #tpu.memory_space<hbm>>
      tpu.enqueue_dma source(%dma_start3A_225 : memref<128xf32, #tpu.memory_space<hbm>>) target(%dma_start3A_222 : memref<128xf32, #tpu.memory_space<vmem>>) target_semaphore(%arg9 : memref<!tpu.dma_semaphore, #tpu.memory_space<semaphore_mem>>)
      %slice3A_226 = vector.extract_strided_slice %add3A_48 {offsets = [10], sizes = [1], strides = [1]} : vector<16xi32> to vector<1xi32>
      %squeeze3A_227 = vector.extract %slice3A_226[0] : i32 from vector<1xi32>
      %mul3A_228 = arith.constant 16 : i32
      %mul3A_229 = arith.muli %scan3A_29, %mul3A_228 : i32
      %add3A_230 = arith.constant 10 : i32
      %add3A_231 = arith.addi %mul3A_229, %add3A_230 : i32
      %dma_start3A_232 = arith.constant 0 : i32
      %dma_start3A_233 = tpu.memref_slice %arg7[%add3A_231, %dma_start3A_232] : memref<256x128xf32, #tpu.memory_space<vmem>> -> memref<1x128xf32, #tpu.memory_space<vmem>>
      %dma_start3A_234 = tpu.memref_squeeze %dma_start3A_233 : memref<1x128xf32, #tpu.memory_space<vmem>> -> memref<128xf32, #tpu.memory_space<vmem>>
      %dma_start3A_235 = arith.constant 0 : i32
      %dma_start3A_236 = tpu.memref_slice %arg2[%squeeze3A_227, %dma_start3A_235] : memref<253952x128xf32, #tpu.memory_space<hbm>> -> memref<1x128xf32, #tpu.memory_space<hbm>>
      %dma_start3A_237 = tpu.memref_squeeze %dma_start3A_236 : memref<1x128xf32, #tpu.memory_space<hbm>> -> memref<128xf32, #tpu.memory_space<hbm>>
      %dma_start3A_238 = arith.constant 0 : i32
      %dma_start3A_239 = tpu.memref_slice %arg7[%add3A_231, %dma_start3A_238] : memref<256x128xf32, #tpu.memory_space<vmem>> -> memref<1x128xf32, #tpu.memory_space<vmem>>
      %dma_start3A_240 = tpu.memref_squeeze %dma_start3A_239 : memref<1x128xf32, #tpu.memory_space<vmem>> -> memref<128xf32, #tpu.memory_space<vmem>>
      %dma_start3A_241 = arith.constant 0 : i32
      %dma_start3A_242 = tpu.memref_slice %arg2[%squeeze3A_227, %dma_start3A_241] : memref<253952x128xf32, #tpu.memory_space<hbm>> -> memref<1x128xf32, #tpu.memory_space<hbm>>
      %dma_start3A_243 = tpu.memref_squeeze %dma_start3A_242 : memref<1x128xf32, #tpu.memory_space<hbm>> -> memref<128xf32, #tpu.memory_space<hbm>>
      tpu.enqueue_dma source(%dma_start3A_243 : memref<128xf32, #tpu.memory_space<hbm>>) target(%dma_start3A_240 : memref<128xf32, #tpu.memory_space<vmem>>) target_semaphore(%arg9 : memref<!tpu.dma_semaphore, #tpu.memory_space<semaphore_mem>>)
      %slice3A_244 = vector.extract_strided_slice %add3A_48 {offsets = [11], sizes = [1], strides = [1]} : vector<16xi32> to vector<1xi32>
      %squeeze3A_245 = vector.extract %slice3A_244[0] : i32 from vector<1xi32>
      %mul3A_246 = arith.constant 16 : i32
      %mul3A_247 = arith.muli %scan3A_29, %mul3A_246 : i32
      %add3A_248 = arith.constant 11 : i32
      %add3A_249 = arith.addi %mul3A_247, %add3A_248 : i32
      %dma_start3A_250 = arith.constant 0 : i32
      %dma_start3A_251 = tpu.memref_slice %arg7[%add3A_249, %dma_start3A_250] : memref<256x128xf32, #tpu.memory_space<vmem>> -> memref<1x128xf32, #tpu.memory_space<vmem>>
      %dma_start3A_252 = tpu.memref_squeeze %dma_start3A_251 : memref<1x128xf32, #tpu.memory_space<vmem>> -> memref<128xf32, #tpu.memory_space<vmem>>
      %dma_start3A_253 = arith.constant 0 : i32
      %dma_start3A_254 = tpu.memref_slice %arg2[%squeeze3A_245, %dma_start3A_253] : memref<253952x128xf32, #tpu.memory_space<hbm>> -> memref<1x128xf32, #tpu.memory_space<hbm>>
      %dma_start3A_255 = tpu.memref_squeeze %dma_start3A_254 : memref<1x128xf32, #tpu.memory_space<hbm>> -> memref<128xf32, #tpu.memory_space<hbm>>
      %dma_start3A_256 = arith.constant 0 : i32
      %dma_start3A_257 = tpu.memref_slice %arg7[%add3A_249, %dma_start3A_256] : memref<256x128xf32, #tpu.memory_space<vmem>> -> memref<1x128xf32, #tpu.memory_space<vmem>>
      %dma_start3A_258 = tpu.memref_squeeze %dma_start3A_257 : memref<1x128xf32, #tpu.memory_space<vmem>> -> memref<128xf32, #tpu.memory_space<vmem>>
      %dma_start3A_259 = arith.constant 0 : i32
      %dma_start3A_260 = tpu.memref_slice %arg2[%squeeze3A_245, %dma_start3A_259] : memref<253952x128xf32, #tpu.memory_space<hbm>> -> memref<1x128xf32, #tpu.memory_space<hbm>>
      %dma_start3A_261 = tpu.memref_squeeze %dma_start3A_260 : memref<1x128xf32, #tpu.memory_space<hbm>> -> memref<128xf32, #tpu.memory_space<hbm>>
      tpu.enqueue_dma source(%dma_start3A_261 : memref<128xf32, #tpu.memory_space<hbm>>) target(%dma_start3A_258 : memref<128xf32, #tpu.memory_space<vmem>>) target_semaphore(%arg9 : memref<!tpu.dma_semaphore, #tpu.memory_space<semaphore_mem>>)
      %slice3A_262 = vector.extract_strided_slice %add3A_48 {offsets = [12], sizes = [1], strides = [1]} : vector<16xi32> to vector<1xi32>
      %squeeze3A_263 = vector.extract %slice3A_262[0] : i32 from vector<1xi32>
      %mul3A_264 = arith.constant 16 : i32
      %mul3A_265 = arith.muli %scan3A_29, %mul3A_264 : i32
      %add3A_266 = arith.constant 12 : i32
      %add3A_267 = arith.addi %mul3A_265, %add3A_266 : i32
      %dma_start3A_268 = arith.constant 0 : i32
      %dma_start3A_269 = tpu.memref_slice %arg7[%add3A_267, %dma_start3A_268] : memref<256x128xf32, #tpu.memory_space<vmem>> -> memref<1x128xf32, #tpu.memory_space<vmem>>
      %dma_start3A_270 = tpu.memref_squeeze %dma_start3A_269 : memref<1x128xf32, #tpu.memory_space<vmem>> -> memref<128xf32, #tpu.memory_space<vmem>>
      %dma_start3A_271 = arith.constant 0 : i32
      %dma_start3A_272 = tpu.memref_slice %arg2[%squeeze3A_263, %dma_start3A_271] : memref<253952x128xf32, #tpu.memory_space<hbm>> -> memref<1x128xf32, #tpu.memory_space<hbm>>
      %dma_start3A_273 = tpu.memref_squeeze %dma_start3A_272 : memref<1x128xf32, #tpu.memory_space<hbm>> -> memref<128xf32, #tpu.memory_space<hbm>>
      %dma_start3A_274 = arith.constant 0 : i32
      %dma_start3A_275 = tpu.memref_slice %arg7[%add3A_267, %dma_start3A_274] : memref<256x128xf32, #tpu.memory_space<vmem>> -> memref<1x128xf32, #tpu.memory_space<vmem>>
      %dma_start3A_276 = tpu.memref_squeeze %dma_start3A_275 : memref<1x128xf32, #tpu.memory_space<vmem>> -> memref<128xf32, #tpu.memory_space<vmem>>
      %dma_start3A_277 = arith.constant 0 : i32
      %dma_start3A_278 = tpu.memref_slice %arg2[%squeeze3A_263, %dma_start3A_277] : memref<253952x128xf32, #tpu.memory_space<hbm>> -> memref<1x128xf32, #tpu.memory_space<hbm>>
      %dma_start3A_279 = tpu.memref_squeeze %dma_start3A_278 : memref<1x128xf32, #tpu.memory_space<hbm>> -> memref<128xf32, #tpu.memory_space<hbm>>
      tpu.enqueue_dma source(%dma_start3A_279 : memref<128xf32, #tpu.memory_space<hbm>>) target(%dma_start3A_276 : memref<128xf32, #tpu.memory_space<vmem>>) target_semaphore(%arg9 : memref<!tpu.dma_semaphore, #tpu.memory_space<semaphore_mem>>)
      %slice3A_280 = vector.extract_strided_slice %add3A_48 {offsets = [13], sizes = [1], strides = [1]} : vector<16xi32> to vector<1xi32>
      %squeeze3A_281 = vector.extract %slice3A_280[0] : i32 from vector<1xi32>
      %mul3A_282 = arith.constant 16 : i32
      %mul3A_283 = arith.muli %scan3A_29, %mul3A_282 : i32
      %add3A_284 = arith.constant 13 : i32
      %add3A_285 = arith.addi %mul3A_283, %add3A_284 : i32
      %dma_start3A_286 = arith.constant 0 : i32
      %dma_start3A_287 = tpu.memref_slice %arg7[%add3A_285, %dma_start3A_286] : memref<256x128xf32, #tpu.memory_space<vmem>> -> memref<1x128xf32, #tpu.memory_space<vmem>>
      %dma_start3A_288 = tpu.memref_squeeze %dma_start3A_287 : memref<1x128xf32, #tpu.memory_space<vmem>> -> memref<128xf32, #tpu.memory_space<vmem>>
      %dma_start3A_289 = arith.constant 0 : i32
      %dma_start3A_290 = tpu.memref_slice %arg2[%squeeze3A_281, %dma_start3A_289] : memref<253952x128xf32, #tpu.memory_space<hbm>> -> memref<1x128xf32, #tpu.memory_space<hbm>>
      %dma_start3A_291 = tpu.memref_squeeze %dma_start3A_290 : memref<1x128xf32, #tpu.memory_space<hbm>> -> memref<128xf32, #tpu.memory_space<hbm>>
      %dma_start3A_292 = arith.constant 0 : i32
      %dma_start3A_293 = tpu.memref_slice %arg7[%add3A_285, %dma_start3A_292] : memref<256x128xf32, #tpu.memory_space<vmem>> -> memref<1x128xf32, #tpu.memory_space<vmem>>
      %dma_start3A_294 = tpu.memref_squeeze %dma_start3A_293 : memref<1x128xf32, #tpu.memory_space<vmem>> -> memref<128xf32, #tpu.memory_space<vmem>>
      %dma_start3A_295 = arith.constant 0 : i32
      %dma_start3A_296 = tpu.memref_slice %arg2[%squeeze3A_281, %dma_start3A_295] : memref<253952x128xf32, #tpu.memory_space<hbm>> -> memref<1x128xf32, #tpu.memory_space<hbm>>
      %dma_start3A_297 = tpu.memref_squeeze %dma_start3A_296 : memref<1x128xf32, #tpu.memory_space<hbm>> -> memref<128xf32, #tpu.memory_space<hbm>>
      tpu.enqueue_dma source(%dma_start3A_297 : memref<128xf32, #tpu.memory_space<hbm>>) target(%dma_start3A_294 : memref<128xf32, #tpu.memory_space<vmem>>) target_semaphore(%arg9 : memref<!tpu.dma_semaphore, #tpu.memory_space<semaphore_mem>>)
      %slice3A_298 = vector.extract_strided_slice %add3A_48 {offsets = [14], sizes = [1], strides = [1]} : vector<16xi32> to vector<1xi32>
      %squeeze3A_299 = vector.extract %slice3A_298[0] : i32 from vector<1xi32>
      %mul3A_300 = arith.constant 16 : i32
      %mul3A_301 = arith.muli %scan3A_29, %mul3A_300 : i32
      %add3A_302 = arith.constant 14 : i32
      %add3A_303 = arith.addi %mul3A_301, %add3A_302 : i32
      %dma_start3A_304 = arith.constant 0 : i32
      %dma_start3A_305 = tpu.memref_slice %arg7[%add3A_303, %dma_start3A_304] : memref<256x128xf32, #tpu.memory_space<vmem>> -> memref<1x128xf32, #tpu.memory_space<vmem>>
      %dma_start3A_306 = tpu.memref_squeeze %dma_start3A_305 : memref<1x128xf32, #tpu.memory_space<vmem>> -> memref<128xf32, #tpu.memory_space<vmem>>
      %dma_start3A_307 = arith.constant 0 : i32
      %dma_start3A_308 = tpu.memref_slice %arg2[%squeeze3A_299, %dma_start3A_307] : memref<253952x128xf32, #tpu.memory_space<hbm>> -> memref<1x128xf32, #tpu.memory_space<hbm>>
      %dma_start3A_309 = tpu.memref_squeeze %dma_start3A_308 : memref<1x128xf32, #tpu.memory_space<hbm>> -> memref<128xf32, #tpu.memory_space<hbm>>
      %dma_start3A_310 = arith.constant 0 : i32
      %dma_start3A_311 = tpu.memref_slice %arg7[%add3A_303, %dma_start3A_310] : memref<256x128xf32, #tpu.memory_space<vmem>> -> memref<1x128xf32, #tpu.memory_space<vmem>>
      %dma_start3A_312 = tpu.memref_squeeze %dma_start3A_311 : memref<1x128xf32, #tpu.memory_space<vmem>> -> memref<128xf32, #tpu.memory_space<vmem>>
      %dma_start3A_313 = arith.constant 0 : i32
      %dma_start3A_314 = tpu.memref_slice %arg2[%squeeze3A_299, %dma_start3A_313] : memref<253952x128xf32, #tpu.memory_space<hbm>> -> memref<1x128xf32, #tpu.memory_space<hbm>>
      %dma_start3A_315 = tpu.memref_squeeze %dma_start3A_314 : memref<1x128xf32, #tpu.memory_space<hbm>> -> memref<128xf32, #tpu.memory_space<hbm>>
      tpu.enqueue_dma source(%dma_start3A_315 : memref<128xf32, #tpu.memory_space<hbm>>) target(%dma_start3A_312 : memref<128xf32, #tpu.memory_space<vmem>>) target_semaphore(%arg9 : memref<!tpu.dma_semaphore, #tpu.memory_space<semaphore_mem>>)
      %slice3A_316 = vector.extract_strided_slice %add3A_48 {offsets = [15], sizes = [1], strides = [1]} : vector<16xi32> to vector<1xi32>
      %squeeze3A_317 = vector.extract %slice3A_316[0] : i32 from vector<1xi32>
      %mul3A_318 = arith.constant 16 : i32
      %mul3A_319 = arith.muli %scan3A_29, %mul3A_318 : i32
      %add3A_320 = arith.constant 15 : i32
      %add3A_321 = arith.addi %mul3A_319, %add3A_320 : i32
      %dma_start3A_322 = arith.constant 0 : i32
      %dma_start3A_323 = tpu.memref_slice %arg7[%add3A_321, %dma_start3A_322] : memref<256x128xf32, #tpu.memory_space<vmem>> -> memref<1x128xf32, #tpu.memory_space<vmem>>
      %dma_start3A_324 = tpu.memref_squeeze %dma_start3A_323 : memref<1x128xf32, #tpu.memory_space<vmem>> -> memref<128xf32, #tpu.memory_space<vmem>>
      %dma_start3A_325 = arith.constant 0 : i32
      %dma_start3A_326 = tpu.memref_slice %arg2[%squeeze3A_317, %dma_start3A_325] : memref<253952x128xf32, #tpu.memory_space<hbm>> -> memref<1x128xf32, #tpu.memory_space<hbm>>
      %dma_start3A_327 = tpu.memref_squeeze %dma_start3A_326 : memref<1x128xf32, #tpu.memory_space<hbm>> -> memref<128xf32, #tpu.memory_space<hbm>>
      %dma_start3A_328 = arith.constant 0 : i32
      %dma_start3A_329 = tpu.memref_slice %arg7[%add3A_321, %dma_start3A_328] : memref<256x128xf32, #tpu.memory_space<vmem>> -> memref<1x128xf32, #tpu.memory_space<vmem>>
      %dma_start3A_330 = tpu.memref_squeeze %dma_start3A_329 : memref<1x128xf32, #tpu.memory_space<vmem>> -> memref<128xf32, #tpu.memory_space<vmem>>
      %dma_start3A_331 = arith.constant 0 : i32
      %dma_start3A_332 = tpu.memref_slice %arg2[%squeeze3A_317, %dma_start3A_331] : memref<253952x128xf32, #tpu.memory_space<hbm>> -> memref<1x128xf32, #tpu.memory_space<hbm>>
      %dma_start3A_333 = tpu.memref_squeeze %dma_start3A_332 : memref<1x128xf32, #tpu.memory_space<hbm>> -> memref<128xf32, #tpu.memory_space<hbm>>
      tpu.enqueue_dma source(%dma_start3A_333 : memref<128xf32, #tpu.memory_space<hbm>>) target(%dma_start3A_330 : memref<128xf32, #tpu.memory_space<vmem>>) target_semaphore(%arg9 : memref<!tpu.dma_semaphore, #tpu.memory_space<semaphore_mem>>)
    }
    %scan3A_13 = arith.constant 16 : i32
    %dma_wait3A = arith.constant 0 : i32
    %dma_wait3A_14 = arith.constant 0 : i32
    %dma_wait3A_15 = tpu.memref_slice %arg4[%dma_wait3A, %dma_wait3A_14] : memref<16384x128xf32, #tpu.memory_space<hbm>> -> memref<256x128xf32, #tpu.memory_space<hbm>>
    %dma_wait3A_16 = arith.constant 0 : i32
    %dma_wait3A_17 = arith.constant 0 : i32
    %dma_wait3A_18 = tpu.memref_slice %arg4[%dma_wait3A_16, %dma_wait3A_17] : memref<16384x128xf32, #tpu.memory_space<hbm>> -> memref<256x128xf32, #tpu.memory_space<hbm>>
    tpu.wait_dma2 semaphore(%arg8 : memref<!tpu.dma_semaphore, #tpu.memory_space<semaphore_mem>>) src(%dma_wait3A_18 : memref<256x128xf32, #tpu.memory_space<hbm>>) dst(%arg6 : memref<256x128xf32, #tpu.memory_space<vmem>>)
    %add3A_19 = arith.constant 0 : i32
    %add3A_20 = arith.addi %mul3A_2, %add3A_19 : i32
    "tpu.region"() ({
      %run_scoped3A = tpu.sem_alloc : memref<!tpu.dma_semaphore, #tpu.memory_space<semaphore_mem>>
      %dma_start3A = arith.constant 0 : i32
      %dma_start3A_29 = tpu.memref_slice %arg4[%add3A_20, %dma_start3A] : memref<16384x128xf32, #tpu.memory_space<hbm>> -> memref<256x128xf32, #tpu.memory_space<hbm>>
      %dma_start3A_30 = arith.constant 0 : i32
      %dma_start3A_31 = tpu.memref_slice %arg4[%add3A_20, %dma_start3A_30] : memref<16384x128xf32, #tpu.memory_space<hbm>> -> memref<256x128xf32, #tpu.memory_space<hbm>>
      tpu.enqueue_dma source(%arg6 : memref<256x128xf32, #tpu.memory_space<vmem>>) target(%dma_start3A_31 : memref<256x128xf32, #tpu.memory_space<hbm>>) target_semaphore(%run_scoped3A : memref<!tpu.dma_semaphore, #tpu.memory_space<semaphore_mem>>)
      %dma_wait3A_32 = arith.constant 0 : i32
      %dma_wait3A_33 = tpu.memref_slice %arg4[%add3A_20, %dma_wait3A_32] : memref<16384x128xf32, #tpu.memory_space<hbm>> -> memref<256x128xf32, #tpu.memory_space<hbm>>
      %dma_wait3A_34 = arith.constant 0 : i32
      %dma_wait3A_35 = tpu.memref_slice %arg4[%add3A_20, %dma_wait3A_34] : memref<16384x128xf32, #tpu.memory_space<hbm>> -> memref<256x128xf32, #tpu.memory_space<hbm>>
      tpu.wait_dma2 semaphore(%run_scoped3A : memref<!tpu.dma_semaphore, #tpu.memory_space<semaphore_mem>>) src(%arg6 : memref<256x128xf32, #tpu.memory_space<vmem>>) dst(%dma_wait3A_35 : memref<256x128xf32, #tpu.memory_space<hbm>>)
      tpu.yield
    }) : () -> ()
    %dma_wait3A_21 = arith.constant 0 : i32
    %dma_wait3A_22 = arith.constant 0 : i32
    %dma_wait3A_23 = tpu.memref_slice %arg4[%dma_wait3A_21, %dma_wait3A_22] : memref<16384x128xf32, #tpu.memory_space<hbm>> -> memref<256x128xf32, #tpu.memory_space<hbm>>
    %dma_wait3A_24 = arith.constant 0 : i32
    %dma_wait3A_25 = arith.constant 0 : i32
    %dma_wait3A_26 = tpu.memref_slice %arg4[%dma_wait3A_24, %dma_wait3A_25] : memref<16384x128xf32, #tpu.memory_space<hbm>> -> memref<256x128xf32, #tpu.memory_space<hbm>>
    tpu.wait_dma2 semaphore(%arg9 : memref<!tpu.dma_semaphore, #tpu.memory_space<semaphore_mem>>) src(%dma_wait3A_26 : memref<256x128xf32, #tpu.memory_space<hbm>>) dst(%arg7 : memref<256x128xf32, #tpu.memory_space<vmem>>)
    %add3A_27 = arith.constant 256 : i32
    %add3A_28 = arith.addi %mul3A_2, %add3A_27 : i32
    "tpu.region"() ({
      %run_scoped3A = tpu.sem_alloc : memref<!tpu.dma_semaphore, #tpu.memory_space<semaphore_mem>>
      %dma_start3A = arith.constant 0 : i32
      %dma_start3A_29 = tpu.memref_slice %arg4[%add3A_28, %dma_start3A] : memref<16384x128xf32, #tpu.memory_space<hbm>> -> memref<256x128xf32, #tpu.memory_space<hbm>>
      %dma_start3A_30 = arith.constant 0 : i32
      %dma_start3A_31 = tpu.memref_slice %arg4[%add3A_28, %dma_start3A_30] : memref<16384x128xf32, #tpu.memory_space<hbm>> -> memref<256x128xf32, #tpu.memory_space<hbm>>
      tpu.enqueue_dma source(%arg7 : memref<256x128xf32, #tpu.memory_space<vmem>>) target(%dma_start3A_31 : memref<256x128xf32, #tpu.memory_space<hbm>>) target_semaphore(%run_scoped3A : memref<!tpu.dma_semaphore, #tpu.memory_space<semaphore_mem>>)
      %dma_wait3A_32 = arith.constant 0 : i32
      %dma_wait3A_33 = tpu.memref_slice %arg4[%add3A_28, %dma_wait3A_32] : memref<16384x128xf32, #tpu.memory_space<hbm>> -> memref<256x128xf32, #tpu.memory_space<hbm>>
      %dma_wait3A_34 = arith.constant 0 : i32
      %dma_wait3A_35 = tpu.memref_slice %arg4[%add3A_28, %dma_wait3A_34] : memref<16384x128xf32, #tpu.memory_space<hbm>> -> memref<256x128xf32, #tpu.memory_space<hbm>>
      tpu.wait_dma2 semaphore(%run_scoped3A : memref<!tpu.dma_semaphore, #tpu.memory_space<semaphore_mem>>) src(%arg7 : memref<256x128xf32, #tpu.memory_space<vmem>>) dst(%dma_wait3A_35 : memref<256x128xf32, #tpu.memory_space<hbm>>)
      tpu.yield
    }) : () -> ()
    return
  }
}

#map = affine_map<(d0, d1) -> (0, 0)>
#map1 = affine_map<(d0, d1) -> (0)>
module attributes {stable_mosaic.version = 14 : i64} {
  func.func @gather_kernel(%arg0: i32, %arg1: i32, %arg2: memref<32768x128xf32, #tpu.memory_space<hbm>>, %arg3: memref<16384xi32, #tpu.memory_space<hbm>>, %arg4: memref<16384x128xf32, #tpu.memory_space<hbm>>, %arg5: memref<512xi32, #tpu.memory_space<vmem>>, %arg6: memref<256x128xf32, #tpu.memory_space<vmem>>, %arg7: memref<256x128xf32, #tpu.memory_space<vmem>>, %arg8: memref<!tpu.dma_semaphore, #tpu.memory_space<semaphore_mem>>, %arg9: memref<!tpu.dma_semaphore, #tpu.memory_space<semaphore_mem>>) attributes {dimension_semantics = [#tpu.dimension_semantics<core_parallel>, #tpu.dimension_semantics<subcore_parallel>], iteration_bounds = array<i64: 2, 16>, scalar_prefetch = 0 : i64, scratch_operands = 5 : i64, tpu.core_type = #tpu.core_type<sc_vector_subcore>, window_params = [{transform_indices = #map}, {transform_indices = #map1}, {transform_indices = #map}]} {
    %mul3A = arith.constant 2 : i32
    %mul3A_0 = arith.muli %arg1, %mul3A : i32
    %add3A = arith.addi %mul3A_0, %arg0 : i32
    %mul3A_1 = arith.constant 512 : i32
    %mul3A_2 = arith.muli %add3A, %mul3A_1 : i32
    "tpu.region"() ({
      %run_scoped3A = tpu.sem_alloc : memref<!tpu.dma_semaphore, #tpu.memory_space<semaphore_mem>>
      %dma_start3A = tpu.memref_slice %arg3[%mul3A_2] : memref<16384xi32, #tpu.memory_space<hbm>> -> memref<512xi32, #tpu.memory_space<hbm>>
      %dma_start3A_29 = tpu.memref_slice %arg3[%mul3A_2] : memref<16384xi32, #tpu.memory_space<hbm>> -> memref<512xi32, #tpu.memory_space<hbm>>
      tpu.enqueue_dma source(%dma_start3A_29 : memref<512xi32, #tpu.memory_space<hbm>>) target(%arg5 : memref<512xi32, #tpu.memory_space<vmem>>) target_semaphore(%run_scoped3A : memref<!tpu.dma_semaphore, #tpu.memory_space<semaphore_mem>>)
      %dma_wait3A_30 = tpu.memref_slice %arg3[%mul3A_2] : memref<16384xi32, #tpu.memory_space<hbm>> -> memref<512xi32, #tpu.memory_space<hbm>>
      %dma_wait3A_31 = tpu.memref_slice %arg3[%mul3A_2] : memref<16384xi32, #tpu.memory_space<hbm>> -> memref<512xi32, #tpu.memory_space<hbm>>
      tpu.wait_dma2 semaphore(%run_scoped3A : memref<!tpu.dma_semaphore, #tpu.memory_space<semaphore_mem>>) src(%dma_wait3A_31 : memref<512xi32, #tpu.memory_space<hbm>>) dst(%arg5 : memref<512xi32, #tpu.memory_space<vmem>>)
      tpu.yield
    }) : () -> ()
    %scan3A = arith.constant 0 : i32
    %scan3A_3 = arith.constant 0 : i32
    %scan3A_4 = arith.constant 16 : i32
    %scan3A_5 = arith.addi %scan3A_3, %scan3A_4 : i32
    %scan3A_6 = arith.constant 1 : i32
    scf.for %scan3A_29 = %scan3A_3 to %scan3A_5 step %scan3A_6  : i32 {
      %mul3A_30 = arith.constant 16 : i32
      %mul3A_31 = arith.muli %scan3A_29, %mul3A_30 : i32
      %add3A_32 = arith.constant 0 : i32
      %add3A_33 = arith.addi %add3A_32, %mul3A_31 : i32
      %get3A = arith.index_cast %add3A_33 : i32 to index
      %get3A_34 = tpu.vector_load %arg5[%get3A] {strides = array<i32>} : memref<512xi32, #tpu.memory_space<vmem>>, vector<16xi32>,
      %get3A_35 = vector.shape_cast %get3A_34 : vector<16xi32> to vector<16xi32>
      %shift_right_arithmetic3A = arith.constant 14 : i32
      %shift_right_arithmetic3A_36 = vector.broadcast %shift_right_arithmetic3A : i32 to vector<16xi32>
      %shift_right_arithmetic3A_37 = arith.shrsi %get3A_35, %shift_right_arithmetic3A_36 : vector<16xi32>
      %shift_right_arithmetic3A_38 = arith.constant 1 : i32
      %shift_right_arithmetic3A_39 = vector.broadcast %shift_right_arithmetic3A_38 : i32 to vector<16xi32>
      %shift_right_arithmetic3A_40 = arith.shrsi %shift_right_arithmetic3A_37, %shift_right_arithmetic3A_39 : vector<16xi32>
      %shift_left3A = arith.constant 13 : i32
      %shift_left3A_41 = vector.broadcast %shift_left3A : i32 to vector<16xi32>
      %shift_left3A_42 = arith.shli %shift_right_arithmetic3A_40, %shift_left3A_41 : vector<16xi32>
      %and3A = arith.constant 16383 : i32
      %and3A_43 = vector.broadcast %and3A : i32 to vector<16xi32>
      %and3A_44 = arith.andi %get3A_35, %and3A_43 : vector<16xi32>
      %shift_right_arithmetic3A_45 = arith.constant 1 : i32
      %shift_right_arithmetic3A_46 = vector.broadcast %shift_right_arithmetic3A_45 : i32 to vector<16xi32>
      %shift_right_arithmetic3A_47 = arith.shrsi %and3A_44, %shift_right_arithmetic3A_46 : vector<16xi32>
      %add3A_48 = arith.addi %shift_left3A_42, %shift_right_arithmetic3A_47 : vector<16xi32>
      %slice3A = vector.extract_strided_slice %add3A_48 {offsets = [0], sizes = [1], strides = [1]} : vector<16xi32> to vector<1xi32>
      %squeeze3A = vector.extract %slice3A[0] : i32 from vector<1xi32>
      %mul3A_49 = arith.constant 16 : i32
      %mul3A_50 = arith.muli %scan3A_29, %mul3A_49 : i32
      %add3A_51 = arith.constant 0 : i32
      %add3A_52 = arith.addi %mul3A_50, %add3A_51 : i32
      %dma_start3A = arith.constant 0 : i32
      %dma_start3A_53 = tpu.memref_slice %arg6[%add3A_52, %dma_start3A] : memref<256x128xf32, #tpu.memory_space<vmem>> -> memref<1x128xf32, #tpu.memory_space<vmem>>
      %dma_start3A_54 = tpu.memref_squeeze %dma_start3A_53 : memref<1x128xf32, #tpu.memory_space<vmem>> -> memref<128xf32, #tpu.memory_space<vmem>>
      %dma_start3A_55 = arith.constant 0 : i32
      %dma_start3A_56 = tpu.memref_slice %arg2[%squeeze3A, %dma_start3A_55] : memref<32768x128xf32, #tpu.memory_space<hbm>> -> memref<1x128xf32, #tpu.memory_space<hbm>>
      %dma_start3A_57 = tpu.memref_squeeze %dma_start3A_56 : memref<1x128xf32, #tpu.memory_space<hbm>> -> memref<128xf32, #tpu.memory_space<hbm>>
      %dma_start3A_58 = arith.constant 0 : i32
      %dma_start3A_59 = tpu.memref_slice %arg6[%add3A_52, %dma_start3A_58] : memref<256x128xf32, #tpu.memory_space<vmem>> -> memref<1x128xf32, #tpu.memory_space<vmem>>
      %dma_start3A_60 = tpu.memref_squeeze %dma_start3A_59 : memref<1x128xf32, #tpu.memory_space<vmem>> -> memref<128xf32, #tpu.memory_space<vmem>>
      %dma_start3A_61 = arith.constant 0 : i32
      %dma_start3A_62 = tpu.memref_slice %arg2[%squeeze3A, %dma_start3A_61] : memref<32768x128xf32, #tpu.memory_space<hbm>> -> memref<1x128xf32, #tpu.memory_space<hbm>>
      %dma_start3A_63 = tpu.memref_squeeze %dma_start3A_62 : memref<1x128xf32, #tpu.memory_space<hbm>> -> memref<128xf32, #tpu.memory_space<hbm>>
      tpu.enqueue_dma source(%dma_start3A_63 : memref<128xf32, #tpu.memory_space<hbm>>) target(%dma_start3A_60 : memref<128xf32, #tpu.memory_space<vmem>>) target_semaphore(%arg8 : memref<!tpu.dma_semaphore, #tpu.memory_space<semaphore_mem>>)
      %slice3A_64 = vector.extract_strided_slice %add3A_48 {offsets = [1], sizes = [1], strides = [1]} : vector<16xi32> to vector<1xi32>
      %squeeze3A_65 = vector.extract %slice3A_64[0] : i32 from vector<1xi32>
      %mul3A_66 = arith.constant 16 : i32
      %mul3A_67 = arith.muli %scan3A_29, %mul3A_66 : i32
      %add3A_68 = arith.constant 1 : i32
      %add3A_69 = arith.addi %mul3A_67, %add3A_68 : i32
      %dma_start3A_70 = arith.constant 0 : i32
      %dma_start3A_71 = tpu.memref_slice %arg6[%add3A_69, %dma_start3A_70] : memref<256x128xf32, #tpu.memory_space<vmem>> -> memref<1x128xf32, #tpu.memory_space<vmem>>
      %dma_start3A_72 = tpu.memref_squeeze %dma_start3A_71 : memref<1x128xf32, #tpu.memory_space<vmem>> -> memref<128xf32, #tpu.memory_space<vmem>>
      %dma_start3A_73 = arith.constant 0 : i32
      %dma_start3A_74 = tpu.memref_slice %arg2[%squeeze3A_65, %dma_start3A_73] : memref<32768x128xf32, #tpu.memory_space<hbm>> -> memref<1x128xf32, #tpu.memory_space<hbm>>
      %dma_start3A_75 = tpu.memref_squeeze %dma_start3A_74 : memref<1x128xf32, #tpu.memory_space<hbm>> -> memref<128xf32, #tpu.memory_space<hbm>>
      %dma_start3A_76 = arith.constant 0 : i32
      %dma_start3A_77 = tpu.memref_slice %arg6[%add3A_69, %dma_start3A_76] : memref<256x128xf32, #tpu.memory_space<vmem>> -> memref<1x128xf32, #tpu.memory_space<vmem>>
      %dma_start3A_78 = tpu.memref_squeeze %dma_start3A_77 : memref<1x128xf32, #tpu.memory_space<vmem>> -> memref<128xf32, #tpu.memory_space<vmem>>
      %dma_start3A_79 = arith.constant 0 : i32
      %dma_start3A_80 = tpu.memref_slice %arg2[%squeeze3A_65, %dma_start3A_79] : memref<32768x128xf32, #tpu.memory_space<hbm>> -> memref<1x128xf32, #tpu.memory_space<hbm>>
      %dma_start3A_81 = tpu.memref_squeeze %dma_start3A_80 : memref<1x128xf32, #tpu.memory_space<hbm>> -> memref<128xf32, #tpu.memory_space<hbm>>
      tpu.enqueue_dma source(%dma_start3A_81 : memref<128xf32, #tpu.memory_space<hbm>>) target(%dma_start3A_78 : memref<128xf32, #tpu.memory_space<vmem>>) target_semaphore(%arg8 : memref<!tpu.dma_semaphore, #tpu.memory_space<semaphore_mem>>)
      %slice3A_82 = vector.extract_strided_slice %add3A_48 {offsets = [2], sizes = [1], strides = [1]} : vector<16xi32> to vector<1xi32>
      %squeeze3A_83 = vector.extract %slice3A_82[0] : i32 from vector<1xi32>
      %mul3A_84 = arith.constant 16 : i32
      %mul3A_85 = arith.muli %scan3A_29, %mul3A_84 : i32
      %add3A_86 = arith.constant 2 : i32
      %add3A_87 = arith.addi %mul3A_85, %add3A_86 : i32
      %dma_start3A_88 = arith.constant 0 : i32
      %dma_start3A_89 = tpu.memref_slice %arg6[%add3A_87, %dma_start3A_88] : memref<256x128xf32, #tpu.memory_space<vmem>> -> memref<1x128xf32, #tpu.memory_space<vmem>>
      %dma_start3A_90 = tpu.memref_squeeze %dma_start3A_89 : memref<1x128xf32, #tpu.memory_space<vmem>> -> memref<128xf32, #tpu.memory_space<vmem>>
      %dma_start3A_91 = arith.constant 0 : i32
      %dma_start3A_92 = tpu.memref_slice %arg2[%squeeze3A_83, %dma_start3A_91] : memref<32768x128xf32, #tpu.memory_space<hbm>> -> memref<1x128xf32, #tpu.memory_space<hbm>>
      %dma_start3A_93 = tpu.memref_squeeze %dma_start3A_92 : memref<1x128xf32, #tpu.memory_space<hbm>> -> memref<128xf32, #tpu.memory_space<hbm>>
      %dma_start3A_94 = arith.constant 0 : i32
      %dma_start3A_95 = tpu.memref_slice %arg6[%add3A_87, %dma_start3A_94] : memref<256x128xf32, #tpu.memory_space<vmem>> -> memref<1x128xf32, #tpu.memory_space<vmem>>
      %dma_start3A_96 = tpu.memref_squeeze %dma_start3A_95 : memref<1x128xf32, #tpu.memory_space<vmem>> -> memref<128xf32, #tpu.memory_space<vmem>>
      %dma_start3A_97 = arith.constant 0 : i32
      %dma_start3A_98 = tpu.memref_slice %arg2[%squeeze3A_83, %dma_start3A_97] : memref<32768x128xf32, #tpu.memory_space<hbm>> -> memref<1x128xf32, #tpu.memory_space<hbm>>
      %dma_start3A_99 = tpu.memref_squeeze %dma_start3A_98 : memref<1x128xf32, #tpu.memory_space<hbm>> -> memref<128xf32, #tpu.memory_space<hbm>>
      tpu.enqueue_dma source(%dma_start3A_99 : memref<128xf32, #tpu.memory_space<hbm>>) target(%dma_start3A_96 : memref<128xf32, #tpu.memory_space<vmem>>) target_semaphore(%arg8 : memref<!tpu.dma_semaphore, #tpu.memory_space<semaphore_mem>>)
      %slice3A_100 = vector.extract_strided_slice %add3A_48 {offsets = [3], sizes = [1], strides = [1]} : vector<16xi32> to vector<1xi32>
      %squeeze3A_101 = vector.extract %slice3A_100[0] : i32 from vector<1xi32>
      %mul3A_102 = arith.constant 16 : i32
      %mul3A_103 = arith.muli %scan3A_29, %mul3A_102 : i32
      %add3A_104 = arith.constant 3 : i32
      %add3A_105 = arith.addi %mul3A_103, %add3A_104 : i32
      %dma_start3A_106 = arith.constant 0 : i32
      %dma_start3A_107 = tpu.memref_slice %arg6[%add3A_105, %dma_start3A_106] : memref<256x128xf32, #tpu.memory_space<vmem>> -> memref<1x128xf32, #tpu.memory_space<vmem>>
      %dma_start3A_108 = tpu.memref_squeeze %dma_start3A_107 : memref<1x128xf32, #tpu.memory_space<vmem>> -> memref<128xf32, #tpu.memory_space<vmem>>
      %dma_start3A_109 = arith.constant 0 : i32
      %dma_start3A_110 = tpu.memref_slice %arg2[%squeeze3A_101, %dma_start3A_109] : memref<32768x128xf32, #tpu.memory_space<hbm>> -> memref<1x128xf32, #tpu.memory_space<hbm>>
      %dma_start3A_111 = tpu.memref_squeeze %dma_start3A_110 : memref<1x128xf32, #tpu.memory_space<hbm>> -> memref<128xf32, #tpu.memory_space<hbm>>
      %dma_start3A_112 = arith.constant 0 : i32
      %dma_start3A_113 = tpu.memref_slice %arg6[%add3A_105, %dma_start3A_112] : memref<256x128xf32, #tpu.memory_space<vmem>> -> memref<1x128xf32, #tpu.memory_space<vmem>>
      %dma_start3A_114 = tpu.memref_squeeze %dma_start3A_113 : memref<1x128xf32, #tpu.memory_space<vmem>> -> memref<128xf32, #tpu.memory_space<vmem>>
      %dma_start3A_115 = arith.constant 0 : i32
      %dma_start3A_116 = tpu.memref_slice %arg2[%squeeze3A_101, %dma_start3A_115] : memref<32768x128xf32, #tpu.memory_space<hbm>> -> memref<1x128xf32, #tpu.memory_space<hbm>>
      %dma_start3A_117 = tpu.memref_squeeze %dma_start3A_116 : memref<1x128xf32, #tpu.memory_space<hbm>> -> memref<128xf32, #tpu.memory_space<hbm>>
      tpu.enqueue_dma source(%dma_start3A_117 : memref<128xf32, #tpu.memory_space<hbm>>) target(%dma_start3A_114 : memref<128xf32, #tpu.memory_space<vmem>>) target_semaphore(%arg8 : memref<!tpu.dma_semaphore, #tpu.memory_space<semaphore_mem>>)
      %slice3A_118 = vector.extract_strided_slice %add3A_48 {offsets = [4], sizes = [1], strides = [1]} : vector<16xi32> to vector<1xi32>
      %squeeze3A_119 = vector.extract %slice3A_118[0] : i32 from vector<1xi32>
      %mul3A_120 = arith.constant 16 : i32
      %mul3A_121 = arith.muli %scan3A_29, %mul3A_120 : i32
      %add3A_122 = arith.constant 4 : i32
      %add3A_123 = arith.addi %mul3A_121, %add3A_122 : i32
      %dma_start3A_124 = arith.constant 0 : i32
      %dma_start3A_125 = tpu.memref_slice %arg6[%add3A_123, %dma_start3A_124] : memref<256x128xf32, #tpu.memory_space<vmem>> -> memref<1x128xf32, #tpu.memory_space<vmem>>
      %dma_start3A_126 = tpu.memref_squeeze %dma_start3A_125 : memref<1x128xf32, #tpu.memory_space<vmem>> -> memref<128xf32, #tpu.memory_space<vmem>>
      %dma_start3A_127 = arith.constant 0 : i32
      %dma_start3A_128 = tpu.memref_slice %arg2[%squeeze3A_119, %dma_start3A_127] : memref<32768x128xf32, #tpu.memory_space<hbm>> -> memref<1x128xf32, #tpu.memory_space<hbm>>
      %dma_start3A_129 = tpu.memref_squeeze %dma_start3A_128 : memref<1x128xf32, #tpu.memory_space<hbm>> -> memref<128xf32, #tpu.memory_space<hbm>>
      %dma_start3A_130 = arith.constant 0 : i32
      %dma_start3A_131 = tpu.memref_slice %arg6[%add3A_123, %dma_start3A_130] : memref<256x128xf32, #tpu.memory_space<vmem>> -> memref<1x128xf32, #tpu.memory_space<vmem>>
      %dma_start3A_132 = tpu.memref_squeeze %dma_start3A_131 : memref<1x128xf32, #tpu.memory_space<vmem>> -> memref<128xf32, #tpu.memory_space<vmem>>
      %dma_start3A_133 = arith.constant 0 : i32
      %dma_start3A_134 = tpu.memref_slice %arg2[%squeeze3A_119, %dma_start3A_133] : memref<32768x128xf32, #tpu.memory_space<hbm>> -> memref<1x128xf32, #tpu.memory_space<hbm>>
      %dma_start3A_135 = tpu.memref_squeeze %dma_start3A_134 : memref<1x128xf32, #tpu.memory_space<hbm>> -> memref<128xf32, #tpu.memory_space<hbm>>
      tpu.enqueue_dma source(%dma_start3A_135 : memref<128xf32, #tpu.memory_space<hbm>>) target(%dma_start3A_132 : memref<128xf32, #tpu.memory_space<vmem>>) target_semaphore(%arg8 : memref<!tpu.dma_semaphore, #tpu.memory_space<semaphore_mem>>)
      %slice3A_136 = vector.extract_strided_slice %add3A_48 {offsets = [5], sizes = [1], strides = [1]} : vector<16xi32> to vector<1xi32>
      %squeeze3A_137 = vector.extract %slice3A_136[0] : i32 from vector<1xi32>
      %mul3A_138 = arith.constant 16 : i32
      %mul3A_139 = arith.muli %scan3A_29, %mul3A_138 : i32
      %add3A_140 = arith.constant 5 : i32
      %add3A_141 = arith.addi %mul3A_139, %add3A_140 : i32
      %dma_start3A_142 = arith.constant 0 : i32
      %dma_start3A_143 = tpu.memref_slice %arg6[%add3A_141, %dma_start3A_142] : memref<256x128xf32, #tpu.memory_space<vmem>> -> memref<1x128xf32, #tpu.memory_space<vmem>>
      %dma_start3A_144 = tpu.memref_squeeze %dma_start3A_143 : memref<1x128xf32, #tpu.memory_space<vmem>> -> memref<128xf32, #tpu.memory_space<vmem>>
      %dma_start3A_145 = arith.constant 0 : i32
      %dma_start3A_146 = tpu.memref_slice %arg2[%squeeze3A_137, %dma_start3A_145] : memref<32768x128xf32, #tpu.memory_space<hbm>> -> memref<1x128xf32, #tpu.memory_space<hbm>>
      %dma_start3A_147 = tpu.memref_squeeze %dma_start3A_146 : memref<1x128xf32, #tpu.memory_space<hbm>> -> memref<128xf32, #tpu.memory_space<hbm>>
      %dma_start3A_148 = arith.constant 0 : i32
      %dma_start3A_149 = tpu.memref_slice %arg6[%add3A_141, %dma_start3A_148] : memref<256x128xf32, #tpu.memory_space<vmem>> -> memref<1x128xf32, #tpu.memory_space<vmem>>
      %dma_start3A_150 = tpu.memref_squeeze %dma_start3A_149 : memref<1x128xf32, #tpu.memory_space<vmem>> -> memref<128xf32, #tpu.memory_space<vmem>>
      %dma_start3A_151 = arith.constant 0 : i32
      %dma_start3A_152 = tpu.memref_slice %arg2[%squeeze3A_137, %dma_start3A_151] : memref<32768x128xf32, #tpu.memory_space<hbm>> -> memref<1x128xf32, #tpu.memory_space<hbm>>
      %dma_start3A_153 = tpu.memref_squeeze %dma_start3A_152 : memref<1x128xf32, #tpu.memory_space<hbm>> -> memref<128xf32, #tpu.memory_space<hbm>>
      tpu.enqueue_dma source(%dma_start3A_153 : memref<128xf32, #tpu.memory_space<hbm>>) target(%dma_start3A_150 : memref<128xf32, #tpu.memory_space<vmem>>) target_semaphore(%arg8 : memref<!tpu.dma_semaphore, #tpu.memory_space<semaphore_mem>>)
      %slice3A_154 = vector.extract_strided_slice %add3A_48 {offsets = [6], sizes = [1], strides = [1]} : vector<16xi32> to vector<1xi32>
      %squeeze3A_155 = vector.extract %slice3A_154[0] : i32 from vector<1xi32>
      %mul3A_156 = arith.constant 16 : i32
      %mul3A_157 = arith.muli %scan3A_29, %mul3A_156 : i32
      %add3A_158 = arith.constant 6 : i32
      %add3A_159 = arith.addi %mul3A_157, %add3A_158 : i32
      %dma_start3A_160 = arith.constant 0 : i32
      %dma_start3A_161 = tpu.memref_slice %arg6[%add3A_159, %dma_start3A_160] : memref<256x128xf32, #tpu.memory_space<vmem>> -> memref<1x128xf32, #tpu.memory_space<vmem>>
      %dma_start3A_162 = tpu.memref_squeeze %dma_start3A_161 : memref<1x128xf32, #tpu.memory_space<vmem>> -> memref<128xf32, #tpu.memory_space<vmem>>
      %dma_start3A_163 = arith.constant 0 : i32
      %dma_start3A_164 = tpu.memref_slice %arg2[%squeeze3A_155, %dma_start3A_163] : memref<32768x128xf32, #tpu.memory_space<hbm>> -> memref<1x128xf32, #tpu.memory_space<hbm>>
      %dma_start3A_165 = tpu.memref_squeeze %dma_start3A_164 : memref<1x128xf32, #tpu.memory_space<hbm>> -> memref<128xf32, #tpu.memory_space<hbm>>
      %dma_start3A_166 = arith.constant 0 : i32
      %dma_start3A_167 = tpu.memref_slice %arg6[%add3A_159, %dma_start3A_166] : memref<256x128xf32, #tpu.memory_space<vmem>> -> memref<1x128xf32, #tpu.memory_space<vmem>>
      %dma_start3A_168 = tpu.memref_squeeze %dma_start3A_167 : memref<1x128xf32, #tpu.memory_space<vmem>> -> memref<128xf32, #tpu.memory_space<vmem>>
      %dma_start3A_169 = arith.constant 0 : i32
      %dma_start3A_170 = tpu.memref_slice %arg2[%squeeze3A_155, %dma_start3A_169] : memref<32768x128xf32, #tpu.memory_space<hbm>> -> memref<1x128xf32, #tpu.memory_space<hbm>>
      %dma_start3A_171 = tpu.memref_squeeze %dma_start3A_170 : memref<1x128xf32, #tpu.memory_space<hbm>> -> memref<128xf32, #tpu.memory_space<hbm>>
      tpu.enqueue_dma source(%dma_start3A_171 : memref<128xf32, #tpu.memory_space<hbm>>) target(%dma_start3A_168 : memref<128xf32, #tpu.memory_space<vmem>>) target_semaphore(%arg8 : memref<!tpu.dma_semaphore, #tpu.memory_space<semaphore_mem>>)
      %slice3A_172 = vector.extract_strided_slice %add3A_48 {offsets = [7], sizes = [1], strides = [1]} : vector<16xi32> to vector<1xi32>
      %squeeze3A_173 = vector.extract %slice3A_172[0] : i32 from vector<1xi32>
      %mul3A_174 = arith.constant 16 : i32
      %mul3A_175 = arith.muli %scan3A_29, %mul3A_174 : i32
      %add3A_176 = arith.constant 7 : i32
      %add3A_177 = arith.addi %mul3A_175, %add3A_176 : i32
      %dma_start3A_178 = arith.constant 0 : i32
      %dma_start3A_179 = tpu.memref_slice %arg6[%add3A_177, %dma_start3A_178] : memref<256x128xf32, #tpu.memory_space<vmem>> -> memref<1x128xf32, #tpu.memory_space<vmem>>
      %dma_start3A_180 = tpu.memref_squeeze %dma_start3A_179 : memref<1x128xf32, #tpu.memory_space<vmem>> -> memref<128xf32, #tpu.memory_space<vmem>>
      %dma_start3A_181 = arith.constant 0 : i32
      %dma_start3A_182 = tpu.memref_slice %arg2[%squeeze3A_173, %dma_start3A_181] : memref<32768x128xf32, #tpu.memory_space<hbm>> -> memref<1x128xf32, #tpu.memory_space<hbm>>
      %dma_start3A_183 = tpu.memref_squeeze %dma_start3A_182 : memref<1x128xf32, #tpu.memory_space<hbm>> -> memref<128xf32, #tpu.memory_space<hbm>>
      %dma_start3A_184 = arith.constant 0 : i32
      %dma_start3A_185 = tpu.memref_slice %arg6[%add3A_177, %dma_start3A_184] : memref<256x128xf32, #tpu.memory_space<vmem>> -> memref<1x128xf32, #tpu.memory_space<vmem>>
      %dma_start3A_186 = tpu.memref_squeeze %dma_start3A_185 : memref<1x128xf32, #tpu.memory_space<vmem>> -> memref<128xf32, #tpu.memory_space<vmem>>
      %dma_start3A_187 = arith.constant 0 : i32
      %dma_start3A_188 = tpu.memref_slice %arg2[%squeeze3A_173, %dma_start3A_187] : memref<32768x128xf32, #tpu.memory_space<hbm>> -> memref<1x128xf32, #tpu.memory_space<hbm>>
      %dma_start3A_189 = tpu.memref_squeeze %dma_start3A_188 : memref<1x128xf32, #tpu.memory_space<hbm>> -> memref<128xf32, #tpu.memory_space<hbm>>
      tpu.enqueue_dma source(%dma_start3A_189 : memref<128xf32, #tpu.memory_space<hbm>>) target(%dma_start3A_186 : memref<128xf32, #tpu.memory_space<vmem>>) target_semaphore(%arg8 : memref<!tpu.dma_semaphore, #tpu.memory_space<semaphore_mem>>)
      %slice3A_190 = vector.extract_strided_slice %add3A_48 {offsets = [8], sizes = [1], strides = [1]} : vector<16xi32> to vector<1xi32>
      %squeeze3A_191 = vector.extract %slice3A_190[0] : i32 from vector<1xi32>
      %mul3A_192 = arith.constant 16 : i32
      %mul3A_193 = arith.muli %scan3A_29, %mul3A_192 : i32
      %add3A_194 = arith.constant 8 : i32
      %add3A_195 = arith.addi %mul3A_193, %add3A_194 : i32
      %dma_start3A_196 = arith.constant 0 : i32
      %dma_start3A_197 = tpu.memref_slice %arg6[%add3A_195, %dma_start3A_196] : memref<256x128xf32, #tpu.memory_space<vmem>> -> memref<1x128xf32, #tpu.memory_space<vmem>>
      %dma_start3A_198 = tpu.memref_squeeze %dma_start3A_197 : memref<1x128xf32, #tpu.memory_space<vmem>> -> memref<128xf32, #tpu.memory_space<vmem>>
      %dma_start3A_199 = arith.constant 0 : i32
      %dma_start3A_200 = tpu.memref_slice %arg2[%squeeze3A_191, %dma_start3A_199] : memref<32768x128xf32, #tpu.memory_space<hbm>> -> memref<1x128xf32, #tpu.memory_space<hbm>>
      %dma_start3A_201 = tpu.memref_squeeze %dma_start3A_200 : memref<1x128xf32, #tpu.memory_space<hbm>> -> memref<128xf32, #tpu.memory_space<hbm>>
      %dma_start3A_202 = arith.constant 0 : i32
      %dma_start3A_203 = tpu.memref_slice %arg6[%add3A_195, %dma_start3A_202] : memref<256x128xf32, #tpu.memory_space<vmem>> -> memref<1x128xf32, #tpu.memory_space<vmem>>
      %dma_start3A_204 = tpu.memref_squeeze %dma_start3A_203 : memref<1x128xf32, #tpu.memory_space<vmem>> -> memref<128xf32, #tpu.memory_space<vmem>>
      %dma_start3A_205 = arith.constant 0 : i32
      %dma_start3A_206 = tpu.memref_slice %arg2[%squeeze3A_191, %dma_start3A_205] : memref<32768x128xf32, #tpu.memory_space<hbm>> -> memref<1x128xf32, #tpu.memory_space<hbm>>
      %dma_start3A_207 = tpu.memref_squeeze %dma_start3A_206 : memref<1x128xf32, #tpu.memory_space<hbm>> -> memref<128xf32, #tpu.memory_space<hbm>>
      tpu.enqueue_dma source(%dma_start3A_207 : memref<128xf32, #tpu.memory_space<hbm>>) target(%dma_start3A_204 : memref<128xf32, #tpu.memory_space<vmem>>) target_semaphore(%arg8 : memref<!tpu.dma_semaphore, #tpu.memory_space<semaphore_mem>>)
      %slice3A_208 = vector.extract_strided_slice %add3A_48 {offsets = [9], sizes = [1], strides = [1]} : vector<16xi32> to vector<1xi32>
      %squeeze3A_209 = vector.extract %slice3A_208[0] : i32 from vector<1xi32>
      %mul3A_210 = arith.constant 16 : i32
      %mul3A_211 = arith.muli %scan3A_29, %mul3A_210 : i32
      %add3A_212 = arith.constant 9 : i32
      %add3A_213 = arith.addi %mul3A_211, %add3A_212 : i32
      %dma_start3A_214 = arith.constant 0 : i32
      %dma_start3A_215 = tpu.memref_slice %arg6[%add3A_213, %dma_start3A_214] : memref<256x128xf32, #tpu.memory_space<vmem>> -> memref<1x128xf32, #tpu.memory_space<vmem>>
      %dma_start3A_216 = tpu.memref_squeeze %dma_start3A_215 : memref<1x128xf32, #tpu.memory_space<vmem>> -> memref<128xf32, #tpu.memory_space<vmem>>
      %dma_start3A_217 = arith.constant 0 : i32
      %dma_start3A_218 = tpu.memref_slice %arg2[%squeeze3A_209, %dma_start3A_217] : memref<32768x128xf32, #tpu.memory_space<hbm>> -> memref<1x128xf32, #tpu.memory_space<hbm>>
      %dma_start3A_219 = tpu.memref_squeeze %dma_start3A_218 : memref<1x128xf32, #tpu.memory_space<hbm>> -> memref<128xf32, #tpu.memory_space<hbm>>
      %dma_start3A_220 = arith.constant 0 : i32
      %dma_start3A_221 = tpu.memref_slice %arg6[%add3A_213, %dma_start3A_220] : memref<256x128xf32, #tpu.memory_space<vmem>> -> memref<1x128xf32, #tpu.memory_space<vmem>>
      %dma_start3A_222 = tpu.memref_squeeze %dma_start3A_221 : memref<1x128xf32, #tpu.memory_space<vmem>> -> memref<128xf32, #tpu.memory_space<vmem>>
      %dma_start3A_223 = arith.constant 0 : i32
      %dma_start3A_224 = tpu.memref_slice %arg2[%squeeze3A_209, %dma_start3A_223] : memref<32768x128xf32, #tpu.memory_space<hbm>> -> memref<1x128xf32, #tpu.memory_space<hbm>>
      %dma_start3A_225 = tpu.memref_squeeze %dma_start3A_224 : memref<1x128xf32, #tpu.memory_space<hbm>> -> memref<128xf32, #tpu.memory_space<hbm>>
      tpu.enqueue_dma source(%dma_start3A_225 : memref<128xf32, #tpu.memory_space<hbm>>) target(%dma_start3A_222 : memref<128xf32, #tpu.memory_space<vmem>>) target_semaphore(%arg8 : memref<!tpu.dma_semaphore, #tpu.memory_space<semaphore_mem>>)
      %slice3A_226 = vector.extract_strided_slice %add3A_48 {offsets = [10], sizes = [1], strides = [1]} : vector<16xi32> to vector<1xi32>
      %squeeze3A_227 = vector.extract %slice3A_226[0] : i32 from vector<1xi32>
      %mul3A_228 = arith.constant 16 : i32
      %mul3A_229 = arith.muli %scan3A_29, %mul3A_228 : i32
      %add3A_230 = arith.constant 10 : i32
      %add3A_231 = arith.addi %mul3A_229, %add3A_230 : i32
      %dma_start3A_232 = arith.constant 0 : i32
      %dma_start3A_233 = tpu.memref_slice %arg6[%add3A_231, %dma_start3A_232] : memref<256x128xf32, #tpu.memory_space<vmem>> -> memref<1x128xf32, #tpu.memory_space<vmem>>
      %dma_start3A_234 = tpu.memref_squeeze %dma_start3A_233 : memref<1x128xf32, #tpu.memory_space<vmem>> -> memref<128xf32, #tpu.memory_space<vmem>>
      %dma_start3A_235 = arith.constant 0 : i32
      %dma_start3A_236 = tpu.memref_slice %arg2[%squeeze3A_227, %dma_start3A_235] : memref<32768x128xf32, #tpu.memory_space<hbm>> -> memref<1x128xf32, #tpu.memory_space<hbm>>
      %dma_start3A_237 = tpu.memref_squeeze %dma_start3A_236 : memref<1x128xf32, #tpu.memory_space<hbm>> -> memref<128xf32, #tpu.memory_space<hbm>>
      %dma_start3A_238 = arith.constant 0 : i32
      %dma_start3A_239 = tpu.memref_slice %arg6[%add3A_231, %dma_start3A_238] : memref<256x128xf32, #tpu.memory_space<vmem>> -> memref<1x128xf32, #tpu.memory_space<vmem>>
      %dma_start3A_240 = tpu.memref_squeeze %dma_start3A_239 : memref<1x128xf32, #tpu.memory_space<vmem>> -> memref<128xf32, #tpu.memory_space<vmem>>
      %dma_start3A_241 = arith.constant 0 : i32
      %dma_start3A_242 = tpu.memref_slice %arg2[%squeeze3A_227, %dma_start3A_241] : memref<32768x128xf32, #tpu.memory_space<hbm>> -> memref<1x128xf32, #tpu.memory_space<hbm>>
      %dma_start3A_243 = tpu.memref_squeeze %dma_start3A_242 : memref<1x128xf32, #tpu.memory_space<hbm>> -> memref<128xf32, #tpu.memory_space<hbm>>
      tpu.enqueue_dma source(%dma_start3A_243 : memref<128xf32, #tpu.memory_space<hbm>>) target(%dma_start3A_240 : memref<128xf32, #tpu.memory_space<vmem>>) target_semaphore(%arg8 : memref<!tpu.dma_semaphore, #tpu.memory_space<semaphore_mem>>)
      %slice3A_244 = vector.extract_strided_slice %add3A_48 {offsets = [11], sizes = [1], strides = [1]} : vector<16xi32> to vector<1xi32>
      %squeeze3A_245 = vector.extract %slice3A_244[0] : i32 from vector<1xi32>
      %mul3A_246 = arith.constant 16 : i32
      %mul3A_247 = arith.muli %scan3A_29, %mul3A_246 : i32
      %add3A_248 = arith.constant 11 : i32
      %add3A_249 = arith.addi %mul3A_247, %add3A_248 : i32
      %dma_start3A_250 = arith.constant 0 : i32
      %dma_start3A_251 = tpu.memref_slice %arg6[%add3A_249, %dma_start3A_250] : memref<256x128xf32, #tpu.memory_space<vmem>> -> memref<1x128xf32, #tpu.memory_space<vmem>>
      %dma_start3A_252 = tpu.memref_squeeze %dma_start3A_251 : memref<1x128xf32, #tpu.memory_space<vmem>> -> memref<128xf32, #tpu.memory_space<vmem>>
      %dma_start3A_253 = arith.constant 0 : i32
      %dma_start3A_254 = tpu.memref_slice %arg2[%squeeze3A_245, %dma_start3A_253] : memref<32768x128xf32, #tpu.memory_space<hbm>> -> memref<1x128xf32, #tpu.memory_space<hbm>>
      %dma_start3A_255 = tpu.memref_squeeze %dma_start3A_254 : memref<1x128xf32, #tpu.memory_space<hbm>> -> memref<128xf32, #tpu.memory_space<hbm>>
      %dma_start3A_256 = arith.constant 0 : i32
      %dma_start3A_257 = tpu.memref_slice %arg6[%add3A_249, %dma_start3A_256] : memref<256x128xf32, #tpu.memory_space<vmem>> -> memref<1x128xf32, #tpu.memory_space<vmem>>
      %dma_start3A_258 = tpu.memref_squeeze %dma_start3A_257 : memref<1x128xf32, #tpu.memory_space<vmem>> -> memref<128xf32, #tpu.memory_space<vmem>>
      %dma_start3A_259 = arith.constant 0 : i32
      %dma_start3A_260 = tpu.memref_slice %arg2[%squeeze3A_245, %dma_start3A_259] : memref<32768x128xf32, #tpu.memory_space<hbm>> -> memref<1x128xf32, #tpu.memory_space<hbm>>
      %dma_start3A_261 = tpu.memref_squeeze %dma_start3A_260 : memref<1x128xf32, #tpu.memory_space<hbm>> -> memref<128xf32, #tpu.memory_space<hbm>>
      tpu.enqueue_dma source(%dma_start3A_261 : memref<128xf32, #tpu.memory_space<hbm>>) target(%dma_start3A_258 : memref<128xf32, #tpu.memory_space<vmem>>) target_semaphore(%arg8 : memref<!tpu.dma_semaphore, #tpu.memory_space<semaphore_mem>>)
      %slice3A_262 = vector.extract_strided_slice %add3A_48 {offsets = [12], sizes = [1], strides = [1]} : vector<16xi32> to vector<1xi32>
      %squeeze3A_263 = vector.extract %slice3A_262[0] : i32 from vector<1xi32>
      %mul3A_264 = arith.constant 16 : i32
      %mul3A_265 = arith.muli %scan3A_29, %mul3A_264 : i32
      %add3A_266 = arith.constant 12 : i32
      %add3A_267 = arith.addi %mul3A_265, %add3A_266 : i32
      %dma_start3A_268 = arith.constant 0 : i32
      %dma_start3A_269 = tpu.memref_slice %arg6[%add3A_267, %dma_start3A_268] : memref<256x128xf32, #tpu.memory_space<vmem>> -> memref<1x128xf32, #tpu.memory_space<vmem>>
      %dma_start3A_270 = tpu.memref_squeeze %dma_start3A_269 : memref<1x128xf32, #tpu.memory_space<vmem>> -> memref<128xf32, #tpu.memory_space<vmem>>
      %dma_start3A_271 = arith.constant 0 : i32
      %dma_start3A_272 = tpu.memref_slice %arg2[%squeeze3A_263, %dma_start3A_271] : memref<32768x128xf32, #tpu.memory_space<hbm>> -> memref<1x128xf32, #tpu.memory_space<hbm>>
      %dma_start3A_273 = tpu.memref_squeeze %dma_start3A_272 : memref<1x128xf32, #tpu.memory_space<hbm>> -> memref<128xf32, #tpu.memory_space<hbm>>
      %dma_start3A_274 = arith.constant 0 : i32
      %dma_start3A_275 = tpu.memref_slice %arg6[%add3A_267, %dma_start3A_274] : memref<256x128xf32, #tpu.memory_space<vmem>> -> memref<1x128xf32, #tpu.memory_space<vmem>>
      %dma_start3A_276 = tpu.memref_squeeze %dma_start3A_275 : memref<1x128xf32, #tpu.memory_space<vmem>> -> memref<128xf32, #tpu.memory_space<vmem>>
      %dma_start3A_277 = arith.constant 0 : i32
      %dma_start3A_278 = tpu.memref_slice %arg2[%squeeze3A_263, %dma_start3A_277] : memref<32768x128xf32, #tpu.memory_space<hbm>> -> memref<1x128xf32, #tpu.memory_space<hbm>>
      %dma_start3A_279 = tpu.memref_squeeze %dma_start3A_278 : memref<1x128xf32, #tpu.memory_space<hbm>> -> memref<128xf32, #tpu.memory_space<hbm>>
      tpu.enqueue_dma source(%dma_start3A_279 : memref<128xf32, #tpu.memory_space<hbm>>) target(%dma_start3A_276 : memref<128xf32, #tpu.memory_space<vmem>>) target_semaphore(%arg8 : memref<!tpu.dma_semaphore, #tpu.memory_space<semaphore_mem>>)
      %slice3A_280 = vector.extract_strided_slice %add3A_48 {offsets = [13], sizes = [1], strides = [1]} : vector<16xi32> to vector<1xi32>
      %squeeze3A_281 = vector.extract %slice3A_280[0] : i32 from vector<1xi32>
      %mul3A_282 = arith.constant 16 : i32
      %mul3A_283 = arith.muli %scan3A_29, %mul3A_282 : i32
      %add3A_284 = arith.constant 13 : i32
      %add3A_285 = arith.addi %mul3A_283, %add3A_284 : i32
      %dma_start3A_286 = arith.constant 0 : i32
      %dma_start3A_287 = tpu.memref_slice %arg6[%add3A_285, %dma_start3A_286] : memref<256x128xf32, #tpu.memory_space<vmem>> -> memref<1x128xf32, #tpu.memory_space<vmem>>
      %dma_start3A_288 = tpu.memref_squeeze %dma_start3A_287 : memref<1x128xf32, #tpu.memory_space<vmem>> -> memref<128xf32, #tpu.memory_space<vmem>>
      %dma_start3A_289 = arith.constant 0 : i32
      %dma_start3A_290 = tpu.memref_slice %arg2[%squeeze3A_281, %dma_start3A_289] : memref<32768x128xf32, #tpu.memory_space<hbm>> -> memref<1x128xf32, #tpu.memory_space<hbm>>
      %dma_start3A_291 = tpu.memref_squeeze %dma_start3A_290 : memref<1x128xf32, #tpu.memory_space<hbm>> -> memref<128xf32, #tpu.memory_space<hbm>>
      %dma_start3A_292 = arith.constant 0 : i32
      %dma_start3A_293 = tpu.memref_slice %arg6[%add3A_285, %dma_start3A_292] : memref<256x128xf32, #tpu.memory_space<vmem>> -> memref<1x128xf32, #tpu.memory_space<vmem>>
      %dma_start3A_294 = tpu.memref_squeeze %dma_start3A_293 : memref<1x128xf32, #tpu.memory_space<vmem>> -> memref<128xf32, #tpu.memory_space<vmem>>
      %dma_start3A_295 = arith.constant 0 : i32
      %dma_start3A_296 = tpu.memref_slice %arg2[%squeeze3A_281, %dma_start3A_295] : memref<32768x128xf32, #tpu.memory_space<hbm>> -> memref<1x128xf32, #tpu.memory_space<hbm>>
      %dma_start3A_297 = tpu.memref_squeeze %dma_start3A_296 : memref<1x128xf32, #tpu.memory_space<hbm>> -> memref<128xf32, #tpu.memory_space<hbm>>
      tpu.enqueue_dma source(%dma_start3A_297 : memref<128xf32, #tpu.memory_space<hbm>>) target(%dma_start3A_294 : memref<128xf32, #tpu.memory_space<vmem>>) target_semaphore(%arg8 : memref<!tpu.dma_semaphore, #tpu.memory_space<semaphore_mem>>)
      %slice3A_298 = vector.extract_strided_slice %add3A_48 {offsets = [14], sizes = [1], strides = [1]} : vector<16xi32> to vector<1xi32>
      %squeeze3A_299 = vector.extract %slice3A_298[0] : i32 from vector<1xi32>
      %mul3A_300 = arith.constant 16 : i32
      %mul3A_301 = arith.muli %scan3A_29, %mul3A_300 : i32
      %add3A_302 = arith.constant 14 : i32
      %add3A_303 = arith.addi %mul3A_301, %add3A_302 : i32
      %dma_start3A_304 = arith.constant 0 : i32
      %dma_start3A_305 = tpu.memref_slice %arg6[%add3A_303, %dma_start3A_304] : memref<256x128xf32, #tpu.memory_space<vmem>> -> memref<1x128xf32, #tpu.memory_space<vmem>>
      %dma_start3A_306 = tpu.memref_squeeze %dma_start3A_305 : memref<1x128xf32, #tpu.memory_space<vmem>> -> memref<128xf32, #tpu.memory_space<vmem>>
      %dma_start3A_307 = arith.constant 0 : i32
      %dma_start3A_308 = tpu.memref_slice %arg2[%squeeze3A_299, %dma_start3A_307] : memref<32768x128xf32, #tpu.memory_space<hbm>> -> memref<1x128xf32, #tpu.memory_space<hbm>>
      %dma_start3A_309 = tpu.memref_squeeze %dma_start3A_308 : memref<1x128xf32, #tpu.memory_space<hbm>> -> memref<128xf32, #tpu.memory_space<hbm>>
      %dma_start3A_310 = arith.constant 0 : i32
      %dma_start3A_311 = tpu.memref_slice %arg6[%add3A_303, %dma_start3A_310] : memref<256x128xf32, #tpu.memory_space<vmem>> -> memref<1x128xf32, #tpu.memory_space<vmem>>
      %dma_start3A_312 = tpu.memref_squeeze %dma_start3A_311 : memref<1x128xf32, #tpu.memory_space<vmem>> -> memref<128xf32, #tpu.memory_space<vmem>>
      %dma_start3A_313 = arith.constant 0 : i32
      %dma_start3A_314 = tpu.memref_slice %arg2[%squeeze3A_299, %dma_start3A_313] : memref<32768x128xf32, #tpu.memory_space<hbm>> -> memref<1x128xf32, #tpu.memory_space<hbm>>
      %dma_start3A_315 = tpu.memref_squeeze %dma_start3A_314 : memref<1x128xf32, #tpu.memory_space<hbm>> -> memref<128xf32, #tpu.memory_space<hbm>>
      tpu.enqueue_dma source(%dma_start3A_315 : memref<128xf32, #tpu.memory_space<hbm>>) target(%dma_start3A_312 : memref<128xf32, #tpu.memory_space<vmem>>) target_semaphore(%arg8 : memref<!tpu.dma_semaphore, #tpu.memory_space<semaphore_mem>>)
      %slice3A_316 = vector.extract_strided_slice %add3A_48 {offsets = [15], sizes = [1], strides = [1]} : vector<16xi32> to vector<1xi32>
      %squeeze3A_317 = vector.extract %slice3A_316[0] : i32 from vector<1xi32>
      %mul3A_318 = arith.constant 16 : i32
      %mul3A_319 = arith.muli %scan3A_29, %mul3A_318 : i32
      %add3A_320 = arith.constant 15 : i32
      %add3A_321 = arith.addi %mul3A_319, %add3A_320 : i32
      %dma_start3A_322 = arith.constant 0 : i32
      %dma_start3A_323 = tpu.memref_slice %arg6[%add3A_321, %dma_start3A_322] : memref<256x128xf32, #tpu.memory_space<vmem>> -> memref<1x128xf32, #tpu.memory_space<vmem>>
      %dma_start3A_324 = tpu.memref_squeeze %dma_start3A_323 : memref<1x128xf32, #tpu.memory_space<vmem>> -> memref<128xf32, #tpu.memory_space<vmem>>
      %dma_start3A_325 = arith.constant 0 : i32
      %dma_start3A_326 = tpu.memref_slice %arg2[%squeeze3A_317, %dma_start3A_325] : memref<32768x128xf32, #tpu.memory_space<hbm>> -> memref<1x128xf32, #tpu.memory_space<hbm>>
      %dma_start3A_327 = tpu.memref_squeeze %dma_start3A_326 : memref<1x128xf32, #tpu.memory_space<hbm>> -> memref<128xf32, #tpu.memory_space<hbm>>
      %dma_start3A_328 = arith.constant 0 : i32
      %dma_start3A_329 = tpu.memref_slice %arg6[%add3A_321, %dma_start3A_328] : memref<256x128xf32, #tpu.memory_space<vmem>> -> memref<1x128xf32, #tpu.memory_space<vmem>>
      %dma_start3A_330 = tpu.memref_squeeze %dma_start3A_329 : memref<1x128xf32, #tpu.memory_space<vmem>> -> memref<128xf32, #tpu.memory_space<vmem>>
      %dma_start3A_331 = arith.constant 0 : i32
      %dma_start3A_332 = tpu.memref_slice %arg2[%squeeze3A_317, %dma_start3A_331] : memref<32768x128xf32, #tpu.memory_space<hbm>> -> memref<1x128xf32, #tpu.memory_space<hbm>>
      %dma_start3A_333 = tpu.memref_squeeze %dma_start3A_332 : memref<1x128xf32, #tpu.memory_space<hbm>> -> memref<128xf32, #tpu.memory_space<hbm>>
      tpu.enqueue_dma source(%dma_start3A_333 : memref<128xf32, #tpu.memory_space<hbm>>) target(%dma_start3A_330 : memref<128xf32, #tpu.memory_space<vmem>>) target_semaphore(%arg8 : memref<!tpu.dma_semaphore, #tpu.memory_space<semaphore_mem>>)
    }
    %scan3A_7 = arith.constant 16 : i32
    %scan3A_8 = arith.constant 0 : i32
    %scan3A_9 = arith.constant 0 : i32
    %scan3A_10 = arith.constant 16 : i32
    %scan3A_11 = arith.addi %scan3A_9, %scan3A_10 : i32
    %scan3A_12 = arith.constant 1 : i32
    scf.for %scan3A_29 = %scan3A_9 to %scan3A_11 step %scan3A_12  : i32 {
      %mul3A_30 = arith.constant 16 : i32
      %mul3A_31 = arith.muli %scan3A_29, %mul3A_30 : i32
      %add3A_32 = arith.constant 256 : i32
      %add3A_33 = arith.addi %add3A_32, %mul3A_31 : i32
      %get3A = arith.index_cast %add3A_33 : i32 to index
      %get3A_34 = tpu.vector_load %arg5[%get3A] {strides = array<i32>} : memref<512xi32, #tpu.memory_space<vmem>>, vector<16xi32>,
      %get3A_35 = vector.shape_cast %get3A_34 : vector<16xi32> to vector<16xi32>
      %shift_right_arithmetic3A = arith.constant 14 : i32
      %shift_right_arithmetic3A_36 = vector.broadcast %shift_right_arithmetic3A : i32 to vector<16xi32>
      %shift_right_arithmetic3A_37 = arith.shrsi %get3A_35, %shift_right_arithmetic3A_36 : vector<16xi32>
      %shift_right_arithmetic3A_38 = arith.constant 1 : i32
      %shift_right_arithmetic3A_39 = vector.broadcast %shift_right_arithmetic3A_38 : i32 to vector<16xi32>
      %shift_right_arithmetic3A_40 = arith.shrsi %shift_right_arithmetic3A_37, %shift_right_arithmetic3A_39 : vector<16xi32>
      %shift_left3A = arith.constant 13 : i32
      %shift_left3A_41 = vector.broadcast %shift_left3A : i32 to vector<16xi32>
      %shift_left3A_42 = arith.shli %shift_right_arithmetic3A_40, %shift_left3A_41 : vector<16xi32>
      %and3A = arith.constant 16383 : i32
      %and3A_43 = vector.broadcast %and3A : i32 to vector<16xi32>
      %and3A_44 = arith.andi %get3A_35, %and3A_43 : vector<16xi32>
      %shift_right_arithmetic3A_45 = arith.constant 1 : i32
      %shift_right_arithmetic3A_46 = vector.broadcast %shift_right_arithmetic3A_45 : i32 to vector<16xi32>
      %shift_right_arithmetic3A_47 = arith.shrsi %and3A_44, %shift_right_arithmetic3A_46 : vector<16xi32>
      %add3A_48 = arith.addi %shift_left3A_42, %shift_right_arithmetic3A_47 : vector<16xi32>
      %slice3A = vector.extract_strided_slice %add3A_48 {offsets = [0], sizes = [1], strides = [1]} : vector<16xi32> to vector<1xi32>
      %squeeze3A = vector.extract %slice3A[0] : i32 from vector<1xi32>
      %mul3A_49 = arith.constant 16 : i32
      %mul3A_50 = arith.muli %scan3A_29, %mul3A_49 : i32
      %add3A_51 = arith.constant 0 : i32
      %add3A_52 = arith.addi %mul3A_50, %add3A_51 : i32
      %dma_start3A = arith.constant 0 : i32
      %dma_start3A_53 = tpu.memref_slice %arg7[%add3A_52, %dma_start3A] : memref<256x128xf32, #tpu.memory_space<vmem>> -> memref<1x128xf32, #tpu.memory_space<vmem>>
      %dma_start3A_54 = tpu.memref_squeeze %dma_start3A_53 : memref<1x128xf32, #tpu.memory_space<vmem>> -> memref<128xf32, #tpu.memory_space<vmem>>
      %dma_start3A_55 = arith.constant 0 : i32
      %dma_start3A_56 = tpu.memref_slice %arg2[%squeeze3A, %dma_start3A_55] : memref<32768x128xf32, #tpu.memory_space<hbm>> -> memref<1x128xf32, #tpu.memory_space<hbm>>
      %dma_start3A_57 = tpu.memref_squeeze %dma_start3A_56 : memref<1x128xf32, #tpu.memory_space<hbm>> -> memref<128xf32, #tpu.memory_space<hbm>>
      %dma_start3A_58 = arith.constant 0 : i32
      %dma_start3A_59 = tpu.memref_slice %arg7[%add3A_52, %dma_start3A_58] : memref<256x128xf32, #tpu.memory_space<vmem>> -> memref<1x128xf32, #tpu.memory_space<vmem>>
      %dma_start3A_60 = tpu.memref_squeeze %dma_start3A_59 : memref<1x128xf32, #tpu.memory_space<vmem>> -> memref<128xf32, #tpu.memory_space<vmem>>
      %dma_start3A_61 = arith.constant 0 : i32
      %dma_start3A_62 = tpu.memref_slice %arg2[%squeeze3A, %dma_start3A_61] : memref<32768x128xf32, #tpu.memory_space<hbm>> -> memref<1x128xf32, #tpu.memory_space<hbm>>
      %dma_start3A_63 = tpu.memref_squeeze %dma_start3A_62 : memref<1x128xf32, #tpu.memory_space<hbm>> -> memref<128xf32, #tpu.memory_space<hbm>>
      tpu.enqueue_dma source(%dma_start3A_63 : memref<128xf32, #tpu.memory_space<hbm>>) target(%dma_start3A_60 : memref<128xf32, #tpu.memory_space<vmem>>) target_semaphore(%arg9 : memref<!tpu.dma_semaphore, #tpu.memory_space<semaphore_mem>>)
      %slice3A_64 = vector.extract_strided_slice %add3A_48 {offsets = [1], sizes = [1], strides = [1]} : vector<16xi32> to vector<1xi32>
      %squeeze3A_65 = vector.extract %slice3A_64[0] : i32 from vector<1xi32>
      %mul3A_66 = arith.constant 16 : i32
      %mul3A_67 = arith.muli %scan3A_29, %mul3A_66 : i32
      %add3A_68 = arith.constant 1 : i32
      %add3A_69 = arith.addi %mul3A_67, %add3A_68 : i32
      %dma_start3A_70 = arith.constant 0 : i32
      %dma_start3A_71 = tpu.memref_slice %arg7[%add3A_69, %dma_start3A_70] : memref<256x128xf32, #tpu.memory_space<vmem>> -> memref<1x128xf32, #tpu.memory_space<vmem>>
      %dma_start3A_72 = tpu.memref_squeeze %dma_start3A_71 : memref<1x128xf32, #tpu.memory_space<vmem>> -> memref<128xf32, #tpu.memory_space<vmem>>
      %dma_start3A_73 = arith.constant 0 : i32
      %dma_start3A_74 = tpu.memref_slice %arg2[%squeeze3A_65, %dma_start3A_73] : memref<32768x128xf32, #tpu.memory_space<hbm>> -> memref<1x128xf32, #tpu.memory_space<hbm>>
      %dma_start3A_75 = tpu.memref_squeeze %dma_start3A_74 : memref<1x128xf32, #tpu.memory_space<hbm>> -> memref<128xf32, #tpu.memory_space<hbm>>
      %dma_start3A_76 = arith.constant 0 : i32
      %dma_start3A_77 = tpu.memref_slice %arg7[%add3A_69, %dma_start3A_76] : memref<256x128xf32, #tpu.memory_space<vmem>> -> memref<1x128xf32, #tpu.memory_space<vmem>>
      %dma_start3A_78 = tpu.memref_squeeze %dma_start3A_77 : memref<1x128xf32, #tpu.memory_space<vmem>> -> memref<128xf32, #tpu.memory_space<vmem>>
      %dma_start3A_79 = arith.constant 0 : i32
      %dma_start3A_80 = tpu.memref_slice %arg2[%squeeze3A_65, %dma_start3A_79] : memref<32768x128xf32, #tpu.memory_space<hbm>> -> memref<1x128xf32, #tpu.memory_space<hbm>>
      %dma_start3A_81 = tpu.memref_squeeze %dma_start3A_80 : memref<1x128xf32, #tpu.memory_space<hbm>> -> memref<128xf32, #tpu.memory_space<hbm>>
      tpu.enqueue_dma source(%dma_start3A_81 : memref<128xf32, #tpu.memory_space<hbm>>) target(%dma_start3A_78 : memref<128xf32, #tpu.memory_space<vmem>>) target_semaphore(%arg9 : memref<!tpu.dma_semaphore, #tpu.memory_space<semaphore_mem>>)
      %slice3A_82 = vector.extract_strided_slice %add3A_48 {offsets = [2], sizes = [1], strides = [1]} : vector<16xi32> to vector<1xi32>
      %squeeze3A_83 = vector.extract %slice3A_82[0] : i32 from vector<1xi32>
      %mul3A_84 = arith.constant 16 : i32
      %mul3A_85 = arith.muli %scan3A_29, %mul3A_84 : i32
      %add3A_86 = arith.constant 2 : i32
      %add3A_87 = arith.addi %mul3A_85, %add3A_86 : i32
      %dma_start3A_88 = arith.constant 0 : i32
      %dma_start3A_89 = tpu.memref_slice %arg7[%add3A_87, %dma_start3A_88] : memref<256x128xf32, #tpu.memory_space<vmem>> -> memref<1x128xf32, #tpu.memory_space<vmem>>
      %dma_start3A_90 = tpu.memref_squeeze %dma_start3A_89 : memref<1x128xf32, #tpu.memory_space<vmem>> -> memref<128xf32, #tpu.memory_space<vmem>>
      %dma_start3A_91 = arith.constant 0 : i32
      %dma_start3A_92 = tpu.memref_slice %arg2[%squeeze3A_83, %dma_start3A_91] : memref<32768x128xf32, #tpu.memory_space<hbm>> -> memref<1x128xf32, #tpu.memory_space<hbm>>
      %dma_start3A_93 = tpu.memref_squeeze %dma_start3A_92 : memref<1x128xf32, #tpu.memory_space<hbm>> -> memref<128xf32, #tpu.memory_space<hbm>>
      %dma_start3A_94 = arith.constant 0 : i32
      %dma_start3A_95 = tpu.memref_slice %arg7[%add3A_87, %dma_start3A_94] : memref<256x128xf32, #tpu.memory_space<vmem>> -> memref<1x128xf32, #tpu.memory_space<vmem>>
      %dma_start3A_96 = tpu.memref_squeeze %dma_start3A_95 : memref<1x128xf32, #tpu.memory_space<vmem>> -> memref<128xf32, #tpu.memory_space<vmem>>
      %dma_start3A_97 = arith.constant 0 : i32
      %dma_start3A_98 = tpu.memref_slice %arg2[%squeeze3A_83, %dma_start3A_97] : memref<32768x128xf32, #tpu.memory_space<hbm>> -> memref<1x128xf32, #tpu.memory_space<hbm>>
      %dma_start3A_99 = tpu.memref_squeeze %dma_start3A_98 : memref<1x128xf32, #tpu.memory_space<hbm>> -> memref<128xf32, #tpu.memory_space<hbm>>
      tpu.enqueue_dma source(%dma_start3A_99 : memref<128xf32, #tpu.memory_space<hbm>>) target(%dma_start3A_96 : memref<128xf32, #tpu.memory_space<vmem>>) target_semaphore(%arg9 : memref<!tpu.dma_semaphore, #tpu.memory_space<semaphore_mem>>)
      %slice3A_100 = vector.extract_strided_slice %add3A_48 {offsets = [3], sizes = [1], strides = [1]} : vector<16xi32> to vector<1xi32>
      %squeeze3A_101 = vector.extract %slice3A_100[0] : i32 from vector<1xi32>
      %mul3A_102 = arith.constant 16 : i32
      %mul3A_103 = arith.muli %scan3A_29, %mul3A_102 : i32
      %add3A_104 = arith.constant 3 : i32
      %add3A_105 = arith.addi %mul3A_103, %add3A_104 : i32
      %dma_start3A_106 = arith.constant 0 : i32
      %dma_start3A_107 = tpu.memref_slice %arg7[%add3A_105, %dma_start3A_106] : memref<256x128xf32, #tpu.memory_space<vmem>> -> memref<1x128xf32, #tpu.memory_space<vmem>>
      %dma_start3A_108 = tpu.memref_squeeze %dma_start3A_107 : memref<1x128xf32, #tpu.memory_space<vmem>> -> memref<128xf32, #tpu.memory_space<vmem>>
      %dma_start3A_109 = arith.constant 0 : i32
      %dma_start3A_110 = tpu.memref_slice %arg2[%squeeze3A_101, %dma_start3A_109] : memref<32768x128xf32, #tpu.memory_space<hbm>> -> memref<1x128xf32, #tpu.memory_space<hbm>>
      %dma_start3A_111 = tpu.memref_squeeze %dma_start3A_110 : memref<1x128xf32, #tpu.memory_space<hbm>> -> memref<128xf32, #tpu.memory_space<hbm>>
      %dma_start3A_112 = arith.constant 0 : i32
      %dma_start3A_113 = tpu.memref_slice %arg7[%add3A_105, %dma_start3A_112] : memref<256x128xf32, #tpu.memory_space<vmem>> -> memref<1x128xf32, #tpu.memory_space<vmem>>
      %dma_start3A_114 = tpu.memref_squeeze %dma_start3A_113 : memref<1x128xf32, #tpu.memory_space<vmem>> -> memref<128xf32, #tpu.memory_space<vmem>>
      %dma_start3A_115 = arith.constant 0 : i32
      %dma_start3A_116 = tpu.memref_slice %arg2[%squeeze3A_101, %dma_start3A_115] : memref<32768x128xf32, #tpu.memory_space<hbm>> -> memref<1x128xf32, #tpu.memory_space<hbm>>
      %dma_start3A_117 = tpu.memref_squeeze %dma_start3A_116 : memref<1x128xf32, #tpu.memory_space<hbm>> -> memref<128xf32, #tpu.memory_space<hbm>>
      tpu.enqueue_dma source(%dma_start3A_117 : memref<128xf32, #tpu.memory_space<hbm>>) target(%dma_start3A_114 : memref<128xf32, #tpu.memory_space<vmem>>) target_semaphore(%arg9 : memref<!tpu.dma_semaphore, #tpu.memory_space<semaphore_mem>>)
      %slice3A_118 = vector.extract_strided_slice %add3A_48 {offsets = [4], sizes = [1], strides = [1]} : vector<16xi32> to vector<1xi32>
      %squeeze3A_119 = vector.extract %slice3A_118[0] : i32 from vector<1xi32>
      %mul3A_120 = arith.constant 16 : i32
      %mul3A_121 = arith.muli %scan3A_29, %mul3A_120 : i32
      %add3A_122 = arith.constant 4 : i32
      %add3A_123 = arith.addi %mul3A_121, %add3A_122 : i32
      %dma_start3A_124 = arith.constant 0 : i32
      %dma_start3A_125 = tpu.memref_slice %arg7[%add3A_123, %dma_start3A_124] : memref<256x128xf32, #tpu.memory_space<vmem>> -> memref<1x128xf32, #tpu.memory_space<vmem>>
      %dma_start3A_126 = tpu.memref_squeeze %dma_start3A_125 : memref<1x128xf32, #tpu.memory_space<vmem>> -> memref<128xf32, #tpu.memory_space<vmem>>
      %dma_start3A_127 = arith.constant 0 : i32
      %dma_start3A_128 = tpu.memref_slice %arg2[%squeeze3A_119, %dma_start3A_127] : memref<32768x128xf32, #tpu.memory_space<hbm>> -> memref<1x128xf32, #tpu.memory_space<hbm>>
      %dma_start3A_129 = tpu.memref_squeeze %dma_start3A_128 : memref<1x128xf32, #tpu.memory_space<hbm>> -> memref<128xf32, #tpu.memory_space<hbm>>
      %dma_start3A_130 = arith.constant 0 : i32
      %dma_start3A_131 = tpu.memref_slice %arg7[%add3A_123, %dma_start3A_130] : memref<256x128xf32, #tpu.memory_space<vmem>> -> memref<1x128xf32, #tpu.memory_space<vmem>>
      %dma_start3A_132 = tpu.memref_squeeze %dma_start3A_131 : memref<1x128xf32, #tpu.memory_space<vmem>> -> memref<128xf32, #tpu.memory_space<vmem>>
      %dma_start3A_133 = arith.constant 0 : i32
      %dma_start3A_134 = tpu.memref_slice %arg2[%squeeze3A_119, %dma_start3A_133] : memref<32768x128xf32, #tpu.memory_space<hbm>> -> memref<1x128xf32, #tpu.memory_space<hbm>>
      %dma_start3A_135 = tpu.memref_squeeze %dma_start3A_134 : memref<1x128xf32, #tpu.memory_space<hbm>> -> memref<128xf32, #tpu.memory_space<hbm>>
      tpu.enqueue_dma source(%dma_start3A_135 : memref<128xf32, #tpu.memory_space<hbm>>) target(%dma_start3A_132 : memref<128xf32, #tpu.memory_space<vmem>>) target_semaphore(%arg9 : memref<!tpu.dma_semaphore, #tpu.memory_space<semaphore_mem>>)
      %slice3A_136 = vector.extract_strided_slice %add3A_48 {offsets = [5], sizes = [1], strides = [1]} : vector<16xi32> to vector<1xi32>
      %squeeze3A_137 = vector.extract %slice3A_136[0] : i32 from vector<1xi32>
      %mul3A_138 = arith.constant 16 : i32
      %mul3A_139 = arith.muli %scan3A_29, %mul3A_138 : i32
      %add3A_140 = arith.constant 5 : i32
      %add3A_141 = arith.addi %mul3A_139, %add3A_140 : i32
      %dma_start3A_142 = arith.constant 0 : i32
      %dma_start3A_143 = tpu.memref_slice %arg7[%add3A_141, %dma_start3A_142] : memref<256x128xf32, #tpu.memory_space<vmem>> -> memref<1x128xf32, #tpu.memory_space<vmem>>
      %dma_start3A_144 = tpu.memref_squeeze %dma_start3A_143 : memref<1x128xf32, #tpu.memory_space<vmem>> -> memref<128xf32, #tpu.memory_space<vmem>>
      %dma_start3A_145 = arith.constant 0 : i32
      %dma_start3A_146 = tpu.memref_slice %arg2[%squeeze3A_137, %dma_start3A_145] : memref<32768x128xf32, #tpu.memory_space<hbm>> -> memref<1x128xf32, #tpu.memory_space<hbm>>
      %dma_start3A_147 = tpu.memref_squeeze %dma_start3A_146 : memref<1x128xf32, #tpu.memory_space<hbm>> -> memref<128xf32, #tpu.memory_space<hbm>>
      %dma_start3A_148 = arith.constant 0 : i32
      %dma_start3A_149 = tpu.memref_slice %arg7[%add3A_141, %dma_start3A_148] : memref<256x128xf32, #tpu.memory_space<vmem>> -> memref<1x128xf32, #tpu.memory_space<vmem>>
      %dma_start3A_150 = tpu.memref_squeeze %dma_start3A_149 : memref<1x128xf32, #tpu.memory_space<vmem>> -> memref<128xf32, #tpu.memory_space<vmem>>
      %dma_start3A_151 = arith.constant 0 : i32
      %dma_start3A_152 = tpu.memref_slice %arg2[%squeeze3A_137, %dma_start3A_151] : memref<32768x128xf32, #tpu.memory_space<hbm>> -> memref<1x128xf32, #tpu.memory_space<hbm>>
      %dma_start3A_153 = tpu.memref_squeeze %dma_start3A_152 : memref<1x128xf32, #tpu.memory_space<hbm>> -> memref<128xf32, #tpu.memory_space<hbm>>
      tpu.enqueue_dma source(%dma_start3A_153 : memref<128xf32, #tpu.memory_space<hbm>>) target(%dma_start3A_150 : memref<128xf32, #tpu.memory_space<vmem>>) target_semaphore(%arg9 : memref<!tpu.dma_semaphore, #tpu.memory_space<semaphore_mem>>)
      %slice3A_154 = vector.extract_strided_slice %add3A_48 {offsets = [6], sizes = [1], strides = [1]} : vector<16xi32> to vector<1xi32>
      %squeeze3A_155 = vector.extract %slice3A_154[0] : i32 from vector<1xi32>
      %mul3A_156 = arith.constant 16 : i32
      %mul3A_157 = arith.muli %scan3A_29, %mul3A_156 : i32
      %add3A_158 = arith.constant 6 : i32
      %add3A_159 = arith.addi %mul3A_157, %add3A_158 : i32
      %dma_start3A_160 = arith.constant 0 : i32
      %dma_start3A_161 = tpu.memref_slice %arg7[%add3A_159, %dma_start3A_160] : memref<256x128xf32, #tpu.memory_space<vmem>> -> memref<1x128xf32, #tpu.memory_space<vmem>>
      %dma_start3A_162 = tpu.memref_squeeze %dma_start3A_161 : memref<1x128xf32, #tpu.memory_space<vmem>> -> memref<128xf32, #tpu.memory_space<vmem>>
      %dma_start3A_163 = arith.constant 0 : i32
      %dma_start3A_164 = tpu.memref_slice %arg2[%squeeze3A_155, %dma_start3A_163] : memref<32768x128xf32, #tpu.memory_space<hbm>> -> memref<1x128xf32, #tpu.memory_space<hbm>>
      %dma_start3A_165 = tpu.memref_squeeze %dma_start3A_164 : memref<1x128xf32, #tpu.memory_space<hbm>> -> memref<128xf32, #tpu.memory_space<hbm>>
      %dma_start3A_166 = arith.constant 0 : i32
      %dma_start3A_167 = tpu.memref_slice %arg7[%add3A_159, %dma_start3A_166] : memref<256x128xf32, #tpu.memory_space<vmem>> -> memref<1x128xf32, #tpu.memory_space<vmem>>
      %dma_start3A_168 = tpu.memref_squeeze %dma_start3A_167 : memref<1x128xf32, #tpu.memory_space<vmem>> -> memref<128xf32, #tpu.memory_space<vmem>>
      %dma_start3A_169 = arith.constant 0 : i32
      %dma_start3A_170 = tpu.memref_slice %arg2[%squeeze3A_155, %dma_start3A_169] : memref<32768x128xf32, #tpu.memory_space<hbm>> -> memref<1x128xf32, #tpu.memory_space<hbm>>
      %dma_start3A_171 = tpu.memref_squeeze %dma_start3A_170 : memref<1x128xf32, #tpu.memory_space<hbm>> -> memref<128xf32, #tpu.memory_space<hbm>>
      tpu.enqueue_dma source(%dma_start3A_171 : memref<128xf32, #tpu.memory_space<hbm>>) target(%dma_start3A_168 : memref<128xf32, #tpu.memory_space<vmem>>) target_semaphore(%arg9 : memref<!tpu.dma_semaphore, #tpu.memory_space<semaphore_mem>>)
      %slice3A_172 = vector.extract_strided_slice %add3A_48 {offsets = [7], sizes = [1], strides = [1]} : vector<16xi32> to vector<1xi32>
      %squeeze3A_173 = vector.extract %slice3A_172[0] : i32 from vector<1xi32>
      %mul3A_174 = arith.constant 16 : i32
      %mul3A_175 = arith.muli %scan3A_29, %mul3A_174 : i32
      %add3A_176 = arith.constant 7 : i32
      %add3A_177 = arith.addi %mul3A_175, %add3A_176 : i32
      %dma_start3A_178 = arith.constant 0 : i32
      %dma_start3A_179 = tpu.memref_slice %arg7[%add3A_177, %dma_start3A_178] : memref<256x128xf32, #tpu.memory_space<vmem>> -> memref<1x128xf32, #tpu.memory_space<vmem>>
      %dma_start3A_180 = tpu.memref_squeeze %dma_start3A_179 : memref<1x128xf32, #tpu.memory_space<vmem>> -> memref<128xf32, #tpu.memory_space<vmem>>
      %dma_start3A_181 = arith.constant 0 : i32
      %dma_start3A_182 = tpu.memref_slice %arg2[%squeeze3A_173, %dma_start3A_181] : memref<32768x128xf32, #tpu.memory_space<hbm>> -> memref<1x128xf32, #tpu.memory_space<hbm>>
      %dma_start3A_183 = tpu.memref_squeeze %dma_start3A_182 : memref<1x128xf32, #tpu.memory_space<hbm>> -> memref<128xf32, #tpu.memory_space<hbm>>
      %dma_start3A_184 = arith.constant 0 : i32
      %dma_start3A_185 = tpu.memref_slice %arg7[%add3A_177, %dma_start3A_184] : memref<256x128xf32, #tpu.memory_space<vmem>> -> memref<1x128xf32, #tpu.memory_space<vmem>>
      %dma_start3A_186 = tpu.memref_squeeze %dma_start3A_185 : memref<1x128xf32, #tpu.memory_space<vmem>> -> memref<128xf32, #tpu.memory_space<vmem>>
      %dma_start3A_187 = arith.constant 0 : i32
      %dma_start3A_188 = tpu.memref_slice %arg2[%squeeze3A_173, %dma_start3A_187] : memref<32768x128xf32, #tpu.memory_space<hbm>> -> memref<1x128xf32, #tpu.memory_space<hbm>>
      %dma_start3A_189 = tpu.memref_squeeze %dma_start3A_188 : memref<1x128xf32, #tpu.memory_space<hbm>> -> memref<128xf32, #tpu.memory_space<hbm>>
      tpu.enqueue_dma source(%dma_start3A_189 : memref<128xf32, #tpu.memory_space<hbm>>) target(%dma_start3A_186 : memref<128xf32, #tpu.memory_space<vmem>>) target_semaphore(%arg9 : memref<!tpu.dma_semaphore, #tpu.memory_space<semaphore_mem>>)
      %slice3A_190 = vector.extract_strided_slice %add3A_48 {offsets = [8], sizes = [1], strides = [1]} : vector<16xi32> to vector<1xi32>
      %squeeze3A_191 = vector.extract %slice3A_190[0] : i32 from vector<1xi32>
      %mul3A_192 = arith.constant 16 : i32
      %mul3A_193 = arith.muli %scan3A_29, %mul3A_192 : i32
      %add3A_194 = arith.constant 8 : i32
      %add3A_195 = arith.addi %mul3A_193, %add3A_194 : i32
      %dma_start3A_196 = arith.constant 0 : i32
      %dma_start3A_197 = tpu.memref_slice %arg7[%add3A_195, %dma_start3A_196] : memref<256x128xf32, #tpu.memory_space<vmem>> -> memref<1x128xf32, #tpu.memory_space<vmem>>
      %dma_start3A_198 = tpu.memref_squeeze %dma_start3A_197 : memref<1x128xf32, #tpu.memory_space<vmem>> -> memref<128xf32, #tpu.memory_space<vmem>>
      %dma_start3A_199 = arith.constant 0 : i32
      %dma_start3A_200 = tpu.memref_slice %arg2[%squeeze3A_191, %dma_start3A_199] : memref<32768x128xf32, #tpu.memory_space<hbm>> -> memref<1x128xf32, #tpu.memory_space<hbm>>
      %dma_start3A_201 = tpu.memref_squeeze %dma_start3A_200 : memref<1x128xf32, #tpu.memory_space<hbm>> -> memref<128xf32, #tpu.memory_space<hbm>>
      %dma_start3A_202 = arith.constant 0 : i32
      %dma_start3A_203 = tpu.memref_slice %arg7[%add3A_195, %dma_start3A_202] : memref<256x128xf32, #tpu.memory_space<vmem>> -> memref<1x128xf32, #tpu.memory_space<vmem>>
      %dma_start3A_204 = tpu.memref_squeeze %dma_start3A_203 : memref<1x128xf32, #tpu.memory_space<vmem>> -> memref<128xf32, #tpu.memory_space<vmem>>
      %dma_start3A_205 = arith.constant 0 : i32
      %dma_start3A_206 = tpu.memref_slice %arg2[%squeeze3A_191, %dma_start3A_205] : memref<32768x128xf32, #tpu.memory_space<hbm>> -> memref<1x128xf32, #tpu.memory_space<hbm>>
      %dma_start3A_207 = tpu.memref_squeeze %dma_start3A_206 : memref<1x128xf32, #tpu.memory_space<hbm>> -> memref<128xf32, #tpu.memory_space<hbm>>
      tpu.enqueue_dma source(%dma_start3A_207 : memref<128xf32, #tpu.memory_space<hbm>>) target(%dma_start3A_204 : memref<128xf32, #tpu.memory_space<vmem>>) target_semaphore(%arg9 : memref<!tpu.dma_semaphore, #tpu.memory_space<semaphore_mem>>)
      %slice3A_208 = vector.extract_strided_slice %add3A_48 {offsets = [9], sizes = [1], strides = [1]} : vector<16xi32> to vector<1xi32>
      %squeeze3A_209 = vector.extract %slice3A_208[0] : i32 from vector<1xi32>
      %mul3A_210 = arith.constant 16 : i32
      %mul3A_211 = arith.muli %scan3A_29, %mul3A_210 : i32
      %add3A_212 = arith.constant 9 : i32
      %add3A_213 = arith.addi %mul3A_211, %add3A_212 : i32
      %dma_start3A_214 = arith.constant 0 : i32
      %dma_start3A_215 = tpu.memref_slice %arg7[%add3A_213, %dma_start3A_214] : memref<256x128xf32, #tpu.memory_space<vmem>> -> memref<1x128xf32, #tpu.memory_space<vmem>>
      %dma_start3A_216 = tpu.memref_squeeze %dma_start3A_215 : memref<1x128xf32, #tpu.memory_space<vmem>> -> memref<128xf32, #tpu.memory_space<vmem>>
      %dma_start3A_217 = arith.constant 0 : i32
      %dma_start3A_218 = tpu.memref_slice %arg2[%squeeze3A_209, %dma_start3A_217] : memref<32768x128xf32, #tpu.memory_space<hbm>> -> memref<1x128xf32, #tpu.memory_space<hbm>>
      %dma_start3A_219 = tpu.memref_squeeze %dma_start3A_218 : memref<1x128xf32, #tpu.memory_space<hbm>> -> memref<128xf32, #tpu.memory_space<hbm>>
      %dma_start3A_220 = arith.constant 0 : i32
      %dma_start3A_221 = tpu.memref_slice %arg7[%add3A_213, %dma_start3A_220] : memref<256x128xf32, #tpu.memory_space<vmem>> -> memref<1x128xf32, #tpu.memory_space<vmem>>
      %dma_start3A_222 = tpu.memref_squeeze %dma_start3A_221 : memref<1x128xf32, #tpu.memory_space<vmem>> -> memref<128xf32, #tpu.memory_space<vmem>>
      %dma_start3A_223 = arith.constant 0 : i32
      %dma_start3A_224 = tpu.memref_slice %arg2[%squeeze3A_209, %dma_start3A_223] : memref<32768x128xf32, #tpu.memory_space<hbm>> -> memref<1x128xf32, #tpu.memory_space<hbm>>
      %dma_start3A_225 = tpu.memref_squeeze %dma_start3A_224 : memref<1x128xf32, #tpu.memory_space<hbm>> -> memref<128xf32, #tpu.memory_space<hbm>>
      tpu.enqueue_dma source(%dma_start3A_225 : memref<128xf32, #tpu.memory_space<hbm>>) target(%dma_start3A_222 : memref<128xf32, #tpu.memory_space<vmem>>) target_semaphore(%arg9 : memref<!tpu.dma_semaphore, #tpu.memory_space<semaphore_mem>>)
      %slice3A_226 = vector.extract_strided_slice %add3A_48 {offsets = [10], sizes = [1], strides = [1]} : vector<16xi32> to vector<1xi32>
      %squeeze3A_227 = vector.extract %slice3A_226[0] : i32 from vector<1xi32>
      %mul3A_228 = arith.constant 16 : i32
      %mul3A_229 = arith.muli %scan3A_29, %mul3A_228 : i32
      %add3A_230 = arith.constant 10 : i32
      %add3A_231 = arith.addi %mul3A_229, %add3A_230 : i32
      %dma_start3A_232 = arith.constant 0 : i32
      %dma_start3A_233 = tpu.memref_slice %arg7[%add3A_231, %dma_start3A_232] : memref<256x128xf32, #tpu.memory_space<vmem>> -> memref<1x128xf32, #tpu.memory_space<vmem>>
      %dma_start3A_234 = tpu.memref_squeeze %dma_start3A_233 : memref<1x128xf32, #tpu.memory_space<vmem>> -> memref<128xf32, #tpu.memory_space<vmem>>
      %dma_start3A_235 = arith.constant 0 : i32
      %dma_start3A_236 = tpu.memref_slice %arg2[%squeeze3A_227, %dma_start3A_235] : memref<32768x128xf32, #tpu.memory_space<hbm>> -> memref<1x128xf32, #tpu.memory_space<hbm>>
      %dma_start3A_237 = tpu.memref_squeeze %dma_start3A_236 : memref<1x128xf32, #tpu.memory_space<hbm>> -> memref<128xf32, #tpu.memory_space<hbm>>
      %dma_start3A_238 = arith.constant 0 : i32
      %dma_start3A_239 = tpu.memref_slice %arg7[%add3A_231, %dma_start3A_238] : memref<256x128xf32, #tpu.memory_space<vmem>> -> memref<1x128xf32, #tpu.memory_space<vmem>>
      %dma_start3A_240 = tpu.memref_squeeze %dma_start3A_239 : memref<1x128xf32, #tpu.memory_space<vmem>> -> memref<128xf32, #tpu.memory_space<vmem>>
      %dma_start3A_241 = arith.constant 0 : i32
      %dma_start3A_242 = tpu.memref_slice %arg2[%squeeze3A_227, %dma_start3A_241] : memref<32768x128xf32, #tpu.memory_space<hbm>> -> memref<1x128xf32, #tpu.memory_space<hbm>>
      %dma_start3A_243 = tpu.memref_squeeze %dma_start3A_242 : memref<1x128xf32, #tpu.memory_space<hbm>> -> memref<128xf32, #tpu.memory_space<hbm>>
      tpu.enqueue_dma source(%dma_start3A_243 : memref<128xf32, #tpu.memory_space<hbm>>) target(%dma_start3A_240 : memref<128xf32, #tpu.memory_space<vmem>>) target_semaphore(%arg9 : memref<!tpu.dma_semaphore, #tpu.memory_space<semaphore_mem>>)
      %slice3A_244 = vector.extract_strided_slice %add3A_48 {offsets = [11], sizes = [1], strides = [1]} : vector<16xi32> to vector<1xi32>
      %squeeze3A_245 = vector.extract %slice3A_244[0] : i32 from vector<1xi32>
      %mul3A_246 = arith.constant 16 : i32
      %mul3A_247 = arith.muli %scan3A_29, %mul3A_246 : i32
      %add3A_248 = arith.constant 11 : i32
      %add3A_249 = arith.addi %mul3A_247, %add3A_248 : i32
      %dma_start3A_250 = arith.constant 0 : i32
      %dma_start3A_251 = tpu.memref_slice %arg7[%add3A_249, %dma_start3A_250] : memref<256x128xf32, #tpu.memory_space<vmem>> -> memref<1x128xf32, #tpu.memory_space<vmem>>
      %dma_start3A_252 = tpu.memref_squeeze %dma_start3A_251 : memref<1x128xf32, #tpu.memory_space<vmem>> -> memref<128xf32, #tpu.memory_space<vmem>>
      %dma_start3A_253 = arith.constant 0 : i32
      %dma_start3A_254 = tpu.memref_slice %arg2[%squeeze3A_245, %dma_start3A_253] : memref<32768x128xf32, #tpu.memory_space<hbm>> -> memref<1x128xf32, #tpu.memory_space<hbm>>
      %dma_start3A_255 = tpu.memref_squeeze %dma_start3A_254 : memref<1x128xf32, #tpu.memory_space<hbm>> -> memref<128xf32, #tpu.memory_space<hbm>>
      %dma_start3A_256 = arith.constant 0 : i32
      %dma_start3A_257 = tpu.memref_slice %arg7[%add3A_249, %dma_start3A_256] : memref<256x128xf32, #tpu.memory_space<vmem>> -> memref<1x128xf32, #tpu.memory_space<vmem>>
      %dma_start3A_258 = tpu.memref_squeeze %dma_start3A_257 : memref<1x128xf32, #tpu.memory_space<vmem>> -> memref<128xf32, #tpu.memory_space<vmem>>
      %dma_start3A_259 = arith.constant 0 : i32
      %dma_start3A_260 = tpu.memref_slice %arg2[%squeeze3A_245, %dma_start3A_259] : memref<32768x128xf32, #tpu.memory_space<hbm>> -> memref<1x128xf32, #tpu.memory_space<hbm>>
      %dma_start3A_261 = tpu.memref_squeeze %dma_start3A_260 : memref<1x128xf32, #tpu.memory_space<hbm>> -> memref<128xf32, #tpu.memory_space<hbm>>
      tpu.enqueue_dma source(%dma_start3A_261 : memref<128xf32, #tpu.memory_space<hbm>>) target(%dma_start3A_258 : memref<128xf32, #tpu.memory_space<vmem>>) target_semaphore(%arg9 : memref<!tpu.dma_semaphore, #tpu.memory_space<semaphore_mem>>)
      %slice3A_262 = vector.extract_strided_slice %add3A_48 {offsets = [12], sizes = [1], strides = [1]} : vector<16xi32> to vector<1xi32>
      %squeeze3A_263 = vector.extract %slice3A_262[0] : i32 from vector<1xi32>
      %mul3A_264 = arith.constant 16 : i32
      %mul3A_265 = arith.muli %scan3A_29, %mul3A_264 : i32
      %add3A_266 = arith.constant 12 : i32
      %add3A_267 = arith.addi %mul3A_265, %add3A_266 : i32
      %dma_start3A_268 = arith.constant 0 : i32
      %dma_start3A_269 = tpu.memref_slice %arg7[%add3A_267, %dma_start3A_268] : memref<256x128xf32, #tpu.memory_space<vmem>> -> memref<1x128xf32, #tpu.memory_space<vmem>>
      %dma_start3A_270 = tpu.memref_squeeze %dma_start3A_269 : memref<1x128xf32, #tpu.memory_space<vmem>> -> memref<128xf32, #tpu.memory_space<vmem>>
      %dma_start3A_271 = arith.constant 0 : i32
      %dma_start3A_272 = tpu.memref_slice %arg2[%squeeze3A_263, %dma_start3A_271] : memref<32768x128xf32, #tpu.memory_space<hbm>> -> memref<1x128xf32, #tpu.memory_space<hbm>>
      %dma_start3A_273 = tpu.memref_squeeze %dma_start3A_272 : memref<1x128xf32, #tpu.memory_space<hbm>> -> memref<128xf32, #tpu.memory_space<hbm>>
      %dma_start3A_274 = arith.constant 0 : i32
      %dma_start3A_275 = tpu.memref_slice %arg7[%add3A_267, %dma_start3A_274] : memref<256x128xf32, #tpu.memory_space<vmem>> -> memref<1x128xf32, #tpu.memory_space<vmem>>
      %dma_start3A_276 = tpu.memref_squeeze %dma_start3A_275 : memref<1x128xf32, #tpu.memory_space<vmem>> -> memref<128xf32, #tpu.memory_space<vmem>>
      %dma_start3A_277 = arith.constant 0 : i32
      %dma_start3A_278 = tpu.memref_slice %arg2[%squeeze3A_263, %dma_start3A_277] : memref<32768x128xf32, #tpu.memory_space<hbm>> -> memref<1x128xf32, #tpu.memory_space<hbm>>
      %dma_start3A_279 = tpu.memref_squeeze %dma_start3A_278 : memref<1x128xf32, #tpu.memory_space<hbm>> -> memref<128xf32, #tpu.memory_space<hbm>>
      tpu.enqueue_dma source(%dma_start3A_279 : memref<128xf32, #tpu.memory_space<hbm>>) target(%dma_start3A_276 : memref<128xf32, #tpu.memory_space<vmem>>) target_semaphore(%arg9 : memref<!tpu.dma_semaphore, #tpu.memory_space<semaphore_mem>>)
      %slice3A_280 = vector.extract_strided_slice %add3A_48 {offsets = [13], sizes = [1], strides = [1]} : vector<16xi32> to vector<1xi32>
      %squeeze3A_281 = vector.extract %slice3A_280[0] : i32 from vector<1xi32>
      %mul3A_282 = arith.constant 16 : i32
      %mul3A_283 = arith.muli %scan3A_29, %mul3A_282 : i32
      %add3A_284 = arith.constant 13 : i32
      %add3A_285 = arith.addi %mul3A_283, %add3A_284 : i32
      %dma_start3A_286 = arith.constant 0 : i32
      %dma_start3A_287 = tpu.memref_slice %arg7[%add3A_285, %dma_start3A_286] : memref<256x128xf32, #tpu.memory_space<vmem>> -> memref<1x128xf32, #tpu.memory_space<vmem>>
      %dma_start3A_288 = tpu.memref_squeeze %dma_start3A_287 : memref<1x128xf32, #tpu.memory_space<vmem>> -> memref<128xf32, #tpu.memory_space<vmem>>
      %dma_start3A_289 = arith.constant 0 : i32
      %dma_start3A_290 = tpu.memref_slice %arg2[%squeeze3A_281, %dma_start3A_289] : memref<32768x128xf32, #tpu.memory_space<hbm>> -> memref<1x128xf32, #tpu.memory_space<hbm>>
      %dma_start3A_291 = tpu.memref_squeeze %dma_start3A_290 : memref<1x128xf32, #tpu.memory_space<hbm>> -> memref<128xf32, #tpu.memory_space<hbm>>
      %dma_start3A_292 = arith.constant 0 : i32
      %dma_start3A_293 = tpu.memref_slice %arg7[%add3A_285, %dma_start3A_292] : memref<256x128xf32, #tpu.memory_space<vmem>> -> memref<1x128xf32, #tpu.memory_space<vmem>>
      %dma_start3A_294 = tpu.memref_squeeze %dma_start3A_293 : memref<1x128xf32, #tpu.memory_space<vmem>> -> memref<128xf32, #tpu.memory_space<vmem>>
      %dma_start3A_295 = arith.constant 0 : i32
      %dma_start3A_296 = tpu.memref_slice %arg2[%squeeze3A_281, %dma_start3A_295] : memref<32768x128xf32, #tpu.memory_space<hbm>> -> memref<1x128xf32, #tpu.memory_space<hbm>>
      %dma_start3A_297 = tpu.memref_squeeze %dma_start3A_296 : memref<1x128xf32, #tpu.memory_space<hbm>> -> memref<128xf32, #tpu.memory_space<hbm>>
      tpu.enqueue_dma source(%dma_start3A_297 : memref<128xf32, #tpu.memory_space<hbm>>) target(%dma_start3A_294 : memref<128xf32, #tpu.memory_space<vmem>>) target_semaphore(%arg9 : memref<!tpu.dma_semaphore, #tpu.memory_space<semaphore_mem>>)
      %slice3A_298 = vector.extract_strided_slice %add3A_48 {offsets = [14], sizes = [1], strides = [1]} : vector<16xi32> to vector<1xi32>
      %squeeze3A_299 = vector.extract %slice3A_298[0] : i32 from vector<1xi32>
      %mul3A_300 = arith.constant 16 : i32
      %mul3A_301 = arith.muli %scan3A_29, %mul3A_300 : i32
      %add3A_302 = arith.constant 14 : i32
      %add3A_303 = arith.addi %mul3A_301, %add3A_302 : i32
      %dma_start3A_304 = arith.constant 0 : i32
      %dma_start3A_305 = tpu.memref_slice %arg7[%add3A_303, %dma_start3A_304] : memref<256x128xf32, #tpu.memory_space<vmem>> -> memref<1x128xf32, #tpu.memory_space<vmem>>
      %dma_start3A_306 = tpu.memref_squeeze %dma_start3A_305 : memref<1x128xf32, #tpu.memory_space<vmem>> -> memref<128xf32, #tpu.memory_space<vmem>>
      %dma_start3A_307 = arith.constant 0 : i32
      %dma_start3A_308 = tpu.memref_slice %arg2[%squeeze3A_299, %dma_start3A_307] : memref<32768x128xf32, #tpu.memory_space<hbm>> -> memref<1x128xf32, #tpu.memory_space<hbm>>
      %dma_start3A_309 = tpu.memref_squeeze %dma_start3A_308 : memref<1x128xf32, #tpu.memory_space<hbm>> -> memref<128xf32, #tpu.memory_space<hbm>>
      %dma_start3A_310 = arith.constant 0 : i32
      %dma_start3A_311 = tpu.memref_slice %arg7[%add3A_303, %dma_start3A_310] : memref<256x128xf32, #tpu.memory_space<vmem>> -> memref<1x128xf32, #tpu.memory_space<vmem>>
      %dma_start3A_312 = tpu.memref_squeeze %dma_start3A_311 : memref<1x128xf32, #tpu.memory_space<vmem>> -> memref<128xf32, #tpu.memory_space<vmem>>
      %dma_start3A_313 = arith.constant 0 : i32
      %dma_start3A_314 = tpu.memref_slice %arg2[%squeeze3A_299, %dma_start3A_313] : memref<32768x128xf32, #tpu.memory_space<hbm>> -> memref<1x128xf32, #tpu.memory_space<hbm>>
      %dma_start3A_315 = tpu.memref_squeeze %dma_start3A_314 : memref<1x128xf32, #tpu.memory_space<hbm>> -> memref<128xf32, #tpu.memory_space<hbm>>
      tpu.enqueue_dma source(%dma_start3A_315 : memref<128xf32, #tpu.memory_space<hbm>>) target(%dma_start3A_312 : memref<128xf32, #tpu.memory_space<vmem>>) target_semaphore(%arg9 : memref<!tpu.dma_semaphore, #tpu.memory_space<semaphore_mem>>)
      %slice3A_316 = vector.extract_strided_slice %add3A_48 {offsets = [15], sizes = [1], strides = [1]} : vector<16xi32> to vector<1xi32>
      %squeeze3A_317 = vector.extract %slice3A_316[0] : i32 from vector<1xi32>
      %mul3A_318 = arith.constant 16 : i32
      %mul3A_319 = arith.muli %scan3A_29, %mul3A_318 : i32
      %add3A_320 = arith.constant 15 : i32
      %add3A_321 = arith.addi %mul3A_319, %add3A_320 : i32
      %dma_start3A_322 = arith.constant 0 : i32
      %dma_start3A_323 = tpu.memref_slice %arg7[%add3A_321, %dma_start3A_322] : memref<256x128xf32, #tpu.memory_space<vmem>> -> memref<1x128xf32, #tpu.memory_space<vmem>>
      %dma_start3A_324 = tpu.memref_squeeze %dma_start3A_323 : memref<1x128xf32, #tpu.memory_space<vmem>> -> memref<128xf32, #tpu.memory_space<vmem>>
      %dma_start3A_325 = arith.constant 0 : i32
      %dma_start3A_326 = tpu.memref_slice %arg2[%squeeze3A_317, %dma_start3A_325] : memref<32768x128xf32, #tpu.memory_space<hbm>> -> memref<1x128xf32, #tpu.memory_space<hbm>>
      %dma_start3A_327 = tpu.memref_squeeze %dma_start3A_326 : memref<1x128xf32, #tpu.memory_space<hbm>> -> memref<128xf32, #tpu.memory_space<hbm>>
      %dma_start3A_328 = arith.constant 0 : i32
      %dma_start3A_329 = tpu.memref_slice %arg7[%add3A_321, %dma_start3A_328] : memref<256x128xf32, #tpu.memory_space<vmem>> -> memref<1x128xf32, #tpu.memory_space<vmem>>
      %dma_start3A_330 = tpu.memref_squeeze %dma_start3A_329 : memref<1x128xf32, #tpu.memory_space<vmem>> -> memref<128xf32, #tpu.memory_space<vmem>>
      %dma_start3A_331 = arith.constant 0 : i32
      %dma_start3A_332 = tpu.memref_slice %arg2[%squeeze3A_317, %dma_start3A_331] : memref<32768x128xf32, #tpu.memory_space<hbm>> -> memref<1x128xf32, #tpu.memory_space<hbm>>
      %dma_start3A_333 = tpu.memref_squeeze %dma_start3A_332 : memref<1x128xf32, #tpu.memory_space<hbm>> -> memref<128xf32, #tpu.memory_space<hbm>>
      tpu.enqueue_dma source(%dma_start3A_333 : memref<128xf32, #tpu.memory_space<hbm>>) target(%dma_start3A_330 : memref<128xf32, #tpu.memory_space<vmem>>) target_semaphore(%arg9 : memref<!tpu.dma_semaphore, #tpu.memory_space<semaphore_mem>>)
    }
    %scan3A_13 = arith.constant 16 : i32
    %dma_wait3A = arith.constant 0 : i32
    %dma_wait3A_14 = arith.constant 0 : i32
    %dma_wait3A_15 = tpu.memref_slice %arg4[%dma_wait3A, %dma_wait3A_14] : memref<16384x128xf32, #tpu.memory_space<hbm>> -> memref<256x128xf32, #tpu.memory_space<hbm>>
    %dma_wait3A_16 = arith.constant 0 : i32
    %dma_wait3A_17 = arith.constant 0 : i32
    %dma_wait3A_18 = tpu.memref_slice %arg4[%dma_wait3A_16, %dma_wait3A_17] : memref<16384x128xf32, #tpu.memory_space<hbm>> -> memref<256x128xf32, #tpu.memory_space<hbm>>
    tpu.wait_dma2 semaphore(%arg8 : memref<!tpu.dma_semaphore, #tpu.memory_space<semaphore_mem>>) src(%dma_wait3A_18 : memref<256x128xf32, #tpu.memory_space<hbm>>) dst(%arg6 : memref<256x128xf32, #tpu.memory_space<vmem>>)
    %add3A_19 = arith.constant 0 : i32
    %add3A_20 = arith.addi %mul3A_2, %add3A_19 : i32
    "tpu.region"() ({
      %run_scoped3A = tpu.sem_alloc : memref<!tpu.dma_semaphore, #tpu.memory_space<semaphore_mem>>
      %dma_start3A = arith.constant 0 : i32
      %dma_start3A_29 = tpu.memref_slice %arg4[%add3A_20, %dma_start3A] : memref<16384x128xf32, #tpu.memory_space<hbm>> -> memref<256x128xf32, #tpu.memory_space<hbm>>
      %dma_start3A_30 = arith.constant 0 : i32
      %dma_start3A_31 = tpu.memref_slice %arg4[%add3A_20, %dma_start3A_30] : memref<16384x128xf32, #tpu.memory_space<hbm>> -> memref<256x128xf32, #tpu.memory_space<hbm>>
      tpu.enqueue_dma source(%arg6 : memref<256x128xf32, #tpu.memory_space<vmem>>) target(%dma_start3A_31 : memref<256x128xf32, #tpu.memory_space<hbm>>) target_semaphore(%run_scoped3A : memref<!tpu.dma_semaphore, #tpu.memory_space<semaphore_mem>>)
      %dma_wait3A_32 = arith.constant 0 : i32
      %dma_wait3A_33 = tpu.memref_slice %arg4[%add3A_20, %dma_wait3A_32] : memref<16384x128xf32, #tpu.memory_space<hbm>> -> memref<256x128xf32, #tpu.memory_space<hbm>>
      %dma_wait3A_34 = arith.constant 0 : i32
      %dma_wait3A_35 = tpu.memref_slice %arg4[%add3A_20, %dma_wait3A_34] : memref<16384x128xf32, #tpu.memory_space<hbm>> -> memref<256x128xf32, #tpu.memory_space<hbm>>
      tpu.wait_dma2 semaphore(%run_scoped3A : memref<!tpu.dma_semaphore, #tpu.memory_space<semaphore_mem>>) src(%arg6 : memref<256x128xf32, #tpu.memory_space<vmem>>) dst(%dma_wait3A_35 : memref<256x128xf32, #tpu.memory_space<hbm>>)
      tpu.yield
    }) : () -> ()
    %dma_wait3A_21 = arith.constant 0 : i32
    %dma_wait3A_22 = arith.constant 0 : i32
    %dma_wait3A_23 = tpu.memref_slice %arg4[%dma_wait3A_21, %dma_wait3A_22] : memref<16384x128xf32, #tpu.memory_space<hbm>> -> memref<256x128xf32, #tpu.memory_space<hbm>>
    %dma_wait3A_24 = arith.constant 0 : i32
    %dma_wait3A_25 = arith.constant 0 : i32
    %dma_wait3A_26 = tpu.memref_slice %arg4[%dma_wait3A_24, %dma_wait3A_25] : memref<16384x128xf32, #tpu.memory_space<hbm>> -> memref<256x128xf32, #tpu.memory_space<hbm>>
    tpu.wait_dma2 semaphore(%arg9 : memref<!tpu.dma_semaphore, #tpu.memory_space<semaphore_mem>>) src(%dma_wait3A_26 : memref<256x128xf32, #tpu.memory_space<hbm>>) dst(%arg7 : memref<256x128xf32, #tpu.memory_space<vmem>>)
    %add3A_27 = arith.constant 256 : i32
    %add3A_28 = arith.addi %mul3A_2, %add3A_27 : i32
    "tpu.region"() ({
      %run_scoped3A = tpu.sem_alloc : memref<!tpu.dma_semaphore, #tpu.memory_space<semaphore_mem>>
      %dma_start3A = arith.constant 0 : i32
      %dma_start3A_29 = tpu.memref_slice %arg4[%add3A_28, %dma_start3A] : memref<16384x128xf32, #tpu.memory_space<hbm>> -> memref<256x128xf32, #tpu.memory_space<hbm>>
      %dma_start3A_30 = arith.constant 0 : i32
      %dma_start3A_31 = tpu.memref_slice %arg4[%add3A_28, %dma_start3A_30] : memref<16384x128xf32, #tpu.memory_space<hbm>> -> memref<256x128xf32, #tpu.memory_space<hbm>>
      tpu.enqueue_dma source(%arg7 : memref<256x128xf32, #tpu.memory_space<vmem>>) target(%dma_start3A_31 : memref<256x128xf32, #tpu.memory_space<hbm>>) target_semaphore(%run_scoped3A : memref<!tpu.dma_semaphore, #tpu.memory_space<semaphore_mem>>)
      %dma_wait3A_32 = arith.constant 0 : i32
      %dma_wait3A_33 = tpu.memref_slice %arg4[%add3A_28, %dma_wait3A_32] : memref<16384x128xf32, #tpu.memory_space<hbm>> -> memref<256x128xf32, #tpu.memory_space<hbm>>
      %dma_wait3A_34 = arith.constant 0 : i32
      %dma_wait3A_35 = tpu.memref_slice %arg4[%add3A_28, %dma_wait3A_34] : memref<16384x128xf32, #tpu.memory_space<hbm>> -> memref<256x128xf32, #tpu.memory_space<hbm>>
      tpu.wait_dma2 semaphore(%run_scoped3A : memref<!tpu.dma_semaphore, #tpu.memory_space<semaphore_mem>>) src(%arg7 : memref<256x128xf32, #tpu.memory_space<vmem>>) dst(%dma_wait3A_35 : memref<256x128xf32, #tpu.memory_space<hbm>>)
      tpu.yield
    }) : () -> ()
    return
  }
}

module attributes {stable_mosaic.version = 14 : i64} {
  func.func @body(%arg0: i32, %arg1: memref<64x16384xf32, #tpu.memory_space<vmem>>, %arg2: memref<64x16384xf32, #tpu.memory_space<vmem>>, %arg3: memref<8192x128xf32, #tpu.memory_space<vmem>>) attributes {dimension_semantics = [#tpu.dimension_semantics<arbitrary>], iteration_bounds = array<i64: 4>, scalar_prefetch = 0 : i64, scratch_operands = 0 : i64, tpu.core_type = #tpu.core_type<tc>, window_params = [{transform_indices = @transform_0, window_bounds = array<i64: 64, 16384>}, {transform_indices = @transform_1, window_bounds = array<i64: 64, 16384>}, {transform_indices = @transform_2, window_bounds = array<i64: 8192, 128>}]} {
    %get3A = arith.constant 0 : index
    %get3A_0 = arith.constant 0 : index
    %get3A_1 = vector.load %arg1[%get3A, %get3A_0] : memref<64x16384xf32, #tpu.memory_space<vmem>>, vector<64x16384xf32>
    %transpose3A = tpu.transpose %get3A_1, [1, 0] : vector<64x16384xf32> -> vector<16384x64xf32>
    %convert_element_type3A = arith.truncf %transpose3A : vector<16384x64xf32> to vector<16384x64xbf16>
    %bitcast3A = tpu.bitcast %convert_element_type3A : vector<16384x64xbf16> -> vector<8192x64xf32>
    %get3A_2 = arith.constant 0 : index
    %get3A_3 = arith.constant 0 : index
    %get3A_4 = vector.load %arg2[%get3A_2, %get3A_3] : memref<64x16384xf32, #tpu.memory_space<vmem>>, vector<64x16384xf32>
    %transpose3A_5 = tpu.transpose %get3A_4, [1, 0] : vector<64x16384xf32> -> vector<16384x64xf32>
    %convert_element_type3A_6 = arith.truncf %transpose3A_5 : vector<16384x64xf32> to vector<16384x64xbf16>
    %bitcast3A_7 = tpu.bitcast %convert_element_type3A_6 : vector<16384x64xbf16> -> vector<8192x64xf32>
    %concatenate3A = tpu.concatenate %bitcast3A, %bitcast3A_7 in 1 : vector<8192x64xf32>, vector<8192x64xf32> -> vector<8192x128xf32>
    %swap3A = arith.constant 0 : index
    %swap3A_8 = arith.constant 0 : index
    %swap3A_9 = vector.load %arg3[%swap3A, %swap3A_8] : memref<8192x128xf32, #tpu.memory_space<vmem>>, vector<8192x128xf32>
    tpu.vector_store %arg3[%swap3A, %swap3A_8], %concatenate3A {strides = array<i32>} : memref<8192x128xf32, #tpu.memory_space<vmem>>, vector<8192x128xf32>,
    return
  }
  func.func @transform_0(%arg0: i32) -> (i32, i32) {
    %mul3A = arith.constant 2 : i32
    %mul3A_0 = arith.muli %mul3A, %arg0 : i32
    %c0_i32 = arith.constant 0 : i32
    %c0_i32_1 = arith.constant 0 : i32
    return %c0_i32, %mul3A_0 : i32, i32
  }
  func.func @transform_1(%arg0: i32) -> (i32, i32) {
    %mul3A = arith.constant 2 : i32
    %mul3A_0 = arith.muli %mul3A, %arg0 : i32
    %add3A = arith.constant 1 : i32
    %add3A_1 = arith.addi %mul3A_0, %add3A : i32
    %min3A = arith.constant 6 : i32
    %min3A_2 = arith.minsi %add3A_1, %min3A : i32
    %c0_i32 = arith.constant 0 : i32
    %c0_i32_3 = arith.constant 0 : i32
    return %c0_i32, %min3A_2 : i32, i32
  }
  func.func @transform_2(%arg0: i32) -> (i32, i32) {
    %c0_i32 = arith.constant 0 : i32
    %c0_i32_0 = arith.constant 0 : i32
    return %arg0, %c0_i32 : i32, i32
  }
}

module attributes {stable_mosaic.version = 14 : i64} {
  func.func @body(%arg0: i32, %arg1: memref<64x16384xf32, #tpu.memory_space<vmem>>, %arg2: memref<64x16384xf32, #tpu.memory_space<vmem>>, %arg3: memref<8192x128xf32, #tpu.memory_space<vmem>>) attributes {dimension_semantics = [#tpu.dimension_semantics<arbitrary>], iteration_bounds = array<i64: 31>, scalar_prefetch = 0 : i64, scratch_operands = 0 : i64, tpu.core_type = #tpu.core_type<tc>, window_params = [{transform_indices = @transform_0, window_bounds = array<i64: 64, 16384>}, {transform_indices = @transform_1, window_bounds = array<i64: 64, 16384>}, {transform_indices = @transform_2, window_bounds = array<i64: 8192, 128>}]} {
    %get3A = arith.constant 0 : index
    %get3A_0 = arith.constant 0 : index
    %get3A_1 = vector.load %arg1[%get3A, %get3A_0] : memref<64x16384xf32, #tpu.memory_space<vmem>>, vector<64x16384xf32>
    %transpose3A = tpu.transpose %get3A_1, [1, 0] : vector<64x16384xf32> -> vector<16384x64xf32>
    %convert_element_type3A = arith.truncf %transpose3A : vector<16384x64xf32> to vector<16384x64xbf16>
    %bitcast3A = tpu.bitcast %convert_element_type3A : vector<16384x64xbf16> -> vector<8192x64xf32>
    %get3A_2 = arith.constant 0 : index
    %get3A_3 = arith.constant 0 : index
    %get3A_4 = vector.load %arg2[%get3A_2, %get3A_3] : memref<64x16384xf32, #tpu.memory_space<vmem>>, vector<64x16384xf32>
    %transpose3A_5 = tpu.transpose %get3A_4, [1, 0] : vector<64x16384xf32> -> vector<16384x64xf32>
    %convert_element_type3A_6 = arith.truncf %transpose3A_5 : vector<16384x64xf32> to vector<16384x64xbf16>
    %bitcast3A_7 = tpu.bitcast %convert_element_type3A_6 : vector<16384x64xbf16> -> vector<8192x64xf32>
    %concatenate3A = tpu.concatenate %bitcast3A, %bitcast3A_7 in 1 : vector<8192x64xf32>, vector<8192x64xf32> -> vector<8192x128xf32>
    %swap3A = arith.constant 0 : index
    %swap3A_8 = arith.constant 0 : index
    %swap3A_9 = vector.load %arg3[%swap3A, %swap3A_8] : memref<8192x128xf32, #tpu.memory_space<vmem>>, vector<8192x128xf32>
    tpu.vector_store %arg3[%swap3A, %swap3A_8], %concatenate3A {strides = array<i32>} : memref<8192x128xf32, #tpu.memory_space<vmem>>, vector<8192x128xf32>,
    return
  }
  func.func @transform_0(%arg0: i32) -> (i32, i32) {
    %mul3A = arith.constant 2 : i32
    %mul3A_0 = arith.muli %mul3A, %arg0 : i32
    %c0_i32 = arith.constant 0 : i32
    %c0_i32_1 = arith.constant 0 : i32
    return %c0_i32, %mul3A_0 : i32, i32
  }
  func.func @transform_1(%arg0: i32) -> (i32, i32) {
    %mul3A = arith.constant 2 : i32
    %mul3A_0 = arith.muli %mul3A, %arg0 : i32
    %add3A = arith.constant 1 : i32
    %add3A_1 = arith.addi %mul3A_0, %add3A : i32
    %min3A = arith.constant 61 : i32
    %min3A_2 = arith.minsi %add3A_1, %min3A : i32
    %c0_i32 = arith.constant 0 : i32
    %c0_i32_3 = arith.constant 0 : i32
    return %c0_i32, %min3A_2 : i32, i32
  }
  func.func @transform_2(%arg0: i32) -> (i32, i32) {
    %c0_i32 = arith.constant 0 : i32
    %c0_i32_0 = arith.constant 0 : i32
    return %arg0, %c0_i32 : i32, i32
  }
}

module attributes {stable_mosaic.version = 14 : i64} {
  func.func @_mlp_body(%arg0: i32, %arg1: memref<4096x128xf32, #tpu.memory_space<vmem>>, %arg2: memref<4096x128xf32, #tpu.memory_space<vmem>>, %arg3: memref<4096x1xi32, #tpu.memory_space<vmem>>, %arg4: memref<4096x1xi32, #tpu.memory_space<vmem>>, %arg5: memref<64x32xf32, #tpu.memory_space<vmem>>, %arg6: memref<1x32xf32, #tpu.memory_space<vmem>>, %arg7: memref<32x32xf32, #tpu.memory_space<vmem>>, %arg8: memref<1x32xf32, #tpu.memory_space<vmem>>, %arg9: memref<64x32xf32, #tpu.memory_space<vmem>>, %arg10: memref<1x32xf32, #tpu.memory_space<vmem>>, %arg11: memref<32x32xf32, #tpu.memory_space<vmem>>, %arg12: memref<1x32xf32, #tpu.memory_space<vmem>>, %arg13: memref<4096xf32, #tpu.memory_space<vmem>>) attributes {dimension_semantics = [#tpu.dimension_semantics<arbitrary>], iteration_bounds = array<i64: 4>, scalar_prefetch = 0 : i64, scratch_operands = 0 : i64, tpu.core_type = #tpu.core_type<tc>, window_params = [{transform_indices = @transform_0, window_bounds = array<i64: 4096, 128>}, {transform_indices = @transform_1, window_bounds = array<i64: 4096, 128>}, {transform_indices = @transform_2, window_bounds = array<i64: 4096, 1>}, {transform_indices = @transform_3, window_bounds = array<i64: 4096, 1>}, {pipeline_mode = #tpu.pipeline_mode<synchronous>, transform_indices = @transform_4, window_bounds = array<i64: 64, 32>}, {pipeline_mode = #tpu.pipeline_mode<synchronous>, transform_indices = @transform_5, window_bounds = array<i64: 1, 32>}, {pipeline_mode = #tpu.pipeline_mode<synchronous>, transform_indices = @transform_6, window_bounds = array<i64: 32, 32>}, {pipeline_mode = #tpu.pipeline_mode<synchronous>, transform_indices = @transform_7, window_bounds = array<i64: 1, 32>}, {pipeline_mode = #tpu.pipeline_mode<synchronous>, transform_indices = @transform_8, window_bounds = array<i64: 64, 32>}, {pipeline_mode = #tpu.pipeline_mode<synchronous>, transform_indices = @transform_9, window_bounds = array<i64: 1, 32>}, {pipeline_mode = #tpu.pipeline_mode<synchronous>, transform_indices = @transform_10, window_bounds = array<i64: 32, 32>}, {pipeline_mode = #tpu.pipeline_mode<synchronous>, transform_indices = @transform_11, window_bounds = array<i64: 1, 32>}, {transform_indices = @transform_12, window_bounds = array<i64: 4096>}]} {
    %get3A = arith.constant 0 : index
    %get3A_0 = arith.constant 0 : index
    %get3A_1 = vector.load %arg1[%get3A, %get3A_0] : memref<4096x128xf32, #tpu.memory_space<vmem>>, vector<4096x128xf32>
    %get3A_2 = arith.constant 0 : index
    %get3A_3 = arith.constant 0 : index
    %get3A_4 = vector.load %arg3[%get3A_2, %get3A_3] : memref<4096x1xi32, #tpu.memory_space<vmem>>, vector<4096x1xi32>
    %shift_right_arithmetic3A = arith.constant 14 : i32
    %shift_right_arithmetic3A_5 = vector.broadcast %shift_right_arithmetic3A : i32 to vector<4096x1xi32>
    %shift_right_arithmetic3A_6 = arith.shrsi %get3A_4, %shift_right_arithmetic3A_5 : vector<4096x1xi32>
    %and3A = arith.constant 1 : i32
    %and3A_7 = vector.broadcast %and3A : i32 to vector<4096x1xi32>
    %and3A_8 = arith.andi %shift_right_arithmetic3A_6, %and3A_7 : vector<4096x1xi32>
    %eq3A = arith.constant 1 : i32
    %eq3A_9 = vector.broadcast %eq3A : i32 to vector<4096x1xi32>
    %eq3A_10 = arith.cmpi eq, %and3A_8, %eq3A_9 : vector<4096x1xi32>
    %slice3A = vector.extract_strided_slice %get3A_1 {offsets = [0, 64], sizes = [4096, 64], strides = [1, 1]} : vector<4096x128xf32> to vector<4096x64xf32>
    %slice3A_11 = vector.extract_strided_slice %get3A_1 {offsets = [0, 0], sizes = [4096, 64], strides = [1, 1]} : vector<4096x128xf32> to vector<4096x64xf32>
    %broadcast_in_dim3A = vector.shape_cast %eq3A_10 : vector<4096x1xi1> to vector<4096x1xi1>
    %broadcast_in_dim3A_12 = vector.broadcast %broadcast_in_dim3A : vector<4096x1xi1> to vector<4096x64xi1>
    %select_n3A = arith.select %broadcast_in_dim3A_12, %slice3A, %slice3A_11 : vector<4096x64xi1>, vector<4096x64xf32>
    %bitcast_convert_type3A = tpu.bitcast %select_n3A : vector<4096x64xf32> -> vector<4096x64xi32>
    %shift_left3A = arith.constant 16 : i32
    %shift_left3A_13 = vector.broadcast %shift_left3A : i32 to vector<4096x64xi32>
    %shift_left3A_14 = arith.shli %bitcast_convert_type3A, %shift_left3A_13 : vector<4096x64xi32>
    %bitcast_convert_type3A_15 = tpu.bitcast %shift_left3A_14 : vector<4096x64xi32> -> vector<4096x64xf32>
    %and3A_16 = arith.constant -65536 : i32
    %and3A_17 = vector.broadcast %and3A_16 : i32 to vector<4096x64xi32>
    %and3A_18 = arith.andi %bitcast_convert_type3A, %and3A_17 : vector<4096x64xi32>
    %bitcast_convert_type3A_19 = tpu.bitcast %and3A_18 : vector<4096x64xi32> -> vector<4096x64xf32>
    %and3A_20 = arith.constant 1 : i32
    %and3A_21 = vector.broadcast %and3A_20 : i32 to vector<4096x1xi32>
    %and3A_22 = arith.andi %get3A_4, %and3A_21 : vector<4096x1xi32>
    %eq3A_23 = arith.constant 1 : i32
    %eq3A_24 = vector.broadcast %eq3A_23 : i32 to vector<4096x1xi32>
    %eq3A_25 = arith.cmpi eq, %and3A_22, %eq3A_24 : vector<4096x1xi32>
    %broadcast_in_dim3A_26 = vector.shape_cast %eq3A_25 : vector<4096x1xi1> to vector<4096x1xi1>
    %broadcast_in_dim3A_27 = vector.broadcast %broadcast_in_dim3A_26 : vector<4096x1xi1> to vector<4096x64xi1>
    %select_n3A_28 = arith.select %broadcast_in_dim3A_27, %bitcast_convert_type3A_19, %bitcast_convert_type3A_15 : vector<4096x64xi1>, vector<4096x64xf32>
    %get3A_29 = arith.constant 0 : index
    %get3A_30 = arith.constant 0 : index
    %get3A_31 = vector.load %arg2[%get3A_29, %get3A_30] : memref<4096x128xf32, #tpu.memory_space<vmem>>, vector<4096x128xf32>
    %get3A_32 = arith.constant 0 : index
    %get3A_33 = arith.constant 0 : index
    %get3A_34 = vector.load %arg4[%get3A_32, %get3A_33] : memref<4096x1xi32, #tpu.memory_space<vmem>>, vector<4096x1xi32>
    %shift_right_arithmetic3A_35 = arith.constant 14 : i32
    %shift_right_arithmetic3A_36 = vector.broadcast %shift_right_arithmetic3A_35 : i32 to vector<4096x1xi32>
    %shift_right_arithmetic3A_37 = arith.shrsi %get3A_34, %shift_right_arithmetic3A_36 : vector<4096x1xi32>
    %and3A_38 = arith.constant 1 : i32
    %and3A_39 = vector.broadcast %and3A_38 : i32 to vector<4096x1xi32>
    %and3A_40 = arith.andi %shift_right_arithmetic3A_37, %and3A_39 : vector<4096x1xi32>
    %eq3A_41 = arith.constant 1 : i32
    %eq3A_42 = vector.broadcast %eq3A_41 : i32 to vector<4096x1xi32>
    %eq3A_43 = arith.cmpi eq, %and3A_40, %eq3A_42 : vector<4096x1xi32>
    %slice3A_44 = vector.extract_strided_slice %get3A_31 {offsets = [0, 64], sizes = [4096, 64], strides = [1, 1]} : vector<4096x128xf32> to vector<4096x64xf32>
    %slice3A_45 = vector.extract_strided_slice %get3A_31 {offsets = [0, 0], sizes = [4096, 64], strides = [1, 1]} : vector<4096x128xf32> to vector<4096x64xf32>
    %broadcast_in_dim3A_46 = vector.shape_cast %eq3A_43 : vector<4096x1xi1> to vector<4096x1xi1>
    %broadcast_in_dim3A_47 = vector.broadcast %broadcast_in_dim3A_46 : vector<4096x1xi1> to vector<4096x64xi1>
    %select_n3A_48 = arith.select %broadcast_in_dim3A_47, %slice3A_44, %slice3A_45 : vector<4096x64xi1>, vector<4096x64xf32>
    %bitcast_convert_type3A_49 = tpu.bitcast %select_n3A_48 : vector<4096x64xf32> -> vector<4096x64xi32>
    %shift_left3A_50 = arith.constant 16 : i32
    %shift_left3A_51 = vector.broadcast %shift_left3A_50 : i32 to vector<4096x64xi32>
    %shift_left3A_52 = arith.shli %bitcast_convert_type3A_49, %shift_left3A_51 : vector<4096x64xi32>
    %bitcast_convert_type3A_53 = tpu.bitcast %shift_left3A_52 : vector<4096x64xi32> -> vector<4096x64xf32>
    %and3A_54 = arith.constant -65536 : i32
    %and3A_55 = vector.broadcast %and3A_54 : i32 to vector<4096x64xi32>
    %and3A_56 = arith.andi %bitcast_convert_type3A_49, %and3A_55 : vector<4096x64xi32>
    %bitcast_convert_type3A_57 = tpu.bitcast %and3A_56 : vector<4096x64xi32> -> vector<4096x64xf32>
    %and3A_58 = arith.constant 1 : i32
    %and3A_59 = vector.broadcast %and3A_58 : i32 to vector<4096x1xi32>
    %and3A_60 = arith.andi %get3A_34, %and3A_59 : vector<4096x1xi32>
    %eq3A_61 = arith.constant 1 : i32
    %eq3A_62 = vector.broadcast %eq3A_61 : i32 to vector<4096x1xi32>
    %eq3A_63 = arith.cmpi eq, %and3A_60, %eq3A_62 : vector<4096x1xi32>
    %broadcast_in_dim3A_64 = vector.shape_cast %eq3A_63 : vector<4096x1xi1> to vector<4096x1xi1>
    %broadcast_in_dim3A_65 = vector.broadcast %broadcast_in_dim3A_64 : vector<4096x1xi1> to vector<4096x64xi1>
    %select_n3A_66 = arith.select %broadcast_in_dim3A_65, %bitcast_convert_type3A_57, %bitcast_convert_type3A_53 : vector<4096x64xi1>, vector<4096x64xf32>
    %get3A_67 = arith.constant 0 : index
    %get3A_68 = arith.constant 0 : index
    %get3A_69 = vector.load %arg5[%get3A_67, %get3A_68] : memref<64x32xf32, #tpu.memory_space<vmem>>, vector<64x32xf32>
    %dot_general3A = arith.constant dense<0.000000e+00> : vector<4096x32xf32>
    %dot_general3A_70 = tpu.matmul %select_n3A_28, %get3A_69, %dot_general3A {dimension_numbers = #tpu.dot_dimension_numbers<[1], [0], [0], [1], [0, 0, 1, 1], [], []>, transpose_lhs_hint = false} : vector<4096x64xf32>, vector<64x32xf32>, vector<4096x32xf32> -> vector<4096x32xf32>
    %get3A_71 = arith.constant 0 : index
    %get3A_72 = arith.constant 0 : index
    %get3A_73 = vector.load %arg6[%get3A_71, %get3A_72] : memref<1x32xf32, #tpu.memory_space<vmem>>, vector<1x32xf32>
    %add3A = vector.broadcast %get3A_73 : vector<1x32xf32> to vector<4096x32xf32>
    %add3A_74 = arith.addf %dot_general3A_70, %add3A : vector<4096x32xf32>
    %max3A = arith.constant 0.000000e+00 : f32
    %max3A_75 = vector.broadcast %max3A : f32 to vector<4096x32xf32>
    %max3A_76 = arith.maximumf %add3A_74, %max3A_75 : vector<4096x32xf32>
    %get3A_77 = arith.constant 0 : index
    %get3A_78 = arith.constant 0 : index
    %get3A_79 = vector.load %arg7[%get3A_77, %get3A_78] : memref<32x32xf32, #tpu.memory_space<vmem>>, vector<32x32xf32>
    %dot_general3A_80 = arith.constant dense<0.000000e+00> : vector<4096x32xf32>
    %dot_general3A_81 = tpu.matmul %max3A_76, %get3A_79, %dot_general3A_80 {dimension_numbers = #tpu.dot_dimension_numbers<[1], [0], [0], [1], [0, 0, 1, 1], [], []>, transpose_lhs_hint = false} : vector<4096x32xf32>, vector<32x32xf32>, vector<4096x32xf32> -> vector<4096x32xf32>
    %get3A_82 = arith.constant 0 : index
    %get3A_83 = arith.constant 0 : index
    %get3A_84 = vector.load %arg8[%get3A_82, %get3A_83] : memref<1x32xf32, #tpu.memory_space<vmem>>, vector<1x32xf32>
    %add3A_85 = vector.broadcast %get3A_84 : vector<1x32xf32> to vector<4096x32xf32>
    %add3A_86 = arith.addf %dot_general3A_81, %add3A_85 : vector<4096x32xf32>
    %max3A_87 = arith.constant 0.000000e+00 : f32
    %max3A_88 = vector.broadcast %max3A_87 : f32 to vector<4096x32xf32>
    %max3A_89 = arith.maximumf %add3A_86, %max3A_88 : vector<4096x32xf32>
    %get3A_90 = arith.constant 0 : index
    %get3A_91 = arith.constant 0 : index
    %get3A_92 = vector.load %arg9[%get3A_90, %get3A_91] : memref<64x32xf32, #tpu.memory_space<vmem>>, vector<64x32xf32>
    %dot_general3A_93 = arith.constant dense<0.000000e+00> : vector<4096x32xf32>
    %dot_general3A_94 = tpu.matmul %select_n3A_66, %get3A_92, %dot_general3A_93 {dimension_numbers = #tpu.dot_dimension_numbers<[1], [0], [0], [1], [0, 0, 1, 1], [], []>, transpose_lhs_hint = false} : vector<4096x64xf32>, vector<64x32xf32>, vector<4096x32xf32> -> vector<4096x32xf32>
    %get3A_95 = arith.constant 0 : index
    %get3A_96 = arith.constant 0 : index
    %get3A_97 = vector.load %arg10[%get3A_95, %get3A_96] : memref<1x32xf32, #tpu.memory_space<vmem>>, vector<1x32xf32>
    %add3A_98 = vector.broadcast %get3A_97 : vector<1x32xf32> to vector<4096x32xf32>
    %add3A_99 = arith.addf %dot_general3A_94, %add3A_98 : vector<4096x32xf32>
    %max3A_100 = arith.constant 0.000000e+00 : f32
    %max3A_101 = vector.broadcast %max3A_100 : f32 to vector<4096x32xf32>
    %max3A_102 = arith.maximumf %add3A_99, %max3A_101 : vector<4096x32xf32>
    %get3A_103 = arith.constant 0 : index
    %get3A_104 = arith.constant 0 : index
    %get3A_105 = vector.load %arg11[%get3A_103, %get3A_104] : memref<32x32xf32, #tpu.memory_space<vmem>>, vector<32x32xf32>
    %dot_general3A_106 = arith.constant dense<0.000000e+00> : vector<4096x32xf32>
    %dot_general3A_107 = tpu.matmul %max3A_102, %get3A_105, %dot_general3A_106 {dimension_numbers = #tpu.dot_dimension_numbers<[1], [0], [0], [1], [0, 0, 1, 1], [], []>, transpose_lhs_hint = false} : vector<4096x32xf32>, vector<32x32xf32>, vector<4096x32xf32> -> vector<4096x32xf32>
    %get3A_108 = arith.constant 0 : index
    %get3A_109 = arith.constant 0 : index
    %get3A_110 = vector.load %arg12[%get3A_108, %get3A_109] : memref<1x32xf32, #tpu.memory_space<vmem>>, vector<1x32xf32>
    %add3A_111 = vector.broadcast %get3A_110 : vector<1x32xf32> to vector<4096x32xf32>
    %add3A_112 = arith.addf %dot_general3A_107, %add3A_111 : vector<4096x32xf32>
    %max3A_113 = arith.constant 0.000000e+00 : f32
    %max3A_114 = vector.broadcast %max3A_113 : f32 to vector<4096x32xf32>
    %max3A_115 = arith.maximumf %add3A_112, %max3A_114 : vector<4096x32xf32>
    %mul3A = arith.mulf %max3A_89, %max3A_115 : vector<4096x32xf32>
    %reduce_sum3A = arith.constant dense<0.000000e+00> : vector<4096xf32>
    %reduce_sum3A_116 = vector.multi_reduction <add>, %mul3A, %reduce_sum3A [1] : vector<4096x32xf32> to vector<4096xf32>
    %swap3A = arith.constant 0 : index
    %swap3A_117 = vector.load %arg13[%swap3A] : memref<4096xf32, #tpu.memory_space<vmem>>, vector<4096xf32>
    tpu.vector_store %arg13[%swap3A], %reduce_sum3A_116 {strides = array<i32>} : memref<4096xf32, #tpu.memory_space<vmem>>, vector<4096xf32>,
    return
  }
  func.func @transform_0(%arg0: i32) -> (i32, i32) {
    %c0_i32 = arith.constant 0 : i32
    %c0_i32_0 = arith.constant 0 : i32
    return %arg0, %c0_i32 : i32, i32
  }
  func.func @transform_1(%arg0: i32) -> (i32, i32) {
    %c0_i32 = arith.constant 0 : i32
    %c0_i32_0 = arith.constant 0 : i32
    return %arg0, %c0_i32 : i32, i32
  }
  func.func @transform_2(%arg0: i32) -> (i32, i32) {
    %c0_i32 = arith.constant 0 : i32
    %c0_i32_0 = arith.constant 0 : i32
    return %arg0, %c0_i32 : i32, i32
  }
  func.func @transform_3(%arg0: i32) -> (i32, i32) {
    %c0_i32 = arith.constant 0 : i32
    %c0_i32_0 = arith.constant 0 : i32
    return %arg0, %c0_i32 : i32, i32
  }
  func.func @transform_4(%arg0: i32) -> (i32, i32) {
    %c0_i32 = arith.constant 0 : i32
    %c0_i32_0 = arith.constant 0 : i32
    %c0_i32_1 = arith.constant 0 : i32
    return %c0_i32, %c0_i32_0 : i32, i32
  }
  func.func @transform_5(%arg0: i32) -> (i32, i32) {
    %c0_i32 = arith.constant 0 : i32
    %c0_i32_0 = arith.constant 0 : i32
    %c0_i32_1 = arith.constant 0 : i32
    return %c0_i32, %c0_i32_0 : i32, i32
  }
  func.func @transform_6(%arg0: i32) -> (i32, i32) {
    %c0_i32 = arith.constant 0 : i32
    %c0_i32_0 = arith.constant 0 : i32
    %c0_i32_1 = arith.constant 0 : i32
    return %c0_i32, %c0_i32_0 : i32, i32
  }
  func.func @transform_7(%arg0: i32) -> (i32, i32) {
    %c0_i32 = arith.constant 0 : i32
    %c0_i32_0 = arith.constant 0 : i32
    %c0_i32_1 = arith.constant 0 : i32
    return %c0_i32, %c0_i32_0 : i32, i32
  }
  func.func @transform_8(%arg0: i32) -> (i32, i32) {
    %c0_i32 = arith.constant 0 : i32
    %c0_i32_0 = arith.constant 0 : i32
    %c0_i32_1 = arith.constant 0 : i32
    return %c0_i32, %c0_i32_0 : i32, i32
  }
  func.func @transform_9(%arg0: i32) -> (i32, i32) {
    %c0_i32 = arith.constant 0 : i32
    %c0_i32_0 = arith.constant 0 : i32
    %c0_i32_1 = arith.constant 0 : i32
    return %c0_i32, %c0_i32_0 : i32, i32
  }
  func.func @transform_10(%arg0: i32) -> (i32, i32) {
    %c0_i32 = arith.constant 0 : i32
    %c0_i32_0 = arith.constant 0 : i32
    %c0_i32_1 = arith.constant 0 : i32
    return %c0_i32, %c0_i32_0 : i32, i32
  }
  func.func @transform_11(%arg0: i32) -> (i32, i32) {
    %c0_i32 = arith.constant 0 : i32
    %c0_i32_0 = arith.constant 0 : i32
    %c0_i32_1 = arith.constant 0 : i32
    return %c0_i32, %c0_i32_0 : i32, i32
  }
  func.func @transform_12(%arg0: i32) -> i32 {
    %c0_i32 = arith.constant 0 : i32
    return %arg0 : i32
  }
}

</mosaic_0001>

<sc_bundles>
// kernel: kernel.10.cloned.1.call-start
scs
__scs_entry_jumppad:
0x0: {  	(pc) =	sbr.rel $0x88, $3  }
0x1: {  	(tag) =	ssettag $0x0;
	lr =	simm.s32 $0x1  }
0x2: {  	[smem:$0x3F95] =	sst lr;
	_ =	strace $0xD0000000  }
0x3: {  	_ = 	snop  }
0x4: {  	_ = 	snop  }
0x5: {  	_ = 	snop  }
0x6: {  	_ = 	snop  }
0x7: {  	_ = 	snop  }
__scs_overlays_trampoline_lowered:
0x8: {  	[smem:$0x3FA4] =	sst s0  }
0x9: {  	[smem:$0x3FA5] =	sst s1  }
0xa: {  	[smem:$0x3FA6] =	sst s2  }
0xb: {  	[smem:$0x3FA7] =	sst s3  }
0xc: {  	[smem:$0x3FA8] =	sst s4  }
0xd: {  	[smem:$0x3FA9] =	sst s5  }
0xe: {  	[smem:$0x3FAA] =	sst s6  }
0xf: {  	[smem:$0x3FAB] =	sst s7  }
0x10: {  	[smem:$0x3FAC] =	sst s8  }
0x11: {  	[smem:$0x3FAD] =	sst s9;
	s0 =	simm.s32 @!p0 $0x0  }
0x12: {  	s1 =	sld [smem:$0x3F93];
	s0 =	simm.s32 @p0 $0x1  }
0x13: {  	[smem:$0x3FAE] =	sst s0;
	s0 =	simm.s32 @!p1 $0x0  }
0x14: {  	s2 =	sld [smem:$0x3F92];
	s0 =	simm.s32 @p1 $0x1  }
0x15: {  	[smem:$0x3FAF] =	sst s0;
	s0 =	simm.s32 @!p2 $0x0  }
0x16: {  	s3 =	sld [smem:$0x3FDB];
	s0 =	simm.s32 @p2 $0x1  }
0x17: {  	s4 =	simm.s32 $0x1BF5;
	[smem:$0x3FB1] =	sst s0  }
0x18: {  	s0 =	sld [smem:$0x3F94];
	_ =	swait.ge [sflag:s4], $0x0  }
0x19: {  	s7 =	sld [smem:$0x3F95]  }
0x1a: {  	s8 =	sadd.s32 $0xFFFFE003, lr  }
0x1b: {  	s9 =	sadd.s32 $0xFFFFFEF7, lr;
	s5 =	simm.s32 $0xFFFFFFFF;
	p2 =	slt.u32 s8, $0xFFFFF086  }
0x1c: {  	p1 =	slt.u32 s9, $0xF7A;
	s5 =	simm.s32 @!p2 $0x0  }
0x1d: {  	s5 =	simm.s32 @p1 $0x1;
	p0 =	seq.s32 s7, s2  }
0x1e: {  	s7 =	smul.u32 @!p0 $0xF7A, s2;
	p2 =	seq.s32 @!p0 s5, $0x0  }
0x1f: {  	s9 =	smul.u32 $0xF7A, s1;
	s8 =	simm.s32 @!p0 $0x1BF5;
	p2 =	por !p2, p0  }
0x20: {  	[sflag:s8] =	ssyncset.s32 @!p0 $0xFFFFF086;
	s6 =	sadd.s32 @!p0 s3, s7;
	s7 =	simm.s32 @!p0 $0x108  }
0x21: {  	s3 =	sadd.s32 s3, s9;
	s6 =	sadd.s32 @!p0 $0x88, s6;
	s7 =	simm.s32 @p2 $0x1082  }
0x22: {  	[simem:s7], [sflag:s8] =	dma.local @!p0 [hbm:s6], $0xF7A  }
0x23: {  	s9 =	sor.u32 $0xD0000000, s2;
	s6 =	simm.s32 $0x108;
	_ =	swait.ge @!p0 [sflag:s8], $0x0  }
0x24: {  	s3 =	sadd.s32 $0x88, s3;
	s6 =	simm.s32 @!p1 $0x1082;
	[sflag:s4] =	ssyncset.s32 $0xFFFFF086  }
0x25: {  	[simem:s6], [sflag:s4] =	dma.local [hbm:s3], $0xF7A  }
0x26: {  	[smem:$0x3F95] =	sst s1;
	(tag) =	ssettag s2;
	_ =	strace s9  }
0x27: {  	s1 =	sld [smem:$0x3FA5]  }
0x28: {  	s2 =	sld [smem:$0x3FA6]  }
0x29: {  	s4 =	sld [smem:$0x3FA8]  }
0x2a: {  	p0 =	seq.s32 s5, $0x0;
	s5 =	sld [smem:$0x3FA9]  }
0x2b: {  	s6 =	sld [smem:$0x3FAA]  }
0x2c: {  	s7 =	sld [smem:$0x3FAB]  }
0x2d: {  	s3 =	simm.s32 $0x108;
	s8 =	sld [smem:$0x3FAC]  }
0x2e: {  	s3 =	simm.s32 @!p0 $0x1082;
	s9 =	sld [smem:$0x3FAD]  }
0x2f: {  	lr =	sadd.s32 s0, s3;
	s0 =	sld [smem:$0x3FA4]  }
0x30: {  	s3 =	sld [smem:$0x3FA7]  }
0x31: {  	[smem:$0x3FB0] =	sst s10  }
0x32: {  	s10 =	sld [smem:$0x3FAE];
	_ =	sdelay $0x3  }
0x33: {  	p0 =	seq.s32 s10, $0x1;
	s10 =	sld [smem:$0x3FB0];
	_ =	sdelay $0x3  }
0x34: {  	[smem:$0x3FB0] =	sst s10  }
0x35: {  	s10 =	sld [smem:$0x3FAF];
	_ =	sdelay $0x3  }
0x36: {  	p1 =	seq.s32 s10, $0x1;
	s10 =	sld [smem:$0x3FB0];
	_ =	sdelay $0x3  }
0x37: {  	[smem:$0x3FB0] =	sst s10  }
0x38: {  	s10 =	sld [smem:$0x3FB1]  }
0x39: {  	_ = 	snop;
	(pc) =	sbr.ind lr, $3  }
0x3a: {  	_ = 	snop  }
0x3b: {  	_ = 	snop  }
0x3c: {  	p2 =	seq.s32 s10, $0x1;
	s10 =	sld [smem:$0x3FB0]  }
0x3d: {  	_ =	shalt  }
0x3e: {  	_ =	shalt  }
0x3f: {  	_ =	shalt  }
0x40: {  	_ =	shalt  }
0x41: {  	_ =	shalt  }
0x42: {  	_ =	shalt  }
0x43: {  	_ =	shalt  }
0x44: {  	_ =	shalt  }
0x45: {  	_ =	shalt  }
0x46: {  	_ =	shalt  }
0x47: {  	_ =	shalt  }
0x48: {  	_ =	shalt  }
0x49: {  	_ =	shalt  }
0x4a: {  	_ =	shalt  }
0x4b: {  	_ =	shalt  }
0x4c: {  	_ =	shalt  }
0x4d: {  	_ =	shalt  }
0x4e: {  	_ =	shalt  }
0x4f: {  	_ =	shalt  }
0x50: {  	_ =	shalt  }
0x51: {  	_ =	shalt  }
0x52: {  	_ =	shalt  }
0x53: {  	_ =	shalt  }
0x54: {  	_ =	shalt  }
0x55: {  	_ =	shalt  }
0x56: {  	_ =	shalt  }
0x57: {  	_ =	shalt  }
0x58: {  	_ =	shalt  }
0x59: {  	_ =	shalt  }
0x5a: {  	_ =	shalt  }
0x5b: {  	_ =	shalt  }
0x5c: {  	_ =	shalt  }
0x5d: {  	_ =	shalt  }
0x5e: {  	_ =	shalt  }
0x5f: {  	_ =	shalt  }
0x60: {  	_ =	shalt  }
0x61: {  	_ =	shalt  }
0x62: {  	_ =	shalt  }
0x63: {  	_ =	shalt  }
0x64: {  	_ =	shalt  }
0x65: {  	_ =	shalt  }
0x66: {  	_ =	shalt  }
0x67: {  	_ =	shalt  }
0x68: {  	_ =	shalt  }
0x69: {  	_ =	shalt  }
0x6a: {  	_ =	shalt  }
0x6b: {  	_ =	shalt  }
0x6c: {  	_ =	shalt  }
0x6d: {  	_ =	shalt  }
0x6e: {  	_ =	shalt  }
0x6f: {  	_ =	shalt  }
0x70: {  	_ =	shalt  }
0x71: {  	_ =	shalt  }
0x72: {  	_ =	shalt  }
0x73: {  	_ =	shalt  }
0x74: {  	_ =	shalt  }
0x75: {  	_ =	shalt  }
0x76: {  	_ =	shalt  }
0x77: {  	_ =	shalt  }
0x78: {  	_ =	shalt  }
0x79: {  	_ =	shalt  }
0x7a: {  	_ =	shalt  }
0x7b: {  	_ =	shalt  }
0x7c: {  	_ =	shalt  }
0x7d: {  	_ =	shalt  }
0x7e: {  	_ =	shalt  }
0x7f: {  	_ =	shalt  }
0x80: {  	_ =	shalt  }
0x81: {  	_ =	shalt  }
0x82: {  	_ =	shalt  }
0x83: {  	_ =	shalt  }
0x84: {  	_ =	shalt  }
0x85: {  	_ =	shalt  }
0x86: {  	_ =	shalt  }
0x87: {  	_ =	shalt  }
.Lfunc_end0:
.L_simem_size_0:
called_computation.1_lowered:
.L_overlay_start_0:
0x88: {  	s2 =	sld [smem:$0x3FD9]  }
0x89: {  	s3 =	sld [smem:$0x3FFE];
	_ =	sdelay $0x1  }
0x8a: {  	s1 =	srdreg.scid  }
0x8b: {  	s0 =	sand.u32 $0x1, s1  }
0x8c: {  	s17 =	sshll.u32 s0, $0xA;
	s2 =	sadd.s32 s3, s2  }
0x8d: {  	s2 =	sadd.s32 s2, s17  }
0x8e: {  	[smem:$0x3FBC] =	sst s2  }
0x8f: {  	_ = 	snop  }
0x90: {  	s2 =	sld [smem:$0x3FC9];
	(tm) =	ssettm $0x1  }
0x91: {  	s18 =	sld [smem:$0x3FFB];
	_ =	sdelay $0x3  }
0x92: {  	_ =	strace s18  }
0x93: {  	s3 =	sld [smem:$0x3FFC];
	_ =	sdelay $0x3  }
0x94: {  	_ =	strace s3  }
0x95: {  	s3 =	sld [smem:$0x3FFD];
	_ =	sdelay $0x3  }
0x96: {  	_ =	strace s3  }
0x97: {  	_ =	strace $0x8FFFFFFF  }
0x98: {  	s19 =	sld [smem:$0x3FDB];
	_ =	sdelay $0x1  }
0x99: {  	s4 =	simm.s32 $_scs_section_size  }
0x9a: {  	s5 =	simm.s32 $_size__tile_overlayer_lowered;
	s6 =	simm.s32 $_tile_overlayer_lowered  }
0x9b: {  	s22 =	simm.s32 $0x1BFF;
	s21 =	sshll.u32 s6, $0x1;
	s3 =	sadd.s32 s4, s19  }
0x9c: {  	s7 =	simm.s32 $0x0;
	s20 =	sshll.u32 s5, $0x1;
	s5 =	sadd.s32 s21, s3  }
0x9d: {  	[timem:s7], [sflag:s22] =	dma.local [hbm:s5], s20  }
0x9e: {  	_ =	swait.ge [sflag:s22], s20  }
0x9f: {  	s4 =	ssub.s32 $0x0, s20;
	[sflag:s22] =	ssyncset.done $0x0  }
0xa0: {  	[sflag:s22] =	ssyncadd.s32 s4;
	_ =	sdelay $0x1  }
0xa1: {  	s23 =	simm.s32 $0x1B8B  }
0xa2: {  	_ =	swait.ge [sflag:s23], $0x1  }
0xa3: {  	[sflag:s23] =	ssyncset.done $0x0  }
0xa4: {  	s25 =	simm.s32 $0x1B8E;
	s24 =	sld [smem:$0x3FFE];
	[sflag:s23] =	ssyncadd.s32 $0xFFFFFFFF  }
0xa5: {  	s26 =	simm.s32 $execute0_lowered;
	[smem:$0x3FD2] =	sst s25  }
0xa6: {  	s5 =	sshll.u32 s26, $0x1;
	_ =	strace $0x80000046;
	[dreg:$0x1] =	wrdreg $0xFFFFFFFF  }
0xa7: {  	s28 =	simm.s32 $_size_execute0_lowered;
	s3 =	sadd.s32 s3, s5;
	[dreg:$0x0] =	wrdreg $0x0  }
0xa8: {  	s5 =	sshll.u32 s28, $0x1;
	[dreg:$0x2] =	wrdreg s3  }
0xa9: {  	[dreg:$0x3] =	wrdreg s5  }
0xaa: {  	[dreg:$0x4] =	wrdreg $0xC0  }
0xab: {  	_ =	task [dreg:s7], $0x5FFFF  }
0xac: {  	[dreg:$0x1] =	wrdreg $0xFFFFFFFF  }
0xad: {  	[dreg:$0x0] =	wrdreg $0x60  }
0xae: {  	[dreg:$0x2] =	wrdreg s24  }
0xaf: {  	[dreg:$0x3] =	wrdreg s2  }
0xb0: {  	[dreg:$0x4] =	wrdreg $0xA  }
0xb1: {  	_ =	task.clear_ibuf [dreg:s7], $0x5FFFF;
	_ =	strace $0x90000046  }
0xb2: {  	s29 =	simm.s32 $0xA;
	_ =	strace $0x80000048  }
0xb3: {  	_ =	swait.ge [sflag:s29], $0x1  }
0xb4: {  	[sflag:s29] =	ssyncadd.s32 $0xFFFFFFFF  }
0xb5: {  	_ =	strace $0x90000048  }
0xb6: {  	_ =	sfence  }
0xb7: {  	s30 =	sld [smem:$0x0];
	_ =	sdelay $0x2  }
0xb8: {  	s31 =	sshll.u32 s1, $0xD;
	s1 =	sshrl.u32 s1, $0x2  }
0xb9: {  	s3 =	sand.u32 $0x4000, s31;
	s1 =	sadd.s32 s1, s30  }
0xba: {  	s0 =	sor.u32 s3, s0;
	s1 =	sshll.u32 s1, $0x11  }
0xbb: {  	s0 =	sor.u32 s1, s0  }
0xbc: {  	s0 =	sadd.s32 $0x8F2B, s0  }
0xbd: {  	[sflag:s0] =	ssyncadd.remote.s32 $0x1  }
0xbe: {  	_ =	sfence.sel $0xFFFF  }
0xbf: {  	[dreg:$0x0] =	wrdreg $0xFFFFFFFF;
	(pc) =	sbr.abs _section_cstart, $3  }
0xc0: {  	[dreg:$0x1] =	wrdreg $0xFFFFFFFF  }
0xc1: {  	_ =	task.clear_ibuf [dreg:s7], $0x2FFFF;
	_ =	strace $0x9FFFFFFF  }
0xc2: {  	(tm) =	ssettm $0x7FFFFFFF  }
0xc3: {  	_ =	shalt  }
tec
execute0_lowered:
.L_overlay_start_1:
0x0: {  	(tag) =	ssettag $0x1  }
0x1: {  	s4 =	rddreg [dreg:$0x0]  }
0x2: {  	s5 =	rddreg [dreg:$0x1]  }
0x3: {  	s2 =	simm.s32 $0x0;
	s3 =	srdreg.scid;
	s0 =	stileid.u32  }
0x4: {  	s11 =	simm.s32 $0x2;
	s13 =	simm.s32 $0x0;
	s6 =	sand.u32 $0x1, s3  }
0x5: {  	[smem:$0x7FF] =	sst s2;
	s7 =	sshll.u32 s0, $0xA;
	s8 =	sshll.u32 s6, $0x9  }
0x6: {  	s3 =	sadd.s32 $0x2200, s4;
	s6 =	ssub.s32 $0x2, s6;
	s7 =	sor.u32 s8, s7  }
0x7: {  	_ =	strace $0x80000047;
	s9 =	sshrl.u32 s6, $0x1;
	s8 =	sshll.u32 s7, $0x4  }
0x8: {  	s7 =	sshrl.u32 s7, $0x3;
	s9 =	ssub.s32 s6, s9;
	s8 =	sadd.s32 s8, s4  }
0x9: {  	s4 =	sadd.s32 s5, s7;
	s7 =	smax.u32 s9, $0x1;
	s9 =	simm.s32 $0x1  }
0xa: {  	s5 =	sadd.s32 $0x3E2200, s8;
	s6 =	sadd.s32 $0x3E3200, s8;
	s8 =	simm.s32 $0x3  }
.LBB2_1:
0xb: {  	[tilespmem:s2], [sflag:$0x3] =	stream.linear.gather [hbm4b:s4+s2], $0x200, $0x38;
	[tilespmem:$0x10200] =	vst v63  }
0xc: {  	_ =	swait.ge [sflag:s8], $0x200  }
0xd: {  	[sflag:s8] =	ssyncset.done $0x0  }
0xe: {  	[sflag:s8] =	ssyncadd.s32 $0xFFFFFE00  }
0xf: {  	v0 =	vld [tilespmem:s2+$0x0];
	_ =	sdelay $0x4  }
0x10: {  	v1 =	vshrl.u32 v0, $0x2;
	v0 =	vshrl.u32 v0, $0x1  }
0x11: {  	v1 =	vand.u32 $0xFFFFE000, v1;
	v0 =	vand.u32 $0x1FFF, v0  }
0x12: {  	v0 =	vor.u32 v0, v1  }
0x13: {  	v0 =	vshll.u32 v0, $0x4  }
0x14: {  	(v2sf) =	vpush v0, $0x0  }
0x15: {  	(v2sf) =	vpush v0, $0x1  }
0x16: {  	(v2sf) =	vpush v0, $0x2;
	_ =	sdelay $0x1  }
0x17: {  	(v2sf) =	vpush v0, $0x4;
	_ =	sdelay $0x1  }
0x18: {  	(v2sf) =	vpush v0, $0x3  }
0x19: {  	(v2sf) =	vpush v0, $0x5  }
0x1a: {  	s16 =	simm.s32 $0x2000;
	s15 =	simm.s32 $0x0;
	s17 =	simm.s32 $0x0;
	(v2sf) =	vpush v0, $0x6  }
.LBB2_2:
0x1b: {  	p0 =	sne.s32 s16, $0x1E000  }
0x1c: {  	s28 =	sadd.s32 $0x280, s15;
	s21 =	sadd.s32 $0x780, s15;
	s18 =	smov.u32 s16  }
0x1d: {  	s16 =	sadd.s32 $0x2000, s16;
	s24 =	sadd.s32 $0x580, s15;
	s19 =	sadd.s32 $0x800, s15;
	(v2sf) =	vpush v0, $0x7  }
0x1e: {  	s26 =	sadd.s32 $0x480, s15;
	s22 =	sadd.s32 $0x600, s15;
	s20 =	sadd.s32 $0x880, s15  }
0x1f: {  	s29 =	sadd.s32 $0x200, s15;
	s30 =	sadd.s32 $0x400, s15;
	(v2sf) =	vpush v0, $0x8  }
0x20: {  	s14 =	simm.s32 $0x0;
	s31 =	sadd.s32 $0x500, s15;
	s17 =	sadd.s32 $0x10, s17  }
0x21: {  	s0 =	sadd.s32 $0x300, s15;
	s23 =	sadd.s32 $0x700, s15;
	s25 =	spop (v2sf);
	(v2sf) =	vpush v0, $0x9  }
0x22: {  	s1 =	sand.u32 $0x1FFFFFF0, s25;
	s25 =	sadd.s32 $0x680, s15;
	s10 =	spop (v2sf)  }
0x23: {  	s1 =	sadd.s32 s3, s1;
	s10 =	sand.u32 $0x1FFFFFF0, s10;
	s12 =	spop (v2sf);
	(v2sf) =	vpush v0, $0xA  }
0x24: {  	[tilespmem:s29], [sflag:$0x1] =	stream.linear.gather [hbm4b:s1+s14], $0x80, $0x38;
	[tilespmem:$0x10200] =	vst v63  }
0x25: {  	s1 =	sadd.s32 s3, s10;
	s10 =	sadd.s32 $0x380, s15;
	s29 =	spop (v2sf);
	(v2sf) =	vpush v0, $0xB  }
0x26: {  	[tilespmem:s28], [sflag:$0x1] =	stream.linear.gather [hbm4b:s1+s14], $0x80, $0x38;
	[tilespmem:$0x10200] =	vst v63  }
0x27: {  	s1 =	sand.u32 $0x1FFFFFF0, s12;
	s12 =	sand.u32 $0x1FFFFFF0, s29;
	s28 =	spop (v2sf);
	(v2sf) =	vpush v0, $0xC  }
0x28: {  	s1 =	sadd.s32 s3, s1;
	s28 =	sand.u32 $0x1FFFFFF0, s28;
	s29 =	spop (v2sf)  }
0x29: {  	[tilespmem:s0], [sflag:$0x1] =	stream.linear.gather [hbm4b:s1+s14], $0x80, $0x38;
	(v2sf) =	vpush v0, $0xD;
	[tilespmem:$0x10200] =	vst v63  }
0x2a: {  	s0 =	sadd.s32 s3, s28;
	s1 =	sand.u32 $0x1FFFFFF0, s29;
	s28 =	spop (v2sf)  }
0x2b: {  	[tilespmem:s10], [sflag:$0x1] =	stream.linear.gather [hbm4b:s0+s14], $0x80, $0x38;
	(v2sf) =	vpush v0, $0xE;
	[tilespmem:$0x10200] =	vst v63  }
0x2c: {  	s0 =	sadd.s32 s3, s12;
	s10 =	sand.u32 $0x1FFFFFF0, s28;
	s12 =	spop (v2sf)  }
0x2d: {  	[tilespmem:s30], [sflag:$0x1] =	stream.linear.gather [hbm4b:s0+s14], $0x80, $0x38;
	(v2sf) =	vpush v0, $0xF;
	[tilespmem:$0x10200] =	vst v63  }
0x2e: {  	s0 =	sadd.s32 s3, s1;
	s1 =	sand.u32 $0x1FFFFFF0, s12;
	s12 =	spop (v2sf)  }
0x2f: {  	[tilespmem:s26], [sflag:$0x1] =	stream.linear.gather [hbm4b:s0+s14], $0x80, $0x38;
	[tilespmem:$0x10200] =	vst v63  }
0x30: {  	s0 =	sadd.s32 s3, s10;
	s10 =	sand.u32 $0x1FFFFFF0, s12;
	s12 =	spop (v2sf)  }
0x31: {  	[tilespmem:s31], [sflag:$0x1] =	stream.linear.gather [hbm4b:s0+s14], $0x80, $0x38;
	[tilespmem:$0x10200] =	vst v63  }
0x32: {  	s0 =	sadd.s32 s3, s1;
	s1 =	sand.u32 $0x1FFFFFF0, s12;
	s12 =	spop (v2sf)  }
0x33: {  	[tilespmem:s24], [sflag:$0x1] =	stream.linear.gather [hbm4b:s0+s14], $0x80, $0x38;
	[tilespmem:$0x10200] =	vst v63  }
0x34: {  	s0 =	sadd.s32 s3, s10;
	s10 =	sand.u32 $0x1FFFFFF0, s12;
	s12 =	spop (v2sf)  }
0x35: {  	[tilespmem:s22], [sflag:$0x1] =	stream.linear.gather [hbm4b:s0+s14], $0x80, $0x38;
	[tilespmem:$0x10200] =	vst v63  }
0x36: {  	s0 =	sadd.s32 s3, s1;
	s1 =	sand.u32 $0x1FFFFFF0, s12;
	s12 =	spop (v2sf)  }
0x37: {  	[tilespmem:s25], [sflag:$0x1] =	stream.linear.gather [hbm4b:s0+s14], $0x80, $0x38;
	[tilespmem:$0x10200] =	vst v63  }
0x38: {  	s0 =	sadd.s32 s3, s10;
	s10 =	sand.u32 $0x1FFFFFF0, s12;
	s12 =	spop (v2sf)  }
0x39: {  	[tilespmem:s23], [sflag:$0x1] =	stream.linear.gather [hbm4b:s0+s14], $0x80, $0x38;
	[tilespmem:$0x10200] =	vst v63  }
0x3a: {  	s0 =	sadd.s32 s3, s1;
	s1 =	sand.u32 $0x1FFFFFF0, s12;
	s12 =	spop (v2sf)  }
0x3b: {  	[tilespmem:s21], [sflag:$0x1] =	stream.linear.gather [hbm4b:s0+s14], $0x80, $0x38;
	[tilespmem:$0x10200] =	vst v63  }
0x3c: {  	s0 =	sadd.s32 s3, s10;
	s10 =	sand.u32 $0x1FFFFFF0, s12;
	s12 =	spop (v2sf)  }
0x3d: {  	[tilespmem:s19], [sflag:$0x1] =	stream.linear.gather [hbm4b:s0+s14], $0x80, $0x38;
	[tilespmem:$0x10200] =	vst v63  }
0x3e: {  	s0 =	sadd.s32 s3, s1;
	s1 =	sand.u32 $0x1FFFFFF0, s12  }
0x3f: {  	[tilespmem:s20], [sflag:$0x1] =	stream.linear.gather [hbm4b:s0+s14], $0x80, $0x38;
	[tilespmem:$0x10200] =	vst v63  }
0x40: {  	s10 =	sadd.s32 s3, s10;
	s0 =	sadd.s32 $0x900, s15  }
0x41: {  	[tilespmem:s0], [sflag:$0x1] =	stream.linear.gather [hbm4b:s10+s14], $0x80, $0x38;
	[tilespmem:$0x10200] =	vst v63  }
0x42: {  	s1 =	sadd.s32 s3, s1;
	s0 =	sadd.s32 $0x980, s15  }
0x43: {  	[tilespmem:s0], [sflag:$0x1] =	stream.linear.gather [hbm4b:s1+s14], $0x80, $0x38;
	[tilespmem:$0x10200] =	vst v63  }
0x44: {  	v0 =	vld [tilespmem:s17+$0x0];
	_ =	sdelay $0x4  }
0x45: {  	v1 =	vshrl.u32 v0, $0x2;
	v0 =	vshrl.u32 v0, $0x1  }
0x46: {  	v1 =	vand.u32 $0xFFFFE000, v1;
	v0 =	vand.u32 $0x1FFF, v0  }
0x47: {  	v0 =	vor.u32 v0, v1  }
0x48: {  	v0 =	vshll.u32 v0, $0x4  }
0x49: {  	(v2sf) =	vpush v0, $0x0  }
0x4a: {  	(v2sf) =	vpush v0, $0x1  }
0x4b: {  	(v2sf) =	vpush v0, $0x2;
	_ =	sdelay $0x1  }
0x4c: {  	(v2sf) =	vpush v0, $0x4  }
.Ltmp0:
0x4d: {  	(pc) =	sbr.rel @p0 .LBB2_2-.Ltmp0, $3  }
0x4e: {  	(v2sf) =	vpush v0, $0x3  }
0x4f: {  	(v2sf) =	vpush v0, $0x5;
	_ =	sdelay $0x1  }
0x50: {  	s15 =	sshra.s32 s18, $0x2;
	(v2sf) =	vpush v0, $0x6  }
0x51: {  	_ =	sdelay $0x1  }
0x52: {  	s0 =	sadd.s32 $0x280, s15;
	s18 =	sadd.s32 $0x780, s15  }
0x53: {  	s1 =	sadd.s32 $0x580, s15;
	s16 =	sadd.s32 $0x800, s15;
	(v2sf) =	vpush v0, $0x7;
	s10 =	sadd.s32 $0x480, s15  }
0x54: {  	s12 =	sadd.s32 $0x600, s15;
	s17 =	sadd.s32 $0x880, s15;
	s19 =	sadd.s32 $0x200, s15  }
0x55: {  	s20 =	sadd.s32 $0x400, s15;
	s21 =	sadd.s32 $0x500, s15;
	(v2sf) =	vpush v0, $0x8;
	s22 =	spop (v2sf)  }
0x56: {  	s23 =	sadd.s32 $0x300, s15;
	s22 =	sand.u32 $0x1FFFFFF0, s22;
	s24 =	spop (v2sf)  }
0x57: {  	(v2sf) =	vpush v0, $0x9;
	s22 =	sadd.s32 s3, s22;
	s24 =	sand.u32 $0x1FFFFFF0, s24;
	s25 =	spop (v2sf)  }
0x58: {  	[tilespmem:s19], [sflag:$0x1] =	stream.linear.gather [hbm4b:s22+s14], $0x80, $0x38;
	[tilespmem:$0x10200] =	vst v63  }
0x59: {  	s26 =	sadd.s32 $0x380, s15;
	(v2sf) =	vpush v0, $0xA;
	s30 =	sadd.s32 s3, s24;
	s31 =	spop (v2sf)  }
0x5a: {  	[tilespmem:s0], [sflag:$0x1] =	stream.linear.gather [hbm4b:s30+s14], $0x80, $0x38;
	[tilespmem:$0x10200] =	vst v63  }
0x5b: {  	s19 =	sadd.s32 $0x700, s15;
	s28 =	sand.u32 $0x1FFFFFF0, s25;
	(v2sf) =	vpush v0, $0xB;
	s29 =	spop (v2sf)  }
0x5c: {  	s22 =	sadd.s32 s3, s28;
	s0 =	sadd.s32 $0x680, s15;
	s25 =	sand.u32 $0x1FFFFFF0, s29  }
0x5d: {  	(v2sf) =	vpush v0, $0xC;
	[tilespmem:s23], [sflag:$0x1] =	stream.linear.gather [hbm4b:s22+s14], $0x80, $0x38;
	[tilespmem:$0x10200] =	vst v63  }
0x5e: {  	s30 =	sand.u32 $0x1FFFFFF0, s31;
	s31 =	spop (v2sf);
	s28 =	sadd.s32 s3, s25  }
0x5f: {  	(v2sf) =	vpush v0, $0xD;
	[tilespmem:s26], [sflag:$0x1] =	stream.linear.gather [hbm4b:s28+s14], $0x80, $0x38;
	[tilespmem:$0x10200] =	vst v63  }
0x60: {  	s22 =	sadd.s32 s3, s30;
	s23 =	sand.u32 $0x1FFFFFF0, s31;
	s29 =	spop (v2sf)  }
0x61: {  	(v2sf) =	vpush v0, $0xE;
	[tilespmem:s20], [sflag:$0x1] =	stream.linear.gather [hbm4b:s22+s14], $0x80, $0x38;
	[tilespmem:$0x10200] =	vst v63  }
0x62: {  	s23 =	sadd.s32 s3, s23;
	s30 =	sand.u32 $0x1FFFFFF0, s29;
	s31 =	spop (v2sf)  }
0x63: {  	(v2sf) =	vpush v0, $0xF;
	[tilespmem:s10], [sflag:$0x1] =	stream.linear.gather [hbm4b:s23+s14], $0x80, $0x38;
	[tilespmem:$0x10200] =	vst v63  }
0x64: {  	s24 =	sand.u32 $0x1FFFFFF0, s31;
	s25 =	spop (v2sf);
	s20 =	sadd.s32 s3, s30  }
0x65: {  	[tilespmem:s21], [sflag:$0x1] =	stream.linear.gather [hbm4b:s20+s14], $0x80, $0x38;
	[tilespmem:$0x10200] =	vst v63  }
0x66: {  	s26 =	sand.u32 $0x1FFFFFF0, s25;
	s10 =	sadd.s32 s3, s24;
	s28 =	spop (v2sf)  }
0x67: {  	[tilespmem:s1], [sflag:$0x1] =	stream.linear.gather [hbm4b:s10+s14], $0x80, $0x38;
	[tilespmem:$0x10200] =	vst v63  }
0x68: {  	s20 =	sadd.s32 s3, s26;
	s29 =	sand.u32 $0x1FFFFFF0, s28;
	s30 =	spop (v2sf)  }
0x69: {  	[tilespmem:s12], [sflag:$0x1] =	stream.linear.gather [hbm4b:s20+s14], $0x80, $0x38;
	[tilespmem:$0x10200] =	vst v63  }
0x6a: {  	s10 =	sand.u32 $0x1FFFFFF0, s30;
	s1 =	sadd.s32 s3, s29;
	s31 =	spop (v2sf)  }
0x6b: {  	[tilespmem:s0], [sflag:$0x1] =	stream.linear.gather [hbm4b:s1+s14], $0x80, $0x38;
	[tilespmem:$0x10200] =	vst v63  }
0x6c: {  	s10 =	sadd.s32 s3, s10;
	s20 =	sand.u32 $0x1FFFFFF0, s31;
	s21 =	spop (v2sf)  }
0x6d: {  	[tilespmem:s19], [sflag:$0x1] =	stream.linear.gather [hbm4b:s10+s14], $0x80, $0x38;
	[tilespmem:$0x10200] =	vst v63  }
0x6e: {  	s0 =	sadd.s32 s3, s20;
	s1 =	sand.u32 $0x1FFFFFF0, s21;
	s22 =	spop (v2sf)  }
0x6f: {  	[tilespmem:s18], [sflag:$0x1] =	stream.linear.gather [hbm4b:s0+s14], $0x80, $0x38;
	[tilespmem:$0x10200] =	vst v63  }
0x70: {  	s23 =	sand.u32 $0x1FFFFFF0, s22;
	s1 =	sadd.s32 s3, s1;
	s24 =	spop (v2sf)  }
0x71: {  	[tilespmem:s16], [sflag:$0x1] =	stream.linear.gather [hbm4b:s1+s14], $0x80, $0x38;
	[tilespmem:$0x10200] =	vst v63  }
0x72: {  	s25 =	sand.u32 $0x1FFFFFF0, s24;
	s26 =	spop (v2sf);
	s0 =	sadd.s32 s3, s23  }
0x73: {  	[tilespmem:s17], [sflag:$0x1] =	stream.linear.gather [hbm4b:s0+s14], $0x80, $0x38;
	[tilespmem:$0x10200] =	vst v63  }
0x74: {  	s29 =	sadd.s32 $0x900, s15;
	s28 =	sand.u32 $0x1FFFFFF0, s26;
	s1 =	sadd.s32 s3, s25  }
0x75: {  	[tilespmem:s29], [sflag:$0x1] =	stream.linear.gather [hbm4b:s1+s14], $0x80, $0x38;
	[tilespmem:$0x10200] =	vst v63  }
0x76: {  	s30 =	sadd.s32 $0x980, s15;
	s31 =	sand.u32 $0xF0, s14;
	s0 =	sadd.s32 s3, s28  }
0x77: {  	[tilespmem:s30], [sflag:$0x1] =	stream.linear.gather [hbm4b:s0+s14], $0x80, $0x38;
	[tilespmem:$0x10200] =	vst v63  }
0x78: {  	v0 =	vld [tilespmem:s31+$0x100];
	_ =	sdelay $0x4  }
0x79: {  	v1 =	vshrl.u32 v0, $0x2;
	v0 =	vshrl.u32 v0, $0x1  }
0x7a: {  	v1 =	vand.u32 $0xFFFFE000, v1;
	v0 =	vand.u32 $0x1FFF, v0  }
0x7b: {  	v0 =	vor.u32 v0, v1  }
0x7c: {  	v0 =	vshll.u32 v0, $0x4  }
0x7d: {  	(v2sf) =	vpush v0, $0x0  }
0x7e: {  	(v2sf) =	vpush v0, $0x2  }
0x7f: {  	(v2sf) =	vpush v0, $0x1;
	_ =	sdelay $0x1  }
0x80: {  	(v2sf) =	vpush v0, $0x3  }
0x81: {  	(v2sf) =	vpush v0, $0x4;
	_ =	sdelay $0x2  }
0x82: {  	s15 =	simm.s32 $0x2000;
	s16 =	simm.s32 $0x10  }
.LBB2_4:
0x83: {  	p0 =	sne.s32 s15, $0x1E000;
	(v2sf) =	vpush v0, $0x5;
	s0 =	smov.u32 s15;
	s15 =	sadd.s32 $0x2000, s15  }
0x84: {  	s17 =	sshra.s32 s14, $0x2;
	s14 =	smov.u32 s0  }
0x85: {  	s0 =	sadd.s32 $0x8280, s17;
	(v2sf) =	vpush v0, $0x6  }
0x86: {  	s1 =	sadd.s32 $0x8200, s17  }
0x87: {  	s20 =	sadd.s32 $0x8780, s17;
	s19 =	sadd.s32 $0x8800, s17;
	s18 =	sadd.s32 $0x8880, s17;
	(v2sf) =	vpush v0, $0x7  }
0x88: {  	s23 =	sadd.s32 $0x8600, s17;
	s22 =	sadd.s32 $0x8680, s17;
	s21 =	sadd.s32 $0x8700, s17  }
0x89: {  	s10 =	sadd.s32 $0x8500, s17;
	s24 =	sadd.s32 $0x8580, s17;
	s12 =	spop (v2sf);
	(v2sf) =	vpush v0, $0x8  }
0x8a: {  	s25 =	sadd.s32 $0x8300, s17;
	s12 =	sand.u32 $0x1FFFFFF0, s12;
	s26 =	spop (v2sf)  }
0x8b: {  	s28 =	sadd.s32 $0x8480, s17;
	s12 =	sadd.s32 s3, s12;
	s29 =	spop (v2sf);
	(v2sf) =	vpush v0, $0x9  }
0x8c: {  	[tilespmem:s1], [sflag:$0x2] =	stream.linear.gather [hbm4b:s12+s2], $0x80, $0x38;
	[tilespmem:$0x10200] =	vst v63  }
0x8d: {  	s1 =	sand.u32 $0x1FFFFFF0, s29;
	s12 =	sand.u32 $0x1FFFFFF0, s26;
	s26 =	spop (v2sf);
	(v2sf) =	vpush v0, $0xA  }
0x8e: {  	s29 =	sadd.s32 $0x8400, s17;
	s1 =	sadd.s32 s3, s1;
	s30 =	spop (v2sf)  }
0x8f: {  	[tilespmem:s0], [sflag:$0x2] =	stream.linear.gather [hbm4b:s1+s2], $0x80, $0x38;
	(v2sf) =	vpush v0, $0xB;
	[tilespmem:$0x10200] =	vst v63  }
0x90: {  	s0 =	sadd.s32 s3, s12;
	s1 =	sand.u32 $0x1FFFFFF0, s26;
	s12 =	sand.u32 $0x1FFFFFF0, s30  }
0x91: {  	[tilespmem:s25], [sflag:$0x2] =	stream.linear.gather [hbm4b:s0+s2], $0x80, $0x38;
	(v2sf) =	vpush v0, $0xC;
	[tilespmem:$0x10200] =	vst v63  }
0x92: {  	s1 =	sadd.s32 s3, s1;
	s0 =	sadd.s32 $0x8380, s17;
	s25 =	spop (v2sf)  }
0x93: {  	[tilespmem:s0], [sflag:$0x2] =	stream.linear.gather [hbm4b:s1+s2], $0x80, $0x38;
	(v2sf) =	vpush v0, $0xD;
	[tilespmem:$0x10200] =	vst v63  }
0x94: {  	s0 =	sadd.s32 s3, s12;
	s1 =	sand.u32 $0x1FFFFFF0, s25;
	s12 =	spop (v2sf)  }
0x95: {  	[tilespmem:s29], [sflag:$0x2] =	stream.linear.gather [hbm4b:s0+s2], $0x80, $0x38;
	(v2sf) =	vpush v0, $0xE;
	[tilespmem:$0x10200] =	vst v63  }
0x96: {  	s0 =	sadd.s32 s3, s1;
	s1 =	sand.u32 $0x1FFFFFF0, s12;
	s12 =	spop (v2sf)  }
0x97: {  	[tilespmem:s28], [sflag:$0x2] =	stream.linear.gather [hbm4b:s0+s2], $0x80, $0x38;
	(v2sf) =	vpush v0, $0xF;
	[tilespmem:$0x10200] =	vst v63  }
0x98: {  	s0 =	sadd.s32 s3, s1;
	s1 =	sand.u32 $0x1FFFFFF0, s12;
	s12 =	spop (v2sf)  }
0x99: {  	[tilespmem:s10], [sflag:$0x2] =	stream.linear.gather [hbm4b:s0+s2], $0x80, $0x38;
	[tilespmem:$0x10200] =	vst v63  }
0x9a: {  	s0 =	sadd.s32 s3, s1;
	s1 =	sand.u32 $0x1FFFFFF0, s12;
	s10 =	spop (v2sf)  }
0x9b: {  	[tilespmem:s24], [sflag:$0x2] =	stream.linear.gather [hbm4b:s0+s2], $0x80, $0x38;
	[tilespmem:$0x10200] =	vst v63  }
0x9c: {  	s0 =	sadd.s32 s3, s1;
	s1 =	sand.u32 $0x1FFFFFF0, s10;
	s10 =	spop (v2sf)  }
0x9d: {  	[tilespmem:s23], [sflag:$0x2] =	stream.linear.gather [hbm4b:s0+s2], $0x80, $0x38;
	[tilespmem:$0x10200] =	vst v63  }
0x9e: {  	s0 =	sadd.s32 s3, s1;
	s1 =	sand.u32 $0x1FFFFFF0, s10;
	s10 =	spop (v2sf)  }
0x9f: {  	[tilespmem:s22], [sflag:$0x2] =	stream.linear.gather [hbm4b:s0+s2], $0x80, $0x38;
	[tilespmem:$0x10200] =	vst v63  }
0xa0: {  	s0 =	sadd.s32 s3, s1;
	s1 =	sand.u32 $0x1FFFFFF0, s10;
	s10 =	spop (v2sf)  }
0xa1: {  	[tilespmem:s21], [sflag:$0x2] =	stream.linear.gather [hbm4b:s0+s2], $0x80, $0x38;
	[tilespmem:$0x10200] =	vst v63  }
0xa2: {  	s0 =	sadd.s32 s3, s1;
	s1 =	sand.u32 $0x1FFFFFF0, s10;
	s10 =	spop (v2sf)  }
0xa3: {  	[tilespmem:s20], [sflag:$0x2] =	stream.linear.gather [hbm4b:s0+s2], $0x80, $0x38;
	[tilespmem:$0x10200] =	vst v63  }
0xa4: {  	s0 =	sadd.s32 s3, s1;
	s1 =	sand.u32 $0x1FFFFFF0, s10;
	s10 =	spop (v2sf)  }
0xa5: {  	[tilespmem:s19], [sflag:$0x2] =	stream.linear.gather [hbm4b:s0+s2], $0x80, $0x38;
	[tilespmem:$0x10200] =	vst v63  }
0xa6: {  	s0 =	sadd.s32 s3, s1;
	s1 =	sand.u32 $0x1FFFFFF0, s10;
	s10 =	spop (v2sf)  }
0xa7: {  	[tilespmem:s18], [sflag:$0x2] =	stream.linear.gather [hbm4b:s0+s2], $0x80, $0x38;
	[tilespmem:$0x10200] =	vst v63  }
0xa8: {  	s1 =	sadd.s32 s3, s1;
	s0 =	sadd.s32 $0x8900, s17;
	s10 =	sand.u32 $0x1FFFFFF0, s10  }
0xa9: {  	[tilespmem:s0], [sflag:$0x2] =	stream.linear.gather [hbm4b:s1+s2], $0x80, $0x38;
	[tilespmem:$0x10200] =	vst v63  }
0xaa: {  	s10 =	sadd.s32 s3, s10;
	s0 =	sand.u32 $0xF0, s16;
	s1 =	sadd.s32 $0x8980, s17  }
0xab: {  	[tilespmem:s1], [sflag:$0x2] =	stream.linear.gather [hbm4b:s10+s2], $0x80, $0x38;
	[tilespmem:$0x10200] =	vst v63  }
0xac: {  	v0 =	vld [tilespmem:s0+$0x100];
	_ =	sdelay $0x4  }
0xad: {  	v1 =	vshrl.u32 v0, $0x2;
	v0 =	vshrl.u32 v0, $0x1  }
0xae: {  	v1 =	vand.u32 $0xFFFFE000, v1;
	v0 =	vand.u32 $0x1FFF, v0  }
0xaf: {  	v0 =	vor.u32 v0, v1  }
0xb0: {  	v0 =	vshll.u32 v0, $0x4  }
0xb1: {  	(v2sf) =	vpush v0, $0x0  }
0xb2: {  	(v2sf) =	vpush v0, $0x2  }
0xb3: {  	(v2sf) =	vpush v0, $0x1;
	_ =	sdelay $0x1  }
.Ltmp1:
0xb4: {  	(v2sf) =	vpush v0, $0x3;
	(pc) =	sbr.rel @p0 .LBB2_4-.Ltmp1, $2  }
0xb5: {  	(v2sf) =	vpush v0, $0x4;
	_ =	sdelay $0x2  }
0xb6: {  	s16 =	sadd.s32 $0x10, s16  }
0xb7: {  	_ =	sdelay $0x5  }
0xb8: {  	s0 =	spop (v2sf)  }
0xb9: {  	s10 =	spop (v2sf);
	(v2sf) =	vpush v0, $0x5;
	_ =	sdelay $0x1  }
0xba: {  	s17 =	spop (v2sf);
	(v2sf) =	vpush v0, $0x6;
	_ =	sdelay $0x2  }
0xbb: {  	s21 =	spop (v2sf);
	(v2sf) =	vpush v0, $0x7  }
0xbc: {  	s14 =	sshra.s32 s14, $0x2;
	s0 =	sand.u32 $0x1FFFFFF0, s0  }
0xbd: {  	s1 =	sadd.s32 $0x8200, s14;
	s0 =	sadd.s32 s3, s0  }
0xbe: {  	[tilespmem:s1], [sflag:$0x2] =	stream.linear.gather [hbm4b:s0+s2], $0x80, $0x38;
	[tilespmem:$0x10200] =	vst v63  }
0xbf: {  	s0 =	sand.u32 $0x1FFFFFF0, s17;
	s23 =	spop (v2sf);
	(v2sf) =	vpush v0, $0x8  }
0xc0: {  	s18 =	sadd.s32 $0x8280, s14;
	s19 =	sand.u32 $0x1FFFFFF0, s10;
	s0 =	sadd.s32 s3, s0  }
0xc1: {  	[tilespmem:s18], [sflag:$0x2] =	stream.linear.gather [hbm4b:s0+s2], $0x80, $0x38;
	[tilespmem:$0x10200] =	vst v63  }
0xc2: {  	s20 =	sadd.s32 $0x8300, s14;
	s0 =	sadd.s32 s3, s19  }
0xc3: {  	[tilespmem:s20], [sflag:$0x2] =	stream.linear.gather [hbm4b:s0+s2], $0x80, $0x38;
	[tilespmem:$0x10200] =	vst v63  }
0xc4: {  	s0 =	sand.u32 $0x1FFFFFF0, s21  }
0xc5: {  	s22 =	sadd.s32 $0x8380, s14;
	s0 =	sadd.s32 s3, s0;
	s25 =	spop (v2sf);
	(v2sf) =	vpush v0, $0x9  }
0xc6: {  	[tilespmem:s22], [sflag:$0x2] =	stream.linear.gather [hbm4b:s0+s2], $0x80, $0x38;
	[tilespmem:$0x10200] =	vst v63  }
0xc7: {  	s0 =	sand.u32 $0x1FFFFFF0, s23;
	s28 =	spop (v2sf);
	(v2sf) =	vpush v0, $0xA  }
0xc8: {  	s24 =	sadd.s32 $0x8400, s14;
	s0 =	sadd.s32 s3, s0  }
0xc9: {  	[tilespmem:s24], [sflag:$0x2] =	stream.linear.gather [hbm4b:s0+s2], $0x80, $0x38;
	[tilespmem:$0x10200] =	vst v63  }
0xca: {  	s0 =	sand.u32 $0x1FFFFFF0, s25;
	s30 =	spop (v2sf);
	(v2sf) =	vpush v0, $0xB  }
0xcb: {  	s26 =	sadd.s32 $0x8480, s14;
	s0 =	sadd.s32 s3, s0  }
0xcc: {  	[tilespmem:s26], [sflag:$0x2] =	stream.linear.gather [hbm4b:s0+s2], $0x80, $0x38;
	[tilespmem:$0x10200] =	vst v63  }
0xcd: {  	s0 =	sand.u32 $0x1FFFFFF0, s28  }
0xce: {  	s29 =	sadd.s32 $0x8500, s14;
	s0 =	sadd.s32 s3, s0;
	s10 =	spop (v2sf)  }
0xcf: {  	(v2sf) =	vpush v0, $0xC;
	[tilespmem:s29], [sflag:$0x2] =	stream.linear.gather [hbm4b:s0+s2], $0x80, $0x38;
	[tilespmem:$0x10200] =	vst v63  }
0xd0: {  	s0 =	sand.u32 $0x1FFFFFF0, s30  }
0xd1: {  	s31 =	sadd.s32 $0x8580, s14;
	s0 =	sadd.s32 s3, s0  }
0xd2: {  	[tilespmem:s31], [sflag:$0x2] =	stream.linear.gather [hbm4b:s0+s2], $0x80, $0x38;
	[tilespmem:$0x10200] =	vst v63  }
0xd3: {  	s0 =	sand.u32 $0x1FFFFFF0, s10  }
0xd4: {  	s12 =	sadd.s32 $0x8600, s14;
	s0 =	sadd.s32 s3, s0;
	s15 =	spop (v2sf);
	(v2sf) =	vpush v0, $0xD  }
0xd5: {  	[tilespmem:s12], [sflag:$0x2] =	stream.linear.gather [hbm4b:s0+s2], $0x80, $0x38;
	[tilespmem:$0x10200] =	vst v63  }
0xd6: {  	s0 =	sand.u32 $0x1FFFFFF0, s15;
	s17 =	spop (v2sf);
	(v2sf) =	vpush v0, $0xE  }
0xd7: {  	s16 =	sadd.s32 $0x8680, s14;
	s0 =	sadd.s32 s3, s0  }
0xd8: {  	[tilespmem:s16], [sflag:$0x2] =	stream.linear.gather [hbm4b:s0+s2], $0x80, $0x38;
	[tilespmem:$0x10200] =	vst v63  }
0xd9: {  	s19 =	spop (v2sf);
	(v2sf) =	vpush v0, $0xF  }
0xda: {  	s0 =	sand.u32 $0x1FFFFFF0, s17  }
0xdb: {  	s18 =	sadd.s32 $0x8700, s14;
	s0 =	sadd.s32 s3, s0  }
0xdc: {  	[tilespmem:s18], [sflag:$0x2] =	stream.linear.gather [hbm4b:s0+s2], $0x80, $0x38;
	[tilespmem:$0x10200] =	vst v63  }
0xdd: {  	s0 =	sand.u32 $0x1FFFFFF0, s19  }
0xde: {  	s20 =	sadd.s32 $0x8780, s14;
	s21 =	spop (v2sf);
	s0 =	sadd.s32 s3, s0  }
0xdf: {  	[tilespmem:s20], [sflag:$0x2] =	stream.linear.gather [hbm4b:s0+s2], $0x80, $0x38;
	[tilespmem:$0x10200] =	vst v63  }
0xe0: {  	s0 =	sand.u32 $0x1FFFFFF0, s21  }
0xe1: {  	s22 =	sadd.s32 $0x8800, s14;
	s0 =	sadd.s32 s3, s0  }
0xe2: {  	[tilespmem:s22], [sflag:$0x2] =	stream.linear.gather [hbm4b:s0+s2], $0x80, $0x38;
	[tilespmem:$0x10200] =	vst v63  }
0xe3: {  	s23 =	spop (v2sf)  }
0xe4: {  	s0 =	sand.u32 $0x1FFFFFF0, s23  }
0xe5: {  	s24 =	sadd.s32 $0x8880, s14;
	s25 =	spop (v2sf);
	s0 =	sadd.s32 s3, s0  }
0xe6: {  	[tilespmem:s24], [sflag:$0x2] =	stream.linear.gather [hbm4b:s0+s2], $0x80, $0x38;
	[tilespmem:$0x10200] =	vst v63  }
0xe7: {  	s0 =	sand.u32 $0x1FFFFFF0, s25  }
0xe8: {  	s26 =	sadd.s32 $0x8900, s14;
	s28 =	spop (v2sf);
	s0 =	sadd.s32 s3, s0  }
0xe9: {  	[tilespmem:s26], [sflag:$0x2] =	stream.linear.gather [hbm4b:s0+s2], $0x80, $0x38;
	[tilespmem:$0x10200] =	vst v63  }
0xea: {  	s0 =	sand.u32 $0x1FFFFFF0, s28  }
0xeb: {  	s29 =	sadd.s32 $0x8980, s14;
	s0 =	sadd.s32 s3, s0  }
0xec: {  	[tilespmem:s29], [sflag:$0x2] =	stream.linear.gather [hbm4b:s0+s2], $0x80, $0x38;
	[tilespmem:$0x10200] =	vst v63  }
0xed: {  	_ =	swait.ge [sflag:s9], $0x8000  }
0xee: {  	[sflag:s9] =	ssyncset.done $0x0  }
0xef: {  	s30 =	simm.s32 $0x200;
	[sflag:s9] =	ssyncadd.s32 $0xFFFF8000  }
0xf0: {  	[hbm4b:s5+s2] =	stream.linear.scatter [tilespmem:s30], [sflag:$0x3], $0x8000, $0x38;
	[tilespmem:$0x10200] =	vst v63  }
0xf1: {  	_ =	swait.ge [sflag:s8], $0x8000  }
0xf2: {  	[sflag:s8] =	ssyncset.done $0x0  }
0xf3: {  	[sflag:s8] =	ssyncadd.s32 $0xFFFF8000  }
0xf4: {  	s13 =	sadd.s32 $0x1, s13;
	_ =	swait.ge [sflag:s11], $0x8000  }
0xf5: {  	p0 =	sne.s32 s13, s7;
	[sflag:s11] =	ssyncset.done $0x0  }
.Ltmp2:
0xf6: {  	s31 =	simm.s32 $0x8200;
	[sflag:s11] =	ssyncadd.s32 $0xFFFF8000;
	(pc) =	sbr.rel @p0 .LBB2_1-.Ltmp2, $4  }
0xf7: {  	[hbm4b:s6+s2] =	stream.linear.scatter [tilespmem:s31], [sflag:$0x3], $0x8000, $0x38;
	[tilespmem:$0x10200] =	vst v63  }
0xf8: {  	_ =	swait.ge [sflag:s8], $0x8000  }
0xf9: {  	[sflag:s8] =	ssyncset.done $0x0  }
0xfa: {  	[sflag:s8] =	ssyncadd.s32 $0xFFFF8000  }
0xfb: {  	_ =	sfence.sel $0x180000  }
0xfc: {  	[bflag:$0x0] =	sbarrier.arrive $0xFFFF  }
0xfd: {  	_ =	strace $0x90000047  }
0xfe: {  	s0 =	stileid.u32;
	[bflag:$0x2] =	sbarrier.arrive $0xFFFF  }
0xff: {  	p0 =	sne.s32 s0, $0x0;
	s0 =	rddreg [dreg:$0x2]  }
0x100: {  	s0 =	sadd.s32 @!p0 $0x100000, s0  }
0x101: {  	[sflag:s0] =	ssyncadd.tile.s32 @!p0 $0x1;
	_ =	shalt  }
.Lfunc_end2:
_tile_overlayer_lowered:
.L_overlay_start_2:
0x102: {  	(tag) =	ssettag $0x2  }
0x103: {  	s0 =	rddreg [dreg:$0x0];
	s2 =	stileid.u32  }
0x104: {  	s1 =	rddreg [dreg:$0x1];
	p0 =	sne.s32 s2, $0x0  }
0x105: {  	s3 =	rddreg [dreg:$0x2];
	[bflag:$0x3] =	sbarrier.arrive $0xFFFF;
	s2 =	simm.s32 @!p0 $0x1C03  }
0x106: {  	[timem:s3], [sflag:s2] =	dma.local @!p0 [hbm:s0], s1  }
0x107: {  	s0 =	simm.s32 @!p0 $0x3  }
0x108: {  	_ =	swait.ge @!p0 [sflag:s0], s1  }
0x109: {  	s1 =	ssub.s32 @!p0 $0x0, s1;
	[sflag:s0] =	ssyncset.done @!p0 $0x0  }
0x10a: {  	[sflag:s0] =	ssyncadd.s32 @!p0 s1  }
0x10b: {  	[bflag:$0x3] =	sbarrier.arrive $0xFFFF  }
0x10c: {  	_ =	shalt  }

// kernel: kernel.7.cloned.1.call-start
scs
__scs_entry_jumppad:
0x0: {  	(pc) =	sbr.rel $0x88, $3  }
0x1: {  	(tag) =	ssettag $0x0;
	lr =	simm.s32 $0x1  }
0x2: {  	[smem:$0x3F95] =	sst lr;
	_ =	strace $0xD0000000  }
0x3: {  	_ = 	snop  }
0x4: {  	_ = 	snop  }
0x5: {  	_ = 	snop  }
0x6: {  	_ = 	snop  }
0x7: {  	_ = 	snop  }
__scs_overlays_trampoline_lowered:
0x8: {  	[smem:$0x3FA4] =	sst s0  }
0x9: {  	[smem:$0x3FA5] =	sst s1  }
0xa: {  	[smem:$0x3FA6] =	sst s2  }
0xb: {  	[smem:$0x3FA7] =	sst s3  }
0xc: {  	[smem:$0x3FA8] =	sst s4  }
0xd: {  	[smem:$0x3FA9] =	sst s5  }
0xe: {  	[smem:$0x3FAA] =	sst s6  }
0xf: {  	[smem:$0x3FAB] =	sst s7  }
0x10: {  	[smem:$0x3FAC] =	sst s8  }
0x11: {  	[smem:$0x3FAD] =	sst s9;
	s0 =	simm.s32 @!p0 $0x0  }
0x12: {  	s1 =	sld [smem:$0x3F93];
	s0 =	simm.s32 @p0 $0x1  }
0x13: {  	[smem:$0x3FAE] =	sst s0;
	s0 =	simm.s32 @!p1 $0x0  }
0x14: {  	s2 =	sld [smem:$0x3F92];
	s0 =	simm.s32 @p1 $0x1  }
0x15: {  	[smem:$0x3FAF] =	sst s0;
	s0 =	simm.s32 @!p2 $0x0  }
0x16: {  	s3 =	sld [smem:$0x3FDB];
	s0 =	simm.s32 @p2 $0x1  }
0x17: {  	s4 =	simm.s32 $0x1BF5;
	[smem:$0x3FB1] =	sst s0  }
0x18: {  	s0 =	sld [smem:$0x3F94];
	_ =	swait.ge [sflag:s4], $0x0  }
0x19: {  	s7 =	sld [smem:$0x3F95]  }
0x1a: {  	s8 =	sadd.s32 $0xFFFFE003, lr  }
0x1b: {  	s9 =	sadd.s32 $0xFFFFFEF7, lr;
	s5 =	simm.s32 $0xFFFFFFFF;
	p2 =	slt.u32 s8, $0xFFFFF086  }
0x1c: {  	p1 =	slt.u32 s9, $0xF7A;
	s5 =	simm.s32 @!p2 $0x0  }
0x1d: {  	s5 =	simm.s32 @p1 $0x1;
	p0 =	seq.s32 s7, s2  }
0x1e: {  	s7 =	smul.u32 @!p0 $0xF7A, s2;
	p2 =	seq.s32 @!p0 s5, $0x0  }
0x1f: {  	s9 =	smul.u32 $0xF7A, s1;
	s8 =	simm.s32 @!p0 $0x1BF5;
	p2 =	por !p2, p0  }
0x20: {  	[sflag:s8] =	ssyncset.s32 @!p0 $0xFFFFF086;
	s6 =	sadd.s32 @!p0 s3, s7;
	s7 =	simm.s32 @!p0 $0x108  }
0x21: {  	s3 =	sadd.s32 s3, s9;
	s6 =	sadd.s32 @!p0 $0x88, s6;
	s7 =	simm.s32 @p2 $0x1082  }
0x22: {  	[simem:s7], [sflag:s8] =	dma.local @!p0 [hbm:s6], $0xF7A  }
0x23: {  	s9 =	sor.u32 $0xD0000000, s2;
	s6 =	simm.s32 $0x108;
	_ =	swait.ge @!p0 [sflag:s8], $0x0  }
0x24: {  	s3 =	sadd.s32 $0x88, s3;
	s6 =	simm.s32 @!p1 $0x1082;
	[sflag:s4] =	ssyncset.s32 $0xFFFFF086  }
0x25: {  	[simem:s6], [sflag:s4] =	dma.local [hbm:s3], $0xF7A  }
0x26: {  	[smem:$0x3F95] =	sst s1;
	(tag) =	ssettag s2;
	_ =	strace s9  }
0x27: {  	s1 =	sld [smem:$0x3FA5]  }
0x28: {  	s2 =	sld [smem:$0x3FA6]  }
0x29: {  	s4 =	sld [smem:$0x3FA8]  }
0x2a: {  	p0 =	seq.s32 s5, $0x0;
	s5 =	sld [smem:$0x3FA9]  }
0x2b: {  	s6 =	sld [smem:$0x3FAA]  }
0x2c: {  	s7 =	sld [smem:$0x3FAB]  }
0x2d: {  	s3 =	simm.s32 $0x108;
	s8 =	sld [smem:$0x3FAC]  }
0x2e: {  	s3 =	simm.s32 @!p0 $0x1082;
	s9 =	sld [smem:$0x3FAD]  }
0x2f: {  	lr =	sadd.s32 s0, s3;
	s0 =	sld [smem:$0x3FA4]  }
0x30: {  	s3 =	sld [smem:$0x3FA7]  }
0x31: {  	[smem:$0x3FB0] =	sst s10  }
0x32: {  	s10 =	sld [smem:$0x3FAE];
	_ =	sdelay $0x3  }
0x33: {  	p0 =	seq.s32 s10, $0x1;
	s10 =	sld [smem:$0x3FB0];
	_ =	sdelay $0x3  }
0x34: {  	[smem:$0x3FB0] =	sst s10  }
0x35: {  	s10 =	sld [smem:$0x3FAF];
	_ =	sdelay $0x3  }
0x36: {  	p1 =	seq.s32 s10, $0x1;
	s10 =	sld [smem:$0x3FB0];
	_ =	sdelay $0x3  }
0x37: {  	[smem:$0x3FB0] =	sst s10  }
0x38: {  	s10 =	sld [smem:$0x3FB1]  }
0x39: {  	_ = 	snop;
	(pc) =	sbr.ind lr, $3  }
0x3a: {  	_ = 	snop  }
0x3b: {  	_ = 	snop  }
0x3c: {  	p2 =	seq.s32 s10, $0x1;
	s10 =	sld [smem:$0x3FB0]  }
0x3d: {  	_ =	shalt  }
0x3e: {  	_ =	shalt  }
0x3f: {  	_ =	shalt  }
0x40: {  	_ =	shalt  }
0x41: {  	_ =	shalt  }
0x42: {  	_ =	shalt  }
0x43: {  	_ =	shalt  }
0x44: {  	_ =	shalt  }
0x45: {  	_ =	shalt  }
0x46: {  	_ =	shalt  }
0x47: {  	_ =	shalt  }
0x48: {  	_ =	shalt  }
0x49: {  	_ =	shalt  }
0x4a: {  	_ =	shalt  }
0x4b: {  	_ =	shalt  }
0x4c: {  	_ =	shalt  }
0x4d: {  	_ =	shalt  }
0x4e: {  	_ =	shalt  }
0x4f: {  	_ =	shalt  }
0x50: {  	_ =	shalt  }
0x51: {  	_ =	shalt  }
0x52: {  	_ =	shalt  }
0x53: {  	_ =	shalt  }
0x54: {  	_ =	shalt  }
0x55: {  	_ =	shalt  }
0x56: {  	_ =	shalt  }
0x57: {  	_ =	shalt  }
0x58: {  	_ =	shalt  }
0x59: {  	_ =	shalt  }
0x5a: {  	_ =	shalt  }
0x5b: {  	_ =	shalt  }
0x5c: {  	_ =	shalt  }
0x5d: {  	_ =	shalt  }
0x5e: {  	_ =	shalt  }
0x5f: {  	_ =	shalt  }
0x60: {  	_ =	shalt  }
0x61: {  	_ =	shalt  }
0x62: {  	_ =	shalt  }
0x63: {  	_ =	shalt  }
0x64: {  	_ =	shalt  }
0x65: {  	_ =	shalt  }
0x66: {  	_ =	shalt  }
0x67: {  	_ =	shalt  }
0x68: {  	_ =	shalt  }
0x69: {  	_ =	shalt  }
0x6a: {  	_ =	shalt  }
0x6b: {  	_ =	shalt  }
0x6c: {  	_ =	shalt  }
0x6d: {  	_ =	shalt  }
0x6e: {  	_ =	shalt  }
0x6f: {  	_ =	shalt  }
0x70: {  	_ =	shalt  }
0x71: {  	_ =	shalt  }
0x72: {  	_ =	shalt  }
0x73: {  	_ =	shalt  }
0x74: {  	_ =	shalt  }
0x75: {  	_ =	shalt  }
0x76: {  	_ =	shalt  }
0x77: {  	_ =	shalt  }
0x78: {  	_ =	shalt  }
0x79: {  	_ =	shalt  }
0x7a: {  	_ =	shalt  }
0x7b: {  	_ =	shalt  }
0x7c: {  	_ =	shalt  }
0x7d: {  	_ =	shalt  }
0x7e: {  	_ =	shalt  }
0x7f: {  	_ =	shalt  }
0x80: {  	_ =	shalt  }
0x81: {  	_ =	shalt  }
0x82: {  	_ =	shalt  }
0x83: {  	_ =	shalt  }
0x84: {  	_ =	shalt  }
0x85: {  	_ =	shalt  }
0x86: {  	_ =	shalt  }
0x87: {  	_ =	shalt  }
.Lfunc_end0:
.L_simem_size_0:
called_computation_lowered:
.L_overlay_start_0:
0x88: {  	s2 =	sld [smem:$0x3FD9]  }
0x89: {  	s3 =	sld [smem:$0x3FFE];
	_ =	sdelay $0x1  }
0x8a: {  	s1 =	srdreg.scid  }
0x8b: {  	s0 =	sand.u32 $0x1, s1  }
0x8c: {  	s17 =	sshll.u32 s0, $0xA;
	s2 =	sadd.s32 s3, s2  }
0x8d: {  	s2 =	sadd.s32 s2, s17  }
0x8e: {  	[smem:$0x3FBC] =	sst s2  }
0x8f: {  	_ = 	snop  }
0x90: {  	s18 =	sld [smem:$0x3FC8];
	(tm) =	ssettm $0x1  }
0x91: {  	s19 =	sld [smem:$0x3FFB];
	_ =	sdelay $0x3  }
0x92: {  	_ =	strace s19  }
0x93: {  	s2 =	sld [smem:$0x3FFC];
	_ =	sdelay $0x3  }
0x94: {  	_ =	strace s2  }
0x95: {  	s2 =	sld [smem:$0x3FFD];
	_ =	sdelay $0x3  }
0x96: {  	_ =	strace s2  }
0x97: {  	_ =	strace $0x8FFFFFFF  }
0x98: {  	s20 =	sld [smem:$0x3FDB];
	_ =	sdelay $0x1  }
0x99: {  	s4 =	simm.s32 $_scs_section_size  }
0x9a: {  	s5 =	simm.s32 $_size__tile_overlayer_lowered;
	s6 =	simm.s32 $_tile_overlayer_lowered  }
0x9b: {  	s7 =	simm.s32 $0x1BFF;
	s21 =	sshll.u32 s6, $0x1;
	s4 =	sadd.s32 s4, s20  }
0x9c: {  	s22 =	simm.s32 $0x0;
	s5 =	sshll.u32 s5, $0x1;
	s6 =	sadd.s32 s21, s4  }
0x9d: {  	[timem:s22], [sflag:s7] =	dma.local [hbm:s6], s5  }
0x9e: {  	_ =	swait.ge [sflag:s7], s5  }
0x9f: {  	s5 =	ssub.s32 $0x0, s5;
	[sflag:s7] =	ssyncset.done $0x0  }
0xa0: {  	[sflag:s7] =	ssyncadd.s32 s5;
	_ =	sdelay $0x1  }
0xa1: {  	s23 =	simm.s32 $0x1B8B  }
0xa2: {  	_ =	swait.ge [sflag:s23], $0x1  }
0xa3: {  	[sflag:s23] =	ssyncset.done $0x0  }
0xa4: {  	[sflag:s23] =	ssyncadd.s32 $0xFFFFFFFF  }
0xa5: {  	s5 =	sld [smem:$0x0]  }
0xa6: {  	s6 =	sand.u32 $0xFFFFFFFE, s1  }
0xa7: {  	p0 =	sne.s32 s1, s6  }
0xa8: {  	s6 =	sshll.u32 @p0 s6, $0xE  }
0xa9: {  	s6 =	sadd.s32 @p0 $0x11B8D, s6;
	s7 =	sshll.u32 @p0 s5, $0x11  }
0xaa: {  	s6 =	sor.u32 @p0 s7, s6  }
0xab: {  	[sflag:s6] =	ssyncadd.remote.s32 @p0 $0x1;
	_ =	sdelay $0x1  }
0xac: {  	s6 =	simm.s32 @p0 $0x1B8D  }
0xad: {  	_ =	swait.eq @p0 [sflag:s6], $0x1  }
0xae: {  	[sflag:s6] =	ssyncadd.s32 @p0 $0xFFFFFFFF  }
0xaf: {  	s7 =	sshll.u32 @!p0 s1, $0xE  }
0xb0: {  	s7 =	sor.u32 @!p0 $0x4000, s7;
	s6 =	simm.s32 @!p0 $0x1B8D  }
0xb1: {  	s5 =	sshll.u32 @!p0 s5, $0x11;
	s7 =	sadd.s32 @!p0 $0x11B8D, s7;
	_ =	swait.eq @!p0 [sflag:s6], $0x1  }
0xb2: {  	s5 =	sor.u32 @!p0 s5, s7;
	[sflag:s6] =	ssyncadd.s32 @!p0 $0xFFFFFFFF  }
0xb3: {  	s25 =	simm.s32 $0x1B8E;
	s24 =	sld [smem:$0x3FFE];
	[sflag:s5] =	ssyncadd.remote.s32 @!p0 $0x1  }
0xb4: {  	s26 =	simm.s32 $execute0_lowered;
	[smem:$0x3FD2] =	sst s25  }
0xb5: {  	s6 =	sshll.u32 s26, $0x1;
	_ =	strace $0x80000049;
	[dreg:$0x1] =	wrdreg $0xFFFFFFFF  }
0xb6: {  	s28 =	simm.s32 $_size_execute0_lowered;
	s4 =	sadd.s32 s4, s6;
	[dreg:$0x0] =	wrdreg $0x0  }
0xb7: {  	s6 =	sshll.u32 s28, $0x1;
	[dreg:$0x2] =	wrdreg s4  }
0xb8: {  	[dreg:$0x3] =	wrdreg s6  }
0xb9: {  	[dreg:$0x4] =	wrdreg $0xC0  }
0xba: {  	_ =	task [dreg:s22], $0x5FFFF  }
0xbb: {  	[dreg:$0x1] =	wrdreg $0xFFFFFFFF  }
0xbc: {  	[dreg:$0x0] =	wrdreg $0x60  }
0xbd: {  	[dreg:$0x2] =	wrdreg s24  }
0xbe: {  	[dreg:$0x3] =	wrdreg s18  }
0xbf: {  	[dreg:$0x4] =	wrdreg $0x9  }
0xc0: {  	_ =	task.clear_ibuf [dreg:s22], $0x5FFFF;
	_ =	strace $0x90000049  }
0xc1: {  	s29 =	simm.s32 $0x9;
	_ =	strace $0x8000004B  }
0xc2: {  	_ =	swait.ge [sflag:s29], $0x1  }
0xc3: {  	[sflag:s29] =	ssyncadd.s32 $0xFFFFFFFF  }
0xc4: {  	_ =	strace $0x9000004B  }
0xc5: {  	_ =	sfence  }
0xc6: {  	s30 =	sld [smem:$0x0];
	_ =	sdelay $0x2  }
0xc7: {  	s31 =	sshll.u32 s1, $0xD;
	s1 =	sshrl.u32 s1, $0x2  }
0xc8: {  	s4 =	sand.u32 $0x4000, s31;
	s1 =	sadd.s32 s1, s30  }
0xc9: {  	s0 =	sor.u32 s4, s0;
	s1 =	sshll.u32 s1, $0x11  }
0xca: {  	s0 =	sor.u32 s1, s0  }
0xcb: {  	s0 =	sadd.s32 $0x8F2B, s0  }
0xcc: {  	[sflag:s0] =	ssyncadd.remote.s32 $0x1  }
0xcd: {  	_ =	sfence.sel $0xFFFF  }
0xce: {  	[dreg:$0x0] =	wrdreg $0xFFFFFFFF;
	(pc) =	sbr.abs _section_cstart, $3  }
0xcf: {  	[dreg:$0x1] =	wrdreg $0xFFFFFFFF  }
0xd0: {  	_ =	task.clear_ibuf [dreg:s22], $0x2FFFF;
	_ =	strace $0x9FFFFFFF  }
0xd1: {  	(tm) =	ssettm $0x7FFFFFFF  }
tec
execute0_lowered:
.L_overlay_start_1:
0x0: {  	(tag) =	ssettag $0x1  }
0x1: {  	s4 =	rddreg [dreg:$0x0]  }
0x2: {  	s5 =	rddreg [dreg:$0x1]  }
0x3: {  	s2 =	simm.s32 $0x0;
	s3 =	srdreg.scid;
	s0 =	stileid.u32  }
0x4: {  	s11 =	simm.s32 $0x2;
	s13 =	simm.s32 $0x0;
	s6 =	sand.u32 $0x1, s3  }
0x5: {  	[smem:$0x7FF] =	sst s2;
	s7 =	sshll.u32 s0, $0xA;
	s8 =	sshll.u32 s6, $0x9  }
0x6: {  	s3 =	sadd.s32 $0x422200, s4;
	s6 =	ssub.s32 $0x2, s6;
	s7 =	sor.u32 s8, s7  }
0x7: {  	_ =	strace $0x8000004A;
	s9 =	sshrl.u32 s6, $0x1;
	s8 =	sshll.u32 s7, $0x4  }
0x8: {  	s7 =	sshrl.u32 s7, $0x3;
	s9 =	ssub.s32 s6, s9;
	s8 =	sadd.s32 s8, s4  }
0x9: {  	s4 =	sadd.s32 s5, s7;
	s7 =	smax.u32 s9, $0x1;
	s9 =	simm.s32 $0x1  }
0xa: {  	s5 =	sadd.s32 $0x4A2200, s8;
	s6 =	sadd.s32 $0x4A3200, s8;
	s8 =	simm.s32 $0x3  }
.LBB2_1:
0xb: {  	[tilespmem:s2], [sflag:$0x3] =	stream.linear.gather [hbm4b:s4+s2], $0x200, $0x38;
	[tilespmem:$0x10200] =	vst v63  }
0xc: {  	_ =	swait.ge [sflag:s8], $0x200  }
0xd: {  	[sflag:s8] =	ssyncset.done $0x0  }
0xe: {  	[sflag:s8] =	ssyncadd.s32 $0xFFFFFE00  }
0xf: {  	v0 =	vld [tilespmem:s2+$0x0];
	_ =	sdelay $0x4  }
0x10: {  	v1 =	vshrl.u32 v0, $0x2;
	v0 =	vshrl.u32 v0, $0x1  }
0x11: {  	v1 =	vand.u32 $0xFFFFE000, v1;
	v0 =	vand.u32 $0x1FFF, v0  }
0x12: {  	v0 =	vor.u32 v0, v1  }
0x13: {  	v0 =	vshll.u32 v0, $0x4  }
0x14: {  	(v2sf) =	vpush v0, $0x0  }
0x15: {  	(v2sf) =	vpush v0, $0x1  }
0x16: {  	(v2sf) =	vpush v0, $0x2;
	_ =	sdelay $0x1  }
0x17: {  	(v2sf) =	vpush v0, $0x4;
	_ =	sdelay $0x1  }
0x18: {  	(v2sf) =	vpush v0, $0x3  }
0x19: {  	(v2sf) =	vpush v0, $0x5  }
0x1a: {  	s16 =	simm.s32 $0x2000;
	s15 =	simm.s32 $0x0;
	s17 =	simm.s32 $0x0;
	(v2sf) =	vpush v0, $0x6  }
.LBB2_2:
0x1b: {  	p0 =	sne.s32 s16, $0x1E000  }
0x1c: {  	s28 =	sadd.s32 $0x280, s15;
	s21 =	sadd.s32 $0x780, s15;
	s18 =	smov.u32 s16  }
0x1d: {  	s16 =	sadd.s32 $0x2000, s16;
	s24 =	sadd.s32 $0x580, s15;
	s19 =	sadd.s32 $0x800, s15;
	(v2sf) =	vpush v0, $0x7  }
0x1e: {  	s26 =	sadd.s32 $0x480, s15;
	s22 =	sadd.s32 $0x600, s15;
	s20 =	sadd.s32 $0x880, s15  }
0x1f: {  	s29 =	sadd.s32 $0x200, s15;
	s30 =	sadd.s32 $0x400, s15;
	(v2sf) =	vpush v0, $0x8  }
0x20: {  	s14 =	simm.s32 $0x0;
	s31 =	sadd.s32 $0x500, s15;
	s17 =	sadd.s32 $0x10, s17  }
0x21: {  	s0 =	sadd.s32 $0x300, s15;
	s23 =	sadd.s32 $0x700, s15;
	s25 =	spop (v2sf);
	(v2sf) =	vpush v0, $0x9  }
0x22: {  	s1 =	sand.u32 $0x1FFFFFF0, s25;
	s25 =	sadd.s32 $0x680, s15;
	s10 =	spop (v2sf)  }
0x23: {  	s1 =	sadd.s32 s3, s1;
	s10 =	sand.u32 $0x1FFFFFF0, s10;
	s12 =	spop (v2sf);
	(v2sf) =	vpush v0, $0xA  }
0x24: {  	[tilespmem:s29], [sflag:$0x1] =	stream.linear.gather [hbm4b:s1+s14], $0x80, $0x38;
	[tilespmem:$0x10200] =	vst v63  }
0x25: {  	s1 =	sadd.s32 s3, s10;
	s10 =	sadd.s32 $0x380, s15;
	s29 =	spop (v2sf);
	(v2sf) =	vpush v0, $0xB  }
0x26: {  	[tilespmem:s28], [sflag:$0x1] =	stream.linear.gather [hbm4b:s1+s14], $0x80, $0x38;
	[tilespmem:$0x10200] =	vst v63  }
0x27: {  	s1 =	sand.u32 $0x1FFFFFF0, s12;
	s12 =	sand.u32 $0x1FFFFFF0, s29;
	s28 =	spop (v2sf);
	(v2sf) =	vpush v0, $0xC  }
0x28: {  	s1 =	sadd.s32 s3, s1;
	s28 =	sand.u32 $0x1FFFFFF0, s28;
	s29 =	spop (v2sf)  }
0x29: {  	[tilespmem:s0], [sflag:$0x1] =	stream.linear.gather [hbm4b:s1+s14], $0x80, $0x38;
	(v2sf) =	vpush v0, $0xD;
	[tilespmem:$0x10200] =	vst v63  }
0x2a: {  	s0 =	sadd.s32 s3, s28;
	s1 =	sand.u32 $0x1FFFFFF0, s29;
	s28 =	spop (v2sf)  }
0x2b: {  	[tilespmem:s10], [sflag:$0x1] =	stream.linear.gather [hbm4b:s0+s14], $0x80, $0x38;
	(v2sf) =	vpush v0, $0xE;
	[tilespmem:$0x10200] =	vst v63  }
0x2c: {  	s0 =	sadd.s32 s3, s12;
	s10 =	sand.u32 $0x1FFFFFF0, s28;
	s12 =	spop (v2sf)  }
0x2d: {  	[tilespmem:s30], [sflag:$0x1] =	stream.linear.gather [hbm4b:s0+s14], $0x80, $0x38;
	(v2sf) =	vpush v0, $0xF;
	[tilespmem:$0x10200] =	vst v63  }
0x2e: {  	s0 =	sadd.s32 s3, s1;
	s1 =	sand.u32 $0x1FFFFFF0, s12;
	s12 =	spop (v2sf)  }
0x2f: {  	[tilespmem:s26], [sflag:$0x1] =	stream.linear.gather [hbm4b:s0+s14], $0x80, $0x38;
	[tilespmem:$0x10200] =	vst v63  }
0x30: {  	s0 =	sadd.s32 s3, s10;
	s10 =	sand.u32 $0x1FFFFFF0, s12;
	s12 =	spop (v2sf)  }
0x31: {  	[tilespmem:s31], [sflag:$0x1] =	stream.linear.gather [hbm4b:s0+s14], $0x80, $0x38;
	[tilespmem:$0x10200] =	vst v63  }
0x32: {  	s0 =	sadd.s32 s3, s1;
	s1 =	sand.u32 $0x1FFFFFF0, s12;
	s12 =	spop (v2sf)  }
0x33: {  	[tilespmem:s24], [sflag:$0x1] =	stream.linear.gather [hbm4b:s0+s14], $0x80, $0x38;
	[tilespmem:$0x10200] =	vst v63  }
0x34: {  	s0 =	sadd.s32 s3, s10;
	s10 =	sand.u32 $0x1FFFFFF0, s12;
	s12 =	spop (v2sf)  }
0x35: {  	[tilespmem:s22], [sflag:$0x1] =	stream.linear.gather [hbm4b:s0+s14], $0x80, $0x38;
	[tilespmem:$0x10200] =	vst v63  }
0x36: {  	s0 =	sadd.s32 s3, s1;
	s1 =	sand.u32 $0x1FFFFFF0, s12;
	s12 =	spop (v2sf)  }
0x37: {  	[tilespmem:s25], [sflag:$0x1] =	stream.linear.gather [hbm4b:s0+s14], $0x80, $0x38;
	[tilespmem:$0x10200] =	vst v63  }
0x38: {  	s0 =	sadd.s32 s3, s10;
	s10 =	sand.u32 $0x1FFFFFF0, s12;
	s12 =	spop (v2sf)  }
0x39: {  	[tilespmem:s23], [sflag:$0x1] =	stream.linear.gather [hbm4b:s0+s14], $0x80, $0x38;
	[tilespmem:$0x10200] =	vst v63  }
0x3a: {  	s0 =	sadd.s32 s3, s1;
	s1 =	sand.u32 $0x1FFFFFF0, s12;
	s12 =	spop (v2sf)  }
0x3b: {  	[tilespmem:s21], [sflag:$0x1] =	stream.linear.gather [hbm4b:s0+s14], $0x80, $0x38;
	[tilespmem:$0x10200] =	vst v63  }
0x3c: {  	s0 =	sadd.s32 s3, s10;
	s10 =	sand.u32 $0x1FFFFFF0, s12;
	s12 =	spop (v2sf)  }
0x3d: {  	[tilespmem:s19], [sflag:$0x1] =	stream.linear.gather [hbm4b:s0+s14], $0x80, $0x38;
	[tilespmem:$0x10200] =	vst v63  }
0x3e: {  	s0 =	sadd.s32 s3, s1;
	s1 =	sand.u32 $0x1FFFFFF0, s12  }
0x3f: {  	[tilespmem:s20], [sflag:$0x1] =	stream.linear.gather [hbm4b:s0+s14], $0x80, $0x38;
	[tilespmem:$0x10200] =	vst v63  }
0x40: {  	s10 =	sadd.s32 s3, s10;
	s0 =	sadd.s32 $0x900, s15  }
0x41: {  	[tilespmem:s0], [sflag:$0x1] =	stream.linear.gather [hbm4b:s10+s14], $0x80, $0x38;
	[tilespmem:$0x10200] =	vst v63  }
0x42: {  	s1 =	sadd.s32 s3, s1;
	s0 =	sadd.s32 $0x980, s15  }
0x43: {  	[tilespmem:s0], [sflag:$0x1] =	stream.linear.gather [hbm4b:s1+s14], $0x80, $0x38;
	[tilespmem:$0x10200] =	vst v63  }
0x44: {  	v0 =	vld [tilespmem:s17+$0x0];
	_ =	sdelay $0x4  }
0x45: {  	v1 =	vshrl.u32 v0, $0x2;
	v0 =	vshrl.u32 v0, $0x1  }
0x46: {  	v1 =	vand.u32 $0xFFFFE000, v1;
	v0 =	vand.u32 $0x1FFF, v0  }
0x47: {  	v0 =	vor.u32 v0, v1  }
0x48: {  	v0 =	vshll.u32 v0, $0x4  }
0x49: {  	(v2sf) =	vpush v0, $0x0  }
0x4a: {  	(v2sf) =	vpush v0, $0x1  }
0x4b: {  	(v2sf) =	vpush v0, $0x2;
	_ =	sdelay $0x1  }
0x4c: {  	(v2sf) =	vpush v0, $0x4  }
.Ltmp0:
0x4d: {  	(pc) =	sbr.rel @p0 .LBB2_2-.Ltmp0, $3  }
0x4e: {  	(v2sf) =	vpush v0, $0x3  }
0x4f: {  	(v2sf) =	vpush v0, $0x5;
	_ =	sdelay $0x1  }
0x50: {  	s15 =	sshra.s32 s18, $0x2;
	(v2sf) =	vpush v0, $0x6  }
0x51: {  	_ =	sdelay $0x1  }
0x52: {  	s0 =	sadd.s32 $0x280, s15;
	s18 =	sadd.s32 $0x780, s15  }
0x53: {  	s1 =	sadd.s32 $0x580, s15;
	s16 =	sadd.s32 $0x800, s15;
	(v2sf) =	vpush v0, $0x7;
	s10 =	sadd.s32 $0x480, s15  }
0x54: {  	s12 =	sadd.s32 $0x600, s15;
	s17 =	sadd.s32 $0x880, s15;
	s19 =	sadd.s32 $0x200, s15  }
0x55: {  	s20 =	sadd.s32 $0x400, s15;
	s21 =	sadd.s32 $0x500, s15;
	(v2sf) =	vpush v0, $0x8;
	s22 =	spop (v2sf)  }
0x56: {  	s23 =	sadd.s32 $0x300, s15;
	s22 =	sand.u32 $0x1FFFFFF0, s22;
	s24 =	spop (v2sf)  }
0x57: {  	(v2sf) =	vpush v0, $0x9;
	s22 =	sadd.s32 s3, s22;
	s24 =	sand.u32 $0x1FFFFFF0, s24;
	s25 =	spop (v2sf)  }
0x58: {  	[tilespmem:s19], [sflag:$0x1] =	stream.linear.gather [hbm4b:s22+s14], $0x80, $0x38;
	[tilespmem:$0x10200] =	vst v63  }
0x59: {  	s26 =	sadd.s32 $0x380, s15;
	(v2sf) =	vpush v0, $0xA;
	s30 =	sadd.s32 s3, s24;
	s31 =	spop (v2sf)  }
0x5a: {  	[tilespmem:s0], [sflag:$0x1] =	stream.linear.gather [hbm4b:s30+s14], $0x80, $0x38;
	[tilespmem:$0x10200] =	vst v63  }
0x5b: {  	s19 =	sadd.s32 $0x700, s15;
	s28 =	sand.u32 $0x1FFFFFF0, s25;
	(v2sf) =	vpush v0, $0xB;
	s29 =	spop (v2sf)  }
0x5c: {  	s22 =	sadd.s32 s3, s28;
	s0 =	sadd.s32 $0x680, s15;
	s25 =	sand.u32 $0x1FFFFFF0, s29  }
0x5d: {  	(v2sf) =	vpush v0, $0xC;
	[tilespmem:s23], [sflag:$0x1] =	stream.linear.gather [hbm4b:s22+s14], $0x80, $0x38;
	[tilespmem:$0x10200] =	vst v63  }
0x5e: {  	s30 =	sand.u32 $0x1FFFFFF0, s31;
	s31 =	spop (v2sf);
	s28 =	sadd.s32 s3, s25  }
0x5f: {  	(v2sf) =	vpush v0, $0xD;
	[tilespmem:s26], [sflag:$0x1] =	stream.linear.gather [hbm4b:s28+s14], $0x80, $0x38;
	[tilespmem:$0x10200] =	vst v63  }
0x60: {  	s22 =	sadd.s32 s3, s30;
	s23 =	sand.u32 $0x1FFFFFF0, s31;
	s29 =	spop (v2sf)  }
0x61: {  	(v2sf) =	vpush v0, $0xE;
	[tilespmem:s20], [sflag:$0x1] =	stream.linear.gather [hbm4b:s22+s14], $0x80, $0x38;
	[tilespmem:$0x10200] =	vst v63  }
0x62: {  	s23 =	sadd.s32 s3, s23;
	s30 =	sand.u32 $0x1FFFFFF0, s29;
	s31 =	spop (v2sf)  }
0x63: {  	(v2sf) =	vpush v0, $0xF;
	[tilespmem:s10], [sflag:$0x1] =	stream.linear.gather [hbm4b:s23+s14], $0x80, $0x38;
	[tilespmem:$0x10200] =	vst v63  }
0x64: {  	s24 =	sand.u32 $0x1FFFFFF0, s31;
	s25 =	spop (v2sf);
	s20 =	sadd.s32 s3, s30  }
0x65: {  	[tilespmem:s21], [sflag:$0x1] =	stream.linear.gather [hbm4b:s20+s14], $0x80, $0x38;
	[tilespmem:$0x10200] =	vst v63  }
0x66: {  	s26 =	sand.u32 $0x1FFFFFF0, s25;
	s10 =	sadd.s32 s3, s24;
	s28 =	spop (v2sf)  }
0x67: {  	[tilespmem:s1], [sflag:$0x1] =	stream.linear.gather [hbm4b:s10+s14], $0x80, $0x38;
	[tilespmem:$0x10200] =	vst v63  }
0x68: {  	s20 =	sadd.s32 s3, s26;
	s29 =	sand.u32 $0x1FFFFFF0, s28;
	s30 =	spop (v2sf)  }
0x69: {  	[tilespmem:s12], [sflag:$0x1] =	stream.linear.gather [hbm4b:s20+s14], $0x80, $0x38;
	[tilespmem:$0x10200] =	vst v63  }
0x6a: {  	s10 =	sand.u32 $0x1FFFFFF0, s30;
	s1 =	sadd.s32 s3, s29;
	s31 =	spop (v2sf)  }
0x6b: {  	[tilespmem:s0], [sflag:$0x1] =	stream.linear.gather [hbm4b:s1+s14], $0x80, $0x38;
	[tilespmem:$0x10200] =	vst v63  }
0x6c: {  	s10 =	sadd.s32 s3, s10;
	s20 =	sand.u32 $0x1FFFFFF0, s31;
	s21 =	spop (v2sf)  }
0x6d: {  	[tilespmem:s19], [sflag:$0x1] =	stream.linear.gather [hbm4b:s10+s14], $0x80, $0x38;
	[tilespmem:$0x10200] =	vst v63  }
0x6e: {  	s0 =	sadd.s32 s3, s20;
	s1 =	sand.u32 $0x1FFFFFF0, s21;
	s22 =	spop (v2sf)  }
0x6f: {  	[tilespmem:s18], [sflag:$0x1] =	stream.linear.gather [hbm4b:s0+s14], $0x80, $0x38;
	[tilespmem:$0x10200] =	vst v63  }
0x70: {  	s23 =	sand.u32 $0x1FFFFFF0, s22;
	s1 =	sadd.s32 s3, s1;
	s24 =	spop (v2sf)  }
0x71: {  	[tilespmem:s16], [sflag:$0x1] =	stream.linear.gather [hbm4b:s1+s14], $0x80, $0x38;
	[tilespmem:$0x10200] =	vst v63  }
0x72: {  	s25 =	sand.u32 $0x1FFFFFF0, s24;
	s26 =	spop (v2sf);
	s0 =	sadd.s32 s3, s23  }
0x73: {  	[tilespmem:s17], [sflag:$0x1] =	stream.linear.gather [hbm4b:s0+s14], $0x80, $0x38;
	[tilespmem:$0x10200] =	vst v63  }
0x74: {  	s29 =	sadd.s32 $0x900, s15;
	s28 =	sand.u32 $0x1FFFFFF0, s26;
	s1 =	sadd.s32 s3, s25  }
0x75: {  	[tilespmem:s29], [sflag:$0x1] =	stream.linear.gather [hbm4b:s1+s14], $0x80, $0x38;
	[tilespmem:$0x10200] =	vst v63  }
0x76: {  	s30 =	sadd.s32 $0x980, s15;
	s31 =	sand.u32 $0xF0, s14;
	s0 =	sadd.s32 s3, s28  }
0x77: {  	[tilespmem:s30], [sflag:$0x1] =	stream.linear.gather [hbm4b:s0+s14], $0x80, $0x38;
	[tilespmem:$0x10200] =	vst v63  }
0x78: {  	v0 =	vld [tilespmem:s31+$0x100];
	_ =	sdelay $0x4  }
0x79: {  	v1 =	vshrl.u32 v0, $0x2;
	v0 =	vshrl.u32 v0, $0x1  }
0x7a: {  	v1 =	vand.u32 $0xFFFFE000, v1;
	v0 =	vand.u32 $0x1FFF, v0  }
0x7b: {  	v0 =	vor.u32 v0, v1  }
0x7c: {  	v0 =	vshll.u32 v0, $0x4  }
0x7d: {  	(v2sf) =	vpush v0, $0x0  }
0x7e: {  	(v2sf) =	vpush v0, $0x2  }
0x7f: {  	(v2sf) =	vpush v0, $0x1;
	_ =	sdelay $0x1  }
0x80: {  	(v2sf) =	vpush v0, $0x3  }
0x81: {  	(v2sf) =	vpush v0, $0x4;
	_ =	sdelay $0x2  }
0x82: {  	s15 =	simm.s32 $0x2000;
	s16 =	simm.s32 $0x10  }
.LBB2_4:
0x83: {  	p0 =	sne.s32 s15, $0x1E000;
	(v2sf) =	vpush v0, $0x5;
	s0 =	smov.u32 s15;
	s15 =	sadd.s32 $0x2000, s15  }
0x84: {  	s17 =	sshra.s32 s14, $0x2;
	s14 =	smov.u32 s0  }
0x85: {  	s0 =	sadd.s32 $0x8280, s17;
	(v2sf) =	vpush v0, $0x6  }
0x86: {  	s1 =	sadd.s32 $0x8200, s17  }
0x87: {  	s20 =	sadd.s32 $0x8780, s17;
	s19 =	sadd.s32 $0x8800, s17;
	s18 =	sadd.s32 $0x8880, s17;
	(v2sf) =	vpush v0, $0x7  }
0x88: {  	s23 =	sadd.s32 $0x8600, s17;
	s22 =	sadd.s32 $0x8680, s17;
	s21 =	sadd.s32 $0x8700, s17  }
0x89: {  	s10 =	sadd.s32 $0x8500, s17;
	s24 =	sadd.s32 $0x8580, s17;
	s12 =	spop (v2sf);
	(v2sf) =	vpush v0, $0x8  }
0x8a: {  	s25 =	sadd.s32 $0x8300, s17;
	s12 =	sand.u32 $0x1FFFFFF0, s12;
	s26 =	spop (v2sf)  }
0x8b: {  	s28 =	sadd.s32 $0x8480, s17;
	s12 =	sadd.s32 s3, s12;
	s29 =	spop (v2sf);
	(v2sf) =	vpush v0, $0x9  }
0x8c: {  	[tilespmem:s1], [sflag:$0x2] =	stream.linear.gather [hbm4b:s12+s2], $0x80, $0x38;
	[tilespmem:$0x10200] =	vst v63  }
0x8d: {  	s1 =	sand.u32 $0x1FFFFFF0, s29;
	s12 =	sand.u32 $0x1FFFFFF0, s26;
	s26 =	spop (v2sf);
	(v2sf) =	vpush v0, $0xA  }
0x8e: {  	s29 =	sadd.s32 $0x8400, s17;
	s1 =	sadd.s32 s3, s1;
	s30 =	spop (v2sf)  }
0x8f: {  	[tilespmem:s0], [sflag:$0x2] =	stream.linear.gather [hbm4b:s1+s2], $0x80, $0x38;
	(v2sf) =	vpush v0, $0xB;
	[tilespmem:$0x10200] =	vst v63  }
0x90: {  	s0 =	sadd.s32 s3, s12;
	s1 =	sand.u32 $0x1FFFFFF0, s26;
	s12 =	sand.u32 $0x1FFFFFF0, s30  }
0x91: {  	[tilespmem:s25], [sflag:$0x2] =	stream.linear.gather [hbm4b:s0+s2], $0x80, $0x38;
	(v2sf) =	vpush v0, $0xC;
	[tilespmem:$0x10200] =	vst v63  }
0x92: {  	s1 =	sadd.s32 s3, s1;
	s0 =	sadd.s32 $0x8380, s17;
	s25 =	spop (v2sf)  }
0x93: {  	[tilespmem:s0], [sflag:$0x2] =	stream.linear.gather [hbm4b:s1+s2], $0x80, $0x38;
	(v2sf) =	vpush v0, $0xD;
	[tilespmem:$0x10200] =	vst v63  }
0x94: {  	s0 =	sadd.s32 s3, s12;
	s1 =	sand.u32 $0x1FFFFFF0, s25;
	s12 =	spop (v2sf)  }
0x95: {  	[tilespmem:s29], [sflag:$0x2] =	stream.linear.gather [hbm4b:s0+s2], $0x80, $0x38;
	(v2sf) =	vpush v0, $0xE;
	[tilespmem:$0x10200] =	vst v63  }
0x96: {  	s0 =	sadd.s32 s3, s1;
	s1 =	sand.u32 $0x1FFFFFF0, s12;
	s12 =	spop (v2sf)  }
0x97: {  	[tilespmem:s28], [sflag:$0x2] =	stream.linear.gather [hbm4b:s0+s2], $0x80, $0x38;
	(v2sf) =	vpush v0, $0xF;
	[tilespmem:$0x10200] =	vst v63  }
0x98: {  	s0 =	sadd.s32 s3, s1;
	s1 =	sand.u32 $0x1FFFFFF0, s12;
	s12 =	spop (v2sf)  }
0x99: {  	[tilespmem:s10], [sflag:$0x2] =	stream.linear.gather [hbm4b:s0+s2], $0x80, $0x38;
	[tilespmem:$0x10200] =	vst v63  }
0x9a: {  	s0 =	sadd.s32 s3, s1;
	s1 =	sand.u32 $0x1FFFFFF0, s12;
	s10 =	spop (v2sf)  }
0x9b: {  	[tilespmem:s24], [sflag:$0x2] =	stream.linear.gather [hbm4b:s0+s2], $0x80, $0x38;
	[tilespmem:$0x10200] =	vst v63  }
0x9c: {  	s0 =	sadd.s32 s3, s1;
	s1 =	sand.u32 $0x1FFFFFF0, s10;
	s10 =	spop (v2sf)  }
0x9d: {  	[tilespmem:s23], [sflag:$0x2] =	stream.linear.gather [hbm4b:s0+s2], $0x80, $0x38;
	[tilespmem:$0x10200] =	vst v63  }
0x9e: {  	s0 =	sadd.s32 s3, s1;
	s1 =	sand.u32 $0x1FFFFFF0, s10;
	s10 =	spop (v2sf)  }
0x9f: {  	[tilespmem:s22], [sflag:$0x2] =	stream.linear.gather [hbm4b:s0+s2], $0x80, $0x38;
	[tilespmem:$0x10200] =	vst v63  }
0xa0: {  	s0 =	sadd.s32 s3, s1;
	s1 =	sand.u32 $0x1FFFFFF0, s10;
	s10 =	spop (v2sf)  }
0xa1: {  	[tilespmem:s21], [sflag:$0x2] =	stream.linear.gather [hbm4b:s0+s2], $0x80, $0x38;
	[tilespmem:$0x10200] =	vst v63  }
0xa2: {  	s0 =	sadd.s32 s3, s1;
	s1 =	sand.u32 $0x1FFFFFF0, s10;
	s10 =	spop (v2sf)  }
0xa3: {  	[tilespmem:s20], [sflag:$0x2] =	stream.linear.gather [hbm4b:s0+s2], $0x80, $0x38;
	[tilespmem:$0x10200] =	vst v63  }
0xa4: {  	s0 =	sadd.s32 s3, s1;
	s1 =	sand.u32 $0x1FFFFFF0, s10;
	s10 =	spop (v2sf)  }
0xa5: {  	[tilespmem:s19], [sflag:$0x2] =	stream.linear.gather [hbm4b:s0+s2], $0x80, $0x38;
	[tilespmem:$0x10200] =	vst v63  }
0xa6: {  	s0 =	sadd.s32 s3, s1;
	s1 =	sand.u32 $0x1FFFFFF0, s10;
	s10 =	spop (v2sf)  }
0xa7: {  	[tilespmem:s18], [sflag:$0x2] =	stream.linear.gather [hbm4b:s0+s2], $0x80, $0x38;
	[tilespmem:$0x10200] =	vst v63  }
0xa8: {  	s1 =	sadd.s32 s3, s1;
	s0 =	sadd.s32 $0x8900, s17;
	s10 =	sand.u32 $0x1FFFFFF0, s10  }
0xa9: {  	[tilespmem:s0], [sflag:$0x2] =	stream.linear.gather [hbm4b:s1+s2], $0x80, $0x38;
	[tilespmem:$0x10200] =	vst v63  }
0xaa: {  	s10 =	sadd.s32 s3, s10;
	s0 =	sand.u32 $0xF0, s16;
	s1 =	sadd.s32 $0x8980, s17  }
0xab: {  	[tilespmem:s1], [sflag:$0x2] =	stream.linear.gather [hbm4b:s10+s2], $0x80, $0x38;
	[tilespmem:$0x10200] =	vst v63  }
0xac: {  	v0 =	vld [tilespmem:s0+$0x100];
	_ =	sdelay $0x4  }
0xad: {  	v1 =	vshrl.u32 v0, $0x2;
	v0 =	vshrl.u32 v0, $0x1  }
0xae: {  	v1 =	vand.u32 $0xFFFFE000, v1;
	v0 =	vand.u32 $0x1FFF, v0  }
0xaf: {  	v0 =	vor.u32 v0, v1  }
0xb0: {  	v0 =	vshll.u32 v0, $0x4  }
0xb1: {  	(v2sf) =	vpush v0, $0x0  }
0xb2: {  	(v2sf) =	vpush v0, $0x2  }
0xb3: {  	(v2sf) =	vpush v0, $0x1;
	_ =	sdelay $0x1  }
.Ltmp1:
0xb4: {  	(v2sf) =	vpush v0, $0x3;
	(pc) =	sbr.rel @p0 .LBB2_4-.Ltmp1, $2  }
0xb5: {  	(v2sf) =	vpush v0, $0x4;
	_ =	sdelay $0x2  }
0xb6: {  	s16 =	sadd.s32 $0x10, s16  }
0xb7: {  	_ =	sdelay $0x5  }
0xb8: {  	s0 =	spop (v2sf)  }
0xb9: {  	s10 =	spop (v2sf);
	(v2sf) =	vpush v0, $0x5;
	_ =	sdelay $0x1  }
0xba: {  	s17 =	spop (v2sf);
	(v2sf) =	vpush v0, $0x6;
	_ =	sdelay $0x2  }
0xbb: {  	s21 =	spop (v2sf);
	(v2sf) =	vpush v0, $0x7  }
0xbc: {  	s14 =	sshra.s32 s14, $0x2;
	s0 =	sand.u32 $0x1FFFFFF0, s0  }
0xbd: {  	s1 =	sadd.s32 $0x8200, s14;
	s0 =	sadd.s32 s3, s0  }
0xbe: {  	[tilespmem:s1], [sflag:$0x2] =	stream.linear.gather [hbm4b:s0+s2], $0x80, $0x38;
	[tilespmem:$0x10200] =	vst v63  }
0xbf: {  	s0 =	sand.u32 $0x1FFFFFF0, s17;
	s23 =	spop (v2sf);
	(v2sf) =	vpush v0, $0x8  }
0xc0: {  	s18 =	sadd.s32 $0x8280, s14;
	s19 =	sand.u32 $0x1FFFFFF0, s10;
	s0 =	sadd.s32 s3, s0  }
0xc1: {  	[tilespmem:s18], [sflag:$0x2] =	stream.linear.gather [hbm4b:s0+s2], $0x80, $0x38;
	[tilespmem:$0x10200] =	vst v63  }
0xc2: {  	s20 =	sadd.s32 $0x8300, s14;
	s0 =	sadd.s32 s3, s19  }
0xc3: {  	[tilespmem:s20], [sflag:$0x2] =	stream.linear.gather [hbm4b:s0+s2], $0x80, $0x38;
	[tilespmem:$0x10200] =	vst v63  }
0xc4: {  	s0 =	sand.u32 $0x1FFFFFF0, s21  }
0xc5: {  	s22 =	sadd.s32 $0x8380, s14;
	s0 =	sadd.s32 s3, s0;
	s25 =	spop (v2sf);
	(v2sf) =	vpush v0, $0x9  }
0xc6: {  	[tilespmem:s22], [sflag:$0x2] =	stream.linear.gather [hbm4b:s0+s2], $0x80, $0x38;
	[tilespmem:$0x10200] =	vst v63  }
0xc7: {  	s0 =	sand.u32 $0x1FFFFFF0, s23;
	s28 =	spop (v2sf);
	(v2sf) =	vpush v0, $0xA  }
0xc8: {  	s24 =	sadd.s32 $0x8400, s14;
	s0 =	sadd.s32 s3, s0  }
0xc9: {  	[tilespmem:s24], [sflag:$0x2] =	stream.linear.gather [hbm4b:s0+s2], $0x80, $0x38;
	[tilespmem:$0x10200] =	vst v63  }
0xca: {  	s0 =	sand.u32 $0x1FFFFFF0, s25;
	s30 =	spop (v2sf);
	(v2sf) =	vpush v0, $0xB  }
0xcb: {  	s26 =	sadd.s32 $0x8480, s14;
	s0 =	sadd.s32 s3, s0  }
0xcc: {  	[tilespmem:s26], [sflag:$0x2] =	stream.linear.gather [hbm4b:s0+s2], $0x80, $0x38;
	[tilespmem:$0x10200] =	vst v63  }
0xcd: {  	s0 =	sand.u32 $0x1FFFFFF0, s28  }
0xce: {  	s29 =	sadd.s32 $0x8500, s14;
	s0 =	sadd.s32 s3, s0;
	s10 =	spop (v2sf)  }
0xcf: {  	(v2sf) =	vpush v0, $0xC;
	[tilespmem:s29], [sflag:$0x2] =	stream.linear.gather [hbm4b:s0+s2], $0x80, $0x38;
	[tilespmem:$0x10200] =	vst v63  }
0xd0: {  	s0 =	sand.u32 $0x1FFFFFF0, s30  }
0xd1: {  	s31 =	sadd.s32 $0x8580, s14;
	s0 =	sadd.s32 s3, s0  }
0xd2: {  	[tilespmem:s31], [sflag:$0x2] =	stream.linear.gather [hbm4b:s0+s2], $0x80, $0x38;
	[tilespmem:$0x10200] =	vst v63  }
0xd3: {  	s0 =	sand.u32 $0x1FFFFFF0, s10  }
0xd4: {  	s12 =	sadd.s32 $0x8600, s14;
	s0 =	sadd.s32 s3, s0;
	s15 =	spop (v2sf);
	(v2sf) =	vpush v0, $0xD  }
0xd5: {  	[tilespmem:s12], [sflag:$0x2] =	stream.linear.gather [hbm4b:s0+s2], $0x80, $0x38;
	[tilespmem:$0x10200] =	vst v63  }
0xd6: {  	s0 =	sand.u32 $0x1FFFFFF0, s15;
	s17 =	spop (v2sf);
	(v2sf) =	vpush v0, $0xE  }
0xd7: {  	s16 =	sadd.s32 $0x8680, s14;
	s0 =	sadd.s32 s3, s0  }
0xd8: {  	[tilespmem:s16], [sflag:$0x2] =	stream.linear.gather [hbm4b:s0+s2], $0x80, $0x38;
	[tilespmem:$0x10200] =	vst v63  }
0xd9: {  	s19 =	spop (v2sf);
	(v2sf) =	vpush v0, $0xF  }
0xda: {  	s0 =	sand.u32 $0x1FFFFFF0, s17  }
0xdb: {  	s18 =	sadd.s32 $0x8700, s14;
	s0 =	sadd.s32 s3, s0  }
0xdc: {  	[tilespmem:s18], [sflag:$0x2] =	stream.linear.gather [hbm4b:s0+s2], $0x80, $0x38;
	[tilespmem:$0x10200] =	vst v63  }
0xdd: {  	s0 =	sand.u32 $0x1FFFFFF0, s19  }
0xde: {  	s20 =	sadd.s32 $0x8780, s14;
	s21 =	spop (v2sf);
	s0 =	sadd.s32 s3, s0  }
0xdf: {  	[tilespmem:s20], [sflag:$0x2] =	stream.linear.gather [hbm4b:s0+s2], $0x80, $0x38;
	[tilespmem:$0x10200] =	vst v63  }
0xe0: {  	s0 =	sand.u32 $0x1FFFFFF0, s21  }
0xe1: {  	s22 =	sadd.s32 $0x8800, s14;
	s0 =	sadd.s32 s3, s0  }
0xe2: {  	[tilespmem:s22], [sflag:$0x2] =	stream.linear.gather [hbm4b:s0+s2], $0x80, $0x38;
	[tilespmem:$0x10200] =	vst v63  }
0xe3: {  	s23 =	spop (v2sf)  }
0xe4: {  	s0 =	sand.u32 $0x1FFFFFF0, s23  }
0xe5: {  	s24 =	sadd.s32 $0x8880, s14;
	s25 =	spop (v2sf);
	s0 =	sadd.s32 s3, s0  }
0xe6: {  	[tilespmem:s24], [sflag:$0x2] =	stream.linear.gather [hbm4b:s0+s2], $0x80, $0x38;
	[tilespmem:$0x10200] =	vst v63  }
0xe7: {  	s0 =	sand.u32 $0x1FFFFFF0, s25  }
0xe8: {  	s26 =	sadd.s32 $0x8900, s14;
	s28 =	spop (v2sf);
	s0 =	sadd.s32 s3, s0  }
0xe9: {  	[tilespmem:s26], [sflag:$0x2] =	stream.linear.gather [hbm4b:s0+s2], $0x80, $0x38;
	[tilespmem:$0x10200] =	vst v63  }
0xea: {  	s0 =	sand.u32 $0x1FFFFFF0, s28  }
0xeb: {  	s29 =	sadd.s32 $0x8980, s14;
	s0 =	sadd.s32 s3, s0  }
0xec: {  	[tilespmem:s29], [sflag:$0x2] =	stream.linear.gather [hbm4b:s0+s2], $0x80, $0x38;
	[tilespmem:$0x10200] =	vst v63  }
0xed: {  	_ =	swait.ge [sflag:s9], $0x8000  }
0xee: {  	[sflag:s9] =	ssyncset.done $0x0  }
0xef: {  	s30 =	simm.s32 $0x200;
	[sflag:s9] =	ssyncadd.s32 $0xFFFF8000  }
0xf0: {  	[hbm4b:s5+s2] =	stream.linear.scatter [tilespmem:s30], [sflag:$0x3], $0x8000, $0x38;
	[tilespmem:$0x10200] =	vst v63  }
0xf1: {  	_ =	swait.ge [sflag:s8], $0x8000  }
0xf2: {  	[sflag:s8] =	ssyncset.done $0x0  }
0xf3: {  	[sflag:s8] =	ssyncadd.s32 $0xFFFF8000  }
0xf4: {  	s13 =	sadd.s32 $0x1, s13;
	_ =	swait.ge [sflag:s11], $0x8000  }
0xf5: {  	p0 =	sne.s32 s13, s7;
	[sflag:s11] =	ssyncset.done $0x0  }
.Ltmp2:
0xf6: {  	s31 =	simm.s32 $0x8200;
	[sflag:s11] =	ssyncadd.s32 $0xFFFF8000;
	(pc) =	sbr.rel @p0 .LBB2_1-.Ltmp2, $4  }
0xf7: {  	[hbm4b:s6+s2] =	stream.linear.scatter [tilespmem:s31], [sflag:$0x3], $0x8000, $0x38;
	[tilespmem:$0x10200] =	vst v63  }
0xf8: {  	_ =	swait.ge [sflag:s8], $0x8000  }
0xf9: {  	[sflag:s8] =	ssyncset.done $0x0  }
0xfa: {  	[sflag:s8] =	ssyncadd.s32 $0xFFFF8000  }
0xfb: {  	_ =	sfence.sel $0x180000  }
0xfc: {  	[bflag:$0x0] =	sbarrier.arrive $0xFFFF  }
0xfd: {  	_ =	strace $0x9000004A  }
0xfe: {  	s0 =	stileid.u32;
	[bflag:$0x2] =	sbarrier.arrive $0xFFFF  }
0xff: {  	p0 =	sne.s32 s0, $0x0;
	s0 =	rddreg [dreg:$0x2]  }
0x100: {  	s0 =	sadd.s32 @!p0 $0x100000, s0  }
0x101: {  	[sflag:s0] =	ssyncadd.tile.s32 @!p0 $0x1;
	_ =	shalt  }
.Lfunc_end2:
_tile_overlayer_lowered:
.L_overlay_start_2:
0x102: {  	(tag) =	ssettag $0x2  }
0x103: {  	s0 =	rddreg [dreg:$0x0];
	s2 =	stileid.u32  }
0x104: {  	s1 =	rddreg [dreg:$0x1];
	p0 =	sne.s32 s2, $0x0  }
0x105: {  	s3 =	rddreg [dreg:$0x2];
	[bflag:$0x3] =	sbarrier.arrive $0xFFFF;
	s2 =	simm.s32 @!p0 $0x1C03  }
0x106: {  	[timem:s3], [sflag:s2] =	dma.local @!p0 [hbm:s0], s1  }
0x107: {  	s0 =	simm.s32 @!p0 $0x3  }
0x108: {  	_ =	swait.ge @!p0 [sflag:s0], s1  }
0x109: {  	s1 =	ssub.s32 @!p0 $0x0, s1;
	[sflag:s0] =	ssyncset.done @!p0 $0x0  }
0x10a: {  	[sflag:s0] =	ssyncadd.s32 @!p0 s1  }
0x10b: {  	[bflag:$0x3] =	sbarrier.arrive $0xFFFF  }
0x10c: {  	_ =	shalt  }

</sc_bundles>
